<compile_context>
chip_gen: v7x
topology: tpu7x:2x2x1
jax: 0.10.2.dev20260603
libtpu: 0.0.44.dev20260713+nightly
codegen_flags: <defaults>
</compile_context>

<pallas_src>
import jax
import jax.numpy as jnp
from jax import lax
from jax.experimental import pallas as pl
from jax.experimental.pallas import tpu as pltpu
from jax.experimental.pallas import tpu_sc as plsc

B, L, D = 4096, 200, 128
N = B * L
NC, NS, LANES = 2, 16, 16
NW = NC * NS
ROWS_PER_W = N // NW
CHUNK = 128
NB = 4
NCHUNK = ROWS_PER_W // CHUNK
IDX_W = 128
GPC = CHUNK // IDX_W
SCALE = float(D) ** 0.5


def _body(src_hbm, idx_hbm, tbl_hbm, out_hbm, idx_v, *rest):
    bufs = rest[:NB]
    sem_l = rest[NB:2 * NB]
    sem_g = rest[2 * NB:3 * NB]
    sem_s = rest[3 * NB:4 * NB]
    wid = lax.axis_index("s") * NC + lax.axis_index("c")
    base = wid * ROWS_PER_W

    pltpu.sync_copy(
        idx_hbm.at[pl.ds(wid * (ROWS_PER_W // IDX_W), ROWS_PER_W // IDX_W), :],
        idx_v)

    def src_slice(c):
        return src_hbm.at[pl.ds(base + c * CHUNK, CHUNK), :]

    def out_slice(c):
        return out_hbm.at[pl.ds(base + c * CHUNK, CHUNK), :]

    def scale_buf(buf):
        @plsc.parallel_loop(0, CHUNK, step=1, unroll=4)
        def _(i):
            for j in range(D // LANES):
                sl = pl.ds(j * LANES, LANES)
                buf[i, sl] = buf[i, sl] * SCALE

    def chunk_body(c, b, first):
        buf = bufs[b]
        p = (b - 1) % NB
        pltpu.make_async_copy(src_slice(c), buf, sem_l[b]).wait()
        scale_buf(buf)
        gadds = [
            pltpu.async_copy(
                tbl_hbm.at[idx_v.at[c * GPC + g]],
                buf.at[pl.ds(g * IDX_W, IDX_W), :],
                sem_g[b],
                add=True,
            )
            for g in range(GPC)
        ]
        if not first:
            pltpu.make_async_copy(bufs[p], out_slice(c - 1), sem_s[p]).wait()

        def prefetch():
            pltpu.async_copy(src_slice(c + NB - 1), bufs[p], sem_l[p])

        has_next = c + NB - 1 < NCHUNK
        if isinstance(has_next, bool):
            if has_next:
                prefetch()
        else:
            pl.when(has_next)(prefetch)
        for cp in gadds:
            cp.wait()
        pltpu.async_copy(buf, out_slice(c), sem_s[b])

    for c in range(NB - 1):
        pltpu.async_copy(src_slice(c), bufs[c], sem_l[c])
    for c in range(NB):
        chunk_body(c, c, first=(c == 0))

    def super_step(k, carry):
        for j in range(NB):
            chunk_body(NB * k + j, j, first=False)
        return carry

    lax.fori_loop(1, NCHUNK // NB, super_step, 0)
    pltpu.make_async_copy(
        bufs[(NCHUNK - 1) % NB], out_slice(NCHUNK - 1), sem_s[(NCHUNK - 1) % NB]
    ).wait()


_sc_call = pl.kernel(
    _body,
    out_type=jax.ShapeDtypeStruct((N, D), jnp.float32),
    mesh=plsc.VectorSubcoreMesh(core_axis_name="c", subcore_axis_name="s"),
    scratch_types=(
        [pltpu.VMEM((ROWS_PER_W // IDX_W, IDX_W), jnp.int32)]
        + [pltpu.VMEM((CHUNK, D), jnp.float32) for _ in range(NB)]
        + [pltpu.SemaphoreType.DMA for _ in range(3 * NB)]
    ),
)


@jax.jit
def kernel(src_word, src_pos, emb_table):
    src2 = src_word.reshape(N, D)
    idx = src_pos.astype(jnp.int32).reshape(N // IDX_W, IDX_W)
    out = _sc_call(src2, idx, emb_table)
    return out.reshape(B, L, D)

# --- scband reference (transcript-rebuilt; emitter-appended) ---
"""Pipeline reference for scband-prepare-encoder-48713519071744 (READ-ONLY COPY).

The authoritative reference and input builder live on the scoring server;
editing this copy changes nothing except your own understanding.
"""

import jax, jax.numpy as jnp
import numpy as np

B, L, D = 4096, 200, 128
SRC_MAX_LEN = 1024

def setup_inputs(seed: int = 0) -> dict:
    key = jax.random.key(seed)
    k1, k2, k3 = jax.random.split(key, 3)
    src_word = jax.random.normal(k1, (B, L, D), dtype=jnp.float32)
    src_pos = jax.random.randint(k2, (B, L, 1), 0, SRC_MAX_LEN, dtype=jnp.int64)
    emb_table = jax.random.normal(k3, (SRC_MAX_LEN, D), dtype=jnp.float32) * 0.02
    return {"src_word": src_word, "src_pos": src_pos, "emb_table": emb_table}

def reference(src_word, src_pos, emb_table):
    # src_word_emb = src_word.to(float32) * sqrt(src_emb_dim)
    src_word_emb = src_word.astype(jnp.float32) * (D ** 0.5)
    # src_pos = squeeze(src_pos, dim=-1)
    pos = jnp.squeeze(src_pos, axis=-1)
    # positional embedding lookup (gather)
    src_pos_enc = jnp.take(emb_table, pos, axis=0)
    # .detach() in torch is not assigned, so it has no effect on forward
    enc_input = src_word_emb + src_pos_enc
    # dropout_rate == 0 -> identity
    return enc_input

if __name__ == "__main__":
    import jax
    _d = setup_inputs()
    print(jax.jit(kernel)(*tuple(_d.values())))

</pallas_src>

<mosaic_0001>
#map = affine_map<(d0, d1) -> (0, 0)>
module attributes {stable_mosaic.version = 14 : i64} {
  func.func @_body(%arg0: i32, %arg1: i32, %arg2: memref<819200x128xf32, #tpu.memory_space<hbm>>, %arg3: memref<6400x128xi32, #tpu.memory_space<hbm>>, %arg4: memref<1024x128xf32, #tpu.memory_space<hbm>>, %arg5: memref<819200x128xf32, #tpu.memory_space<hbm>>, %arg6: memref<200x128xi32, #tpu.memory_space<vmem>>, %arg7: memref<128x128xf32, #tpu.memory_space<vmem>>, %arg8: memref<128x128xf32, #tpu.memory_space<vmem>>, %arg9: memref<128x128xf32, #tpu.memory_space<vmem>>, %arg10: memref<128x128xf32, #tpu.memory_space<vmem>>, %arg11: memref<!tpu.dma_semaphore, #tpu.memory_space<semaphore_mem>>, %arg12: memref<!tpu.dma_semaphore, #tpu.memory_space<semaphore_mem>>, %arg13: memref<!tpu.dma_semaphore, #tpu.memory_space<semaphore_mem>>, %arg14: memref<!tpu.dma_semaphore, #tpu.memory_space<semaphore_mem>>, %arg15: memref<!tpu.dma_semaphore, #tpu.memory_space<semaphore_mem>>, %arg16: memref<!tpu.dma_semaphore, #tpu.memory_space<semaphore_mem>>, %arg17: memref<!tpu.dma_semaphore, #tpu.memory_space<semaphore_mem>>, %arg18: memref<!tpu.dma_semaphore, #tpu.memory_space<semaphore_mem>>, %arg19: memref<!tpu.dma_semaphore, #tpu.memory_space<semaphore_mem>>, %arg20: memref<!tpu.dma_semaphore, #tpu.memory_space<semaphore_mem>>, %arg21: memref<!tpu.dma_semaphore, #tpu.memory_space<semaphore_mem>>, %arg22: memref<!tpu.dma_semaphore, #tpu.memory_space<semaphore_mem>>) attributes {dimension_semantics = [#tpu.dimension_semantics<core_parallel>, #tpu.dimension_semantics<subcore_parallel>], iteration_bounds = array<i64: 2, 16>, scalar_prefetch = 0 : i64, scratch_operands = 17 : i64, tpu.core_type = #tpu.core_type<sc_vector_subcore>, window_params = [{transform_indices = #map}, {transform_indices = #map}, {transform_indices = #map}, {transform_indices = #map}]} {
    %mul3A = arith.constant 2 : i32
    %mul3A_0 = arith.muli %arg1, %mul3A : i32
    %add3A = arith.addi %mul3A_0, %arg0 : i32
    %mul3A_1 = arith.constant 25600 : i32
    %mul3A_2 = arith.muli %add3A, %mul3A_1 : i32
    %mul3A_3 = arith.constant 200 : i32
    %mul3A_4 = arith.muli %add3A, %mul3A_3 : i32
    "tpu.region"() ({
      %run_scoped3A = tpu.sem_alloc : memref<!tpu.dma_semaphore, #tpu.memory_space<semaphore_mem>>
      %dma_start3A_213 = arith.constant 0 : i32
      %dma_start3A_214 = tpu.memref_slice %arg3[%mul3A_4, %dma_start3A_213] : memref<6400x128xi32, #tpu.memory_space<hbm>> -> memref<200x128xi32, #tpu.memory_space<hbm>>
      %dma_start3A_215 = arith.constant 0 : i32
      %dma_start3A_216 = tpu.memref_slice %arg3[%mul3A_4, %dma_start3A_215] : memref<6400x128xi32, #tpu.memory_space<hbm>> -> memref<200x128xi32, #tpu.memory_space<hbm>>
      tpu.enqueue_dma source(%dma_start3A_216 : memref<200x128xi32, #tpu.memory_space<hbm>>) target(%arg6 : memref<200x128xi32, #tpu.memory_space<vmem>>) target_semaphore(%run_scoped3A : memref<!tpu.dma_semaphore, #tpu.memory_space<semaphore_mem>>)
      %dma_wait3A_217 = arith.constant 0 : i32
      %dma_wait3A_218 = tpu.memref_slice %arg3[%mul3A_4, %dma_wait3A_217] : memref<6400x128xi32, #tpu.memory_space<hbm>> -> memref<200x128xi32, #tpu.memory_space<hbm>>
      %dma_wait3A_219 = arith.constant 0 : i32
      %dma_wait3A_220 = tpu.memref_slice %arg3[%mul3A_4, %dma_wait3A_219] : memref<6400x128xi32, #tpu.memory_space<hbm>> -> memref<200x128xi32, #tpu.memory_space<hbm>>
      tpu.wait_dma2 semaphore(%run_scoped3A : memref<!tpu.dma_semaphore, #tpu.memory_space<semaphore_mem>>) src(%dma_wait3A_220 : memref<200x128xi32, #tpu.memory_space<hbm>>) dst(%arg6 : memref<200x128xi32, #tpu.memory_space<vmem>>)
      tpu.yield
    }) : () -> ()
    %add3A_5 = arith.constant 0 : i32
    %add3A_6 = arith.addi %mul3A_2, %add3A_5 : i32
    %dma_start3A = arith.constant 0 : i32
    %dma_start3A_7 = tpu.memref_slice %arg2[%add3A_6, %dma_start3A] : memref<819200x128xf32, #tpu.memory_space<hbm>> -> memref<128x128xf32, #tpu.memory_space<hbm>>
    %dma_start3A_8 = arith.constant 0 : i32
    %dma_start3A_9 = tpu.memref_slice %arg2[%add3A_6, %dma_start3A_8] : memref<819200x128xf32, #tpu.memory_space<hbm>> -> memref<128x128xf32, #tpu.memory_space<hbm>>
    tpu.enqueue_dma source(%dma_start3A_9 : memref<128x128xf32, #tpu.memory_space<hbm>>) target(%arg7 : memref<128x128xf32, #tpu.memory_space<vmem>>) target_semaphore(%arg11 : memref<!tpu.dma_semaphore, #tpu.memory_space<semaphore_mem>>)
    %add3A_10 = arith.constant 128 : i32
    %add3A_11 = arith.addi %mul3A_2, %add3A_10 : i32
    %dma_start3A_12 = arith.constant 0 : i32
    %dma_start3A_13 = tpu.memref_slice %arg2[%add3A_11, %dma_start3A_12] : memref<819200x128xf32, #tpu.memory_space<hbm>> -> memref<128x128xf32, #tpu.memory_space<hbm>>
    %dma_start3A_14 = arith.constant 0 : i32
    %dma_start3A_15 = tpu.memref_slice %arg2[%add3A_11, %dma_start3A_14] : memref<819200x128xf32, #tpu.memory_space<hbm>> -> memref<128x128xf32, #tpu.memory_space<hbm>>
    tpu.enqueue_dma source(%dma_start3A_15 : memref<128x128xf32, #tpu.memory_space<hbm>>) target(%arg8 : memref<128x128xf32, #tpu.memory_space<vmem>>) target_semaphore(%arg12 : memref<!tpu.dma_semaphore, #tpu.memory_space<semaphore_mem>>)
    %add3A_16 = arith.constant 256 : i32
    %add3A_17 = arith.addi %mul3A_2, %add3A_16 : i32
    %dma_start3A_18 = arith.constant 0 : i32
    %dma_start3A_19 = tpu.memref_slice %arg2[%add3A_17, %dma_start3A_18] : memref<819200x128xf32, #tpu.memory_space<hbm>> -> memref<128x128xf32, #tpu.memory_space<hbm>>
    %dma_start3A_20 = arith.constant 0 : i32
    %dma_start3A_21 = tpu.memref_slice %arg2[%add3A_17, %dma_start3A_20] : memref<819200x128xf32, #tpu.memory_space<hbm>> -> memref<128x128xf32, #tpu.memory_space<hbm>>
    tpu.enqueue_dma source(%dma_start3A_21 : memref<128x128xf32, #tpu.memory_space<hbm>>) target(%arg9 : memref<128x128xf32, #tpu.memory_space<vmem>>) target_semaphore(%arg13 : memref<!tpu.dma_semaphore, #tpu.memory_space<semaphore_mem>>)
    %add3A_22 = arith.constant 0 : i32
    %add3A_23 = arith.addi %mul3A_2, %add3A_22 : i32
    %dma_wait3A = arith.constant 0 : i32
    %dma_wait3A_24 = tpu.memref_slice %arg2[%add3A_23, %dma_wait3A] : memref<819200x128xf32, #tpu.memory_space<hbm>> -> memref<128x128xf32, #tpu.memory_space<hbm>>
    %dma_wait3A_25 = arith.constant 0 : i32
    %dma_wait3A_26 = tpu.memref_slice %arg2[%add3A_23, %dma_wait3A_25] : memref<819200x128xf32, #tpu.memory_space<hbm>> -> memref<128x128xf32, #tpu.memory_space<hbm>>
    tpu.wait_dma2 semaphore(%arg11 : memref<!tpu.dma_semaphore, #tpu.memory_space<semaphore_mem>>) src(%dma_wait3A_26 : memref<128x128xf32, #tpu.memory_space<hbm>>) dst(%arg7 : memref<128x128xf32, #tpu.memory_space<vmem>>)
    %parallel_loop3A = arith.constant 0 : i32
    %parallel_loop3A_27 = arith.constant 128 : i32
    %parallel_loop3A_28 = arith.constant 1 : i32
    scf.for %parallel_loop3A_213 = %parallel_loop3A to %parallel_loop3A_27 step %parallel_loop3A_28  : i32 {
      %parallel_loop3A_214 = arith.index_cast %parallel_loop3A_213 : i32 to index
      %parallel_loop3A_215 = arith.constant 0 : index
      %parallel_loop3A_216 = tpu.vector_load %arg7[%parallel_loop3A_214, %parallel_loop3A_215] {strides = array<i32>} : memref<128x128xf32, #tpu.memory_space<vmem>>, vector<1x16xf32>,
      %parallel_loop3A_217 = vector.shape_cast %parallel_loop3A_216 : vector<1x16xf32> to vector<16xf32>
      %parallel_loop3A_218 = arith.constant 11.3137083 : f32
      %parallel_loop3A_219 = vector.broadcast %parallel_loop3A_218 : f32 to vector<16xf32>
      %parallel_loop3A_220 = arith.mulf %parallel_loop3A_217, %parallel_loop3A_219 : vector<16xf32>
      %parallel_loop3A_221 = arith.index_cast %parallel_loop3A_213 : i32 to index
      %parallel_loop3A_222 = arith.constant 0 : index
      %parallel_loop3A_223 = tpu.vector_load %arg7[%parallel_loop3A_221, %parallel_loop3A_222] {strides = array<i32>} : memref<128x128xf32, #tpu.memory_space<vmem>>, vector<1x16xf32>,
      %parallel_loop3A_224 = vector.shape_cast %parallel_loop3A_223 : vector<1x16xf32> to vector<16xf32>
      %parallel_loop3A_225 = vector.shape_cast %parallel_loop3A_220 : vector<16xf32> to vector<1x16xf32>
      tpu.vector_store %arg7[%parallel_loop3A_221, %parallel_loop3A_222], %parallel_loop3A_225 {strides = array<i32>} : memref<128x128xf32, #tpu.memory_space<vmem>>, vector<1x16xf32>,
      %parallel_loop3A_226 = arith.index_cast %parallel_loop3A_213 : i32 to index
      %parallel_loop3A_227 = arith.constant 16 : index
      %parallel_loop3A_228 = tpu.vector_load %arg7[%parallel_loop3A_226, %parallel_loop3A_227] {strides = array<i32>} : memref<128x128xf32, #tpu.memory_space<vmem>>, vector<1x16xf32>,
      %parallel_loop3A_229 = vector.shape_cast %parallel_loop3A_228 : vector<1x16xf32> to vector<16xf32>
      %parallel_loop3A_230 = arith.constant 11.3137083 : f32
      %parallel_loop3A_231 = vector.broadcast %parallel_loop3A_230 : f32 to vector<16xf32>
      %parallel_loop3A_232 = arith.mulf %parallel_loop3A_229, %parallel_loop3A_231 : vector<16xf32>
      %parallel_loop3A_233 = arith.index_cast %parallel_loop3A_213 : i32 to index
      %parallel_loop3A_234 = arith.constant 16 : index
      %parallel_loop3A_235 = tpu.vector_load %arg7[%parallel_loop3A_233, %parallel_loop3A_234] {strides = array<i32>} : memref<128x128xf32, #tpu.memory_space<vmem>>, vector<1x16xf32>,
      %parallel_loop3A_236 = vector.shape_cast %parallel_loop3A_235 : vector<1x16xf32> to vector<16xf32>
      %parallel_loop3A_237 = vector.shape_cast %parallel_loop3A_232 : vector<16xf32> to vector<1x16xf32>
      tpu.vector_store %arg7[%parallel_loop3A_233, %parallel_loop3A_234], %parallel_loop3A_237 {strides = array<i32>} : memref<128x128xf32, #tpu.memory_space<vmem>>, vector<1x16xf32>,
      %parallel_loop3A_238 = arith.index_cast %parallel_loop3A_213 : i32 to index
      %parallel_loop3A_239 = arith.constant 32 : index
      %parallel_loop3A_240 = tpu.vector_load %arg7[%parallel_loop3A_238, %parallel_loop3A_239] {strides = array<i32>} : memref<128x128xf32, #tpu.memory_space<vmem>>, vector<1x16xf32>,
      %parallel_loop3A_241 = vector.shape_cast %parallel_loop3A_240 : vector<1x16xf32> to vector<16xf32>
      %parallel_loop3A_242 = arith.constant 11.3137083 : f32
      %parallel_loop3A_243 = vector.broadcast %parallel_loop3A_242 : f32 to vector<16xf32>
      %parallel_loop3A_244 = arith.mulf %parallel_loop3A_241, %parallel_loop3A_243 : vector<16xf32>
      %parallel_loop3A_245 = arith.index_cast %parallel_loop3A_213 : i32 to index
      %parallel_loop3A_246 = arith.constant 32 : index
      %parallel_loop3A_247 = tpu.vector_load %arg7[%parallel_loop3A_245, %parallel_loop3A_246] {strides = array<i32>} : memref<128x128xf32, #tpu.memory_space<vmem>>, vector<1x16xf32>,
      %parallel_loop3A_248 = vector.shape_cast %parallel_loop3A_247 : vector<1x16xf32> to vector<16xf32>
      %parallel_loop3A_249 = vector.shape_cast %parallel_loop3A_244 : vector<16xf32> to vector<1x16xf32>
      tpu.vector_store %arg7[%parallel_loop3A_245, %parallel_loop3A_246], %parallel_loop3A_249 {strides = array<i32>} : memref<128x128xf32, #tpu.memory_space<vmem>>, vector<1x16xf32>,
      %parallel_loop3A_250 = arith.index_cast %parallel_loop3A_213 : i32 to index
      %parallel_loop3A_251 = arith.constant 48 : index
      %parallel_loop3A_252 = tpu.vector_load %arg7[%parallel_loop3A_250, %parallel_loop3A_251] {strides = array<i32>} : memref<128x128xf32, #tpu.memory_space<vmem>>, vector<1x16xf32>,
      %parallel_loop3A_253 = vector.shape_cast %parallel_loop3A_252 : vector<1x16xf32> to vector<16xf32>
      %parallel_loop3A_254 = arith.constant 11.3137083 : f32
      %parallel_loop3A_255 = vector.broadcast %parallel_loop3A_254 : f32 to vector<16xf32>
      %parallel_loop3A_256 = arith.mulf %parallel_loop3A_253, %parallel_loop3A_255 : vector<16xf32>
      %parallel_loop3A_257 = arith.index_cast %parallel_loop3A_213 : i32 to index
      %parallel_loop3A_258 = arith.constant 48 : index
      %parallel_loop3A_259 = tpu.vector_load %arg7[%parallel_loop3A_257, %parallel_loop3A_258] {strides = array<i32>} : memref<128x128xf32, #tpu.memory_space<vmem>>, vector<1x16xf32>,
      %parallel_loop3A_260 = vector.shape_cast %parallel_loop3A_259 : vector<1x16xf32> to vector<16xf32>
      %parallel_loop3A_261 = vector.shape_cast %parallel_loop3A_256 : vector<16xf32> to vector<1x16xf32>
      tpu.vector_store %arg7[%parallel_loop3A_257, %parallel_loop3A_258], %parallel_loop3A_261 {strides = array<i32>} : memref<128x128xf32, #tpu.memory_space<vmem>>, vector<1x16xf32>,
      %parallel_loop3A_262 = arith.index_cast %parallel_loop3A_213 : i32 to index
      %parallel_loop3A_263 = arith.constant 64 : index
      %parallel_loop3A_264 = tpu.vector_load %arg7[%parallel_loop3A_262, %parallel_loop3A_263] {strides = array<i32>} : memref<128x128xf32, #tpu.memory_space<vmem>>, vector<1x16xf32>,
      %parallel_loop3A_265 = vector.shape_cast %parallel_loop3A_264 : vector<1x16xf32> to vector<16xf32>
      %parallel_loop3A_266 = arith.constant 11.3137083 : f32
      %parallel_loop3A_267 = vector.broadcast %parallel_loop3A_266 : f32 to vector<16xf32>
      %parallel_loop3A_268 = arith.mulf %parallel_loop3A_265, %parallel_loop3A_267 : vector<16xf32>
      %parallel_loop3A_269 = arith.index_cast %parallel_loop3A_213 : i32 to index
      %parallel_loop3A_270 = arith.constant 64 : index
      %parallel_loop3A_271 = tpu.vector_load %arg7[%parallel_loop3A_269, %parallel_loop3A_270] {strides = array<i32>} : memref<128x128xf32, #tpu.memory_space<vmem>>, vector<1x16xf32>,
      %parallel_loop3A_272 = vector.shape_cast %parallel_loop3A_271 : vector<1x16xf32> to vector<16xf32>
      %parallel_loop3A_273 = vector.shape_cast %parallel_loop3A_268 : vector<16xf32> to vector<1x16xf32>
      tpu.vector_store %arg7[%parallel_loop3A_269, %parallel_loop3A_270], %parallel_loop3A_273 {strides = array<i32>} : memref<128x128xf32, #tpu.memory_space<vmem>>, vector<1x16xf32>,
      %parallel_loop3A_274 = arith.index_cast %parallel_loop3A_213 : i32 to index
      %parallel_loop3A_275 = arith.constant 80 : index
      %parallel_loop3A_276 = tpu.vector_load %arg7[%parallel_loop3A_274, %parallel_loop3A_275] {strides = array<i32>} : memref<128x128xf32, #tpu.memory_space<vmem>>, vector<1x16xf32>,
      %parallel_loop3A_277 = vector.shape_cast %parallel_loop3A_276 : vector<1x16xf32> to vector<16xf32>
      %parallel_loop3A_278 = arith.constant 11.3137083 : f32
      %parallel_loop3A_279 = vector.broadcast %parallel_loop3A_278 : f32 to vector<16xf32>
      %parallel_loop3A_280 = arith.mulf %parallel_loop3A_277, %parallel_loop3A_279 : vector<16xf32>
      %parallel_loop3A_281 = arith.index_cast %parallel_loop3A_213 : i32 to index
      %parallel_loop3A_282 = arith.constant 80 : index
      %parallel_loop3A_283 = tpu.vector_load %arg7[%parallel_loop3A_281, %parallel_loop3A_282] {strides = array<i32>} : memref<128x128xf32, #tpu.memory_space<vmem>>, vector<1x16xf32>,
      %parallel_loop3A_284 = vector.shape_cast %parallel_loop3A_283 : vector<1x16xf32> to vector<16xf32>
      %parallel_loop3A_285 = vector.shape_cast %parallel_loop3A_280 : vector<16xf32> to vector<1x16xf32>
      tpu.vector_store %arg7[%parallel_loop3A_281, %parallel_loop3A_282], %parallel_loop3A_285 {strides = array<i32>} : memref<128x128xf32, #tpu.memory_space<vmem>>, vector<1x16xf32>,
      %parallel_loop3A_286 = arith.index_cast %parallel_loop3A_213 : i32 to index
      %parallel_loop3A_287 = arith.constant 96 : index
      %parallel_loop3A_288 = tpu.vector_load %arg7[%parallel_loop3A_286, %parallel_loop3A_287] {strides = array<i32>} : memref<128x128xf32, #tpu.memory_space<vmem>>, vector<1x16xf32>,
      %parallel_loop3A_289 = vector.shape_cast %parallel_loop3A_288 : vector<1x16xf32> to vector<16xf32>
      %parallel_loop3A_290 = arith.constant 11.3137083 : f32
      %parallel_loop3A_291 = vector.broadcast %parallel_loop3A_290 : f32 to vector<16xf32>
      %parallel_loop3A_292 = arith.mulf %parallel_loop3A_289, %parallel_loop3A_291 : vector<16xf32>
      %parallel_loop3A_293 = arith.index_cast %parallel_loop3A_213 : i32 to index
      %parallel_loop3A_294 = arith.constant 96 : index
      %parallel_loop3A_295 = tpu.vector_load %arg7[%parallel_loop3A_293, %parallel_loop3A_294] {strides = array<i32>} : memref<128x128xf32, #tpu.memory_space<vmem>>, vector<1x16xf32>,
      %parallel_loop3A_296 = vector.shape_cast %parallel_loop3A_295 : vector<1x16xf32> to vector<16xf32>
      %parallel_loop3A_297 = vector.shape_cast %parallel_loop3A_292 : vector<16xf32> to vector<1x16xf32>
      tpu.vector_store %arg7[%parallel_loop3A_293, %parallel_loop3A_294], %parallel_loop3A_297 {strides = array<i32>} : memref<128x128xf32, #tpu.memory_space<vmem>>, vector<1x16xf32>,
      %parallel_loop3A_298 = arith.index_cast %parallel_loop3A_213 : i32 to index
      %parallel_loop3A_299 = arith.constant 112 : index
      %parallel_loop3A_300 = tpu.vector_load %arg7[%parallel_loop3A_298, %parallel_loop3A_299] {strides = array<i32>} : memref<128x128xf32, #tpu.memory_space<vmem>>, vector<1x16xf32>,
      %parallel_loop3A_301 = vector.shape_cast %parallel_loop3A_300 : vector<1x16xf32> to vector<16xf32>
      %parallel_loop3A_302 = arith.constant 11.3137083 : f32
      %parallel_loop3A_303 = vector.broadcast %parallel_loop3A_302 : f32 to vector<16xf32>
      %parallel_loop3A_304 = arith.mulf %parallel_loop3A_301, %parallel_loop3A_303 : vector<16xf32>
      %parallel_loop3A_305 = arith.index_cast %parallel_loop3A_213 : i32 to index
      %parallel_loop3A_306 = arith.constant 112 : index
      %parallel_loop3A_307 = tpu.vector_load %arg7[%parallel_loop3A_305, %parallel_loop3A_306] {strides = array<i32>} : memref<128x128xf32, #tpu.memory_space<vmem>>, vector<1x16xf32>,
      %parallel_loop3A_308 = vector.shape_cast %parallel_loop3A_307 : vector<1x16xf32> to vector<16xf32>
      %parallel_loop3A_309 = vector.shape_cast %parallel_loop3A_304 : vector<16xf32> to vector<1x16xf32>
      tpu.vector_store %arg7[%parallel_loop3A_305, %parallel_loop3A_306], %parallel_loop3A_309 {strides = array<i32>} : memref<128x128xf32, #tpu.memory_space<vmem>>, vector<1x16xf32>,
    } {sc.loop_unroll_factor = 4 : i64, sc.parallel_access}
    %dma_start3A_29 = arith.constant 0 : i32
    %dma_start3A_30 = arith.constant 0 : i32
    %dma_start3A_31 = arith.constant 0 : i32
    %dma_start3A_32 = tpu.memref_slice %arg7[%dma_start3A_30, %dma_start3A_31] : memref<128x128xf32, #tpu.memory_space<vmem>> -> memref<128x128xf32, #tpu.memory_space<vmem>>
    %dma_start3A_33 = arith.constant 0 : i32
    %dma_start3A_34 = tpu.memref_slice %arg6[%dma_start3A_29, %dma_start3A_33] : memref<200x128xi32, #tpu.memory_space<vmem>> -> memref<1x128xi32, #tpu.memory_space<vmem>>
    %dma_start3A_35 = tpu.memref_squeeze %dma_start3A_34 : memref<1x128xi32, #tpu.memory_space<vmem>> -> memref<128xi32, #tpu.memory_space<vmem>>
    %dma_start3A_36 = arith.constant 0 : i32
    %dma_start3A_37 = arith.constant 0 : i32
    %dma_start3A_38 = tpu.memref_slice %arg4[%dma_start3A_36, %dma_start3A_37] : memref<1024x128xf32, #tpu.memory_space<hbm>> -> memref<1024x128xf32, #tpu.memory_space<hbm>>
    tpu.enqueue_indirect_dma source(%dma_start3A_38 : memref<1024x128xf32, #tpu.memory_space<hbm>>) target(%dma_start3A_32 : memref<128x128xf32, #tpu.memory_space<vmem>>) offsets(%dma_start3A_35 : memref<128xi32, #tpu.memory_space<vmem>>) semaphore(%arg15 : memref<!tpu.dma_semaphore, #tpu.memory_space<semaphore_mem>>) {add = true}
    %add3A_39 = arith.constant 384 : i32
    %add3A_40 = arith.addi %mul3A_2, %add3A_39 : i32
    %dma_start3A_41 = arith.constant 0 : i32
    %dma_start3A_42 = tpu.memref_slice %arg2[%add3A_40, %dma_start3A_41] : memref<819200x128xf32, #tpu.memory_space<hbm>> -> memref<128x128xf32, #tpu.memory_space<hbm>>
    %dma_start3A_43 = arith.constant 0 : i32
    %dma_start3A_44 = tpu.memref_slice %arg2[%add3A_40, %dma_start3A_43] : memref<819200x128xf32, #tpu.memory_space<hbm>> -> memref<128x128xf32, #tpu.memory_space<hbm>>
    tpu.enqueue_dma source(%dma_start3A_44 : memref<128x128xf32, #tpu.memory_space<hbm>>) target(%arg10 : memref<128x128xf32, #tpu.memory_space<vmem>>) target_semaphore(%arg14 : memref<!tpu.dma_semaphore, #tpu.memory_space<semaphore_mem>>)
    %dma_wait3A_45 = arith.constant 0 : i32
    %dma_wait3A_46 = arith.constant 0 : i32
    %dma_wait3A_47 = arith.constant 0 : i32
    %dma_wait3A_48 = tpu.memref_slice %arg7[%dma_wait3A_46, %dma_wait3A_47] : memref<128x128xf32, #tpu.memory_space<vmem>> -> memref<128x128xf32, #tpu.memory_space<vmem>>
    %dma_wait3A_49 = arith.constant 0 : i32
    %dma_wait3A_50 = tpu.memref_slice %arg6[%dma_wait3A_45, %dma_wait3A_49] : memref<200x128xi32, #tpu.memory_space<vmem>> -> memref<1x128xi32, #tpu.memory_space<vmem>>
    %dma_wait3A_51 = tpu.memref_squeeze %dma_wait3A_50 : memref<1x128xi32, #tpu.memory_space<vmem>> -> memref<128xi32, #tpu.memory_space<vmem>>
    %dma_wait3A_52 = arith.constant 0 : i32
    %dma_wait3A_53 = arith.constant 0 : i32
    %dma_wait3A_54 = tpu.memref_slice %arg4[%dma_wait3A_52, %dma_wait3A_53] : memref<1024x128xf32, #tpu.memory_space<hbm>> -> memref<1024x128xf32, #tpu.memory_space<hbm>>
    tpu.wait_indirect_dma semaphore(%arg15 : memref<!tpu.dma_semaphore, #tpu.memory_space<semaphore_mem>>) src(%dma_wait3A_54 : memref<1024x128xf32, #tpu.memory_space<hbm>>) dst(%dma_wait3A_48 : memref<128x128xf32, #tpu.memory_space<vmem>>)
    %add3A_55 = arith.constant 0 : i32
    %add3A_56 = arith.addi %mul3A_2, %add3A_55 : i32
    %dma_start3A_57 = arith.constant 0 : i32
    %dma_start3A_58 = tpu.memref_slice %arg5[%add3A_56, %dma_start3A_57] : memref<819200x128xf32, #tpu.memory_space<hbm>> -> memref<128x128xf32, #tpu.memory_space<hbm>>
    %dma_start3A_59 = arith.constant 0 : i32
    %dma_start3A_60 = tpu.memref_slice %arg5[%add3A_56, %dma_start3A_59] : memref<819200x128xf32, #tpu.memory_space<hbm>> -> memref<128x128xf32, #tpu.memory_space<hbm>>
    tpu.enqueue_dma source(%arg7 : memref<128x128xf32, #tpu.memory_space<vmem>>) target(%dma_start3A_60 : memref<128x128xf32, #tpu.memory_space<hbm>>) target_semaphore(%arg19 : memref<!tpu.dma_semaphore, #tpu.memory_space<semaphore_mem>>)
    %add3A_61 = arith.constant 128 : i32
    %add3A_62 = arith.addi %mul3A_2, %add3A_61 : i32
    %dma_wait3A_63 = arith.constant 0 : i32
    %dma_wait3A_64 = tpu.memref_slice %arg2[%add3A_62, %dma_wait3A_63] : memref<819200x128xf32, #tpu.memory_space<hbm>> -> memref<128x128xf32, #tpu.memory_space<hbm>>
    %dma_wait3A_65 = arith.constant 0 : i32
    %dma_wait3A_66 = tpu.memref_slice %arg2[%add3A_62, %dma_wait3A_65] : memref<819200x128xf32, #tpu.memory_space<hbm>> -> memref<128x128xf32, #tpu.memory_space<hbm>>
    tpu.wait_dma2 semaphore(%arg12 : memref<!tpu.dma_semaphore, #tpu.memory_space<semaphore_mem>>) src(%dma_wait3A_66 : memref<128x128xf32, #tpu.memory_space<hbm>>) dst(%arg8 : memref<128x128xf32, #tpu.memory_space<vmem>>)
    %parallel_loop3A_67 = arith.constant 0 : i32
    %parallel_loop3A_68 = arith.constant 128 : i32
    %parallel_loop3A_69 = arith.constant 1 : i32
    scf.for %parallel_loop3A_213 = %parallel_loop3A_67 to %parallel_loop3A_68 step %parallel_loop3A_69  : i32 {
      %parallel_loop3A_214 = arith.index_cast %parallel_loop3A_213 : i32 to index
      %parallel_loop3A_215 = arith.constant 0 : index
      %parallel_loop3A_216 = tpu.vector_load %arg8[%parallel_loop3A_214, %parallel_loop3A_215] {strides = array<i32>} : memref<128x128xf32, #tpu.memory_space<vmem>>, vector<1x16xf32>,
      %parallel_loop3A_217 = vector.shape_cast %parallel_loop3A_216 : vector<1x16xf32> to vector<16xf32>
      %parallel_loop3A_218 = arith.constant 11.3137083 : f32
      %parallel_loop3A_219 = vector.broadcast %parallel_loop3A_218 : f32 to vector<16xf32>
      %parallel_loop3A_220 = arith.mulf %parallel_loop3A_217, %parallel_loop3A_219 : vector<16xf32>
      %parallel_loop3A_221 = arith.index_cast %parallel_loop3A_213 : i32 to index
      %parallel_loop3A_222 = arith.constant 0 : index
      %parallel_loop3A_223 = tpu.vector_load %arg8[%parallel_loop3A_221, %parallel_loop3A_222] {strides = array<i32>} : memref<128x128xf32, #tpu.memory_space<vmem>>, vector<1x16xf32>,
      %parallel_loop3A_224 = vector.shape_cast %parallel_loop3A_223 : vector<1x16xf32> to vector<16xf32>
      %parallel_loop3A_225 = vector.shape_cast %parallel_loop3A_220 : vector<16xf32> to vector<1x16xf32>
      tpu.vector_store %arg8[%parallel_loop3A_221, %parallel_loop3A_222], %parallel_loop3A_225 {strides = array<i32>} : memref<128x128xf32, #tpu.memory_space<vmem>>, vector<1x16xf32>,
      %parallel_loop3A_226 = arith.index_cast %parallel_loop3A_213 : i32 to index
      %parallel_loop3A_227 = arith.constant 16 : index
      %parallel_loop3A_228 = tpu.vector_load %arg8[%parallel_loop3A_226, %parallel_loop3A_227] {strides = array<i32>} : memref<128x128xf32, #tpu.memory_space<vmem>>, vector<1x16xf32>,
      %parallel_loop3A_229 = vector.shape_cast %parallel_loop3A_228 : vector<1x16xf32> to vector<16xf32>
      %parallel_loop3A_230 = arith.constant 11.3137083 : f32
      %parallel_loop3A_231 = vector.broadcast %parallel_loop3A_230 : f32 to vector<16xf32>
      %parallel_loop3A_232 = arith.mulf %parallel_loop3A_229, %parallel_loop3A_231 : vector<16xf32>
      %parallel_loop3A_233 = arith.index_cast %parallel_loop3A_213 : i32 to index
      %parallel_loop3A_234 = arith.constant 16 : index
      %parallel_loop3A_235 = tpu.vector_load %arg8[%parallel_loop3A_233, %parallel_loop3A_234] {strides = array<i32>} : memref<128x128xf32, #tpu.memory_space<vmem>>, vector<1x16xf32>,
      %parallel_loop3A_236 = vector.shape_cast %parallel_loop3A_235 : vector<1x16xf32> to vector<16xf32>
      %parallel_loop3A_237 = vector.shape_cast %parallel_loop3A_232 : vector<16xf32> to vector<1x16xf32>
      tpu.vector_store %arg8[%parallel_loop3A_233, %parallel_loop3A_234], %parallel_loop3A_237 {strides = array<i32>} : memref<128x128xf32, #tpu.memory_space<vmem>>, vector<1x16xf32>,
      %parallel_loop3A_238 = arith.index_cast %parallel_loop3A_213 : i32 to index
      %parallel_loop3A_239 = arith.constant 32 : index
      %parallel_loop3A_240 = tpu.vector_load %arg8[%parallel_loop3A_238, %parallel_loop3A_239] {strides = array<i32>} : memref<128x128xf32, #tpu.memory_space<vmem>>, vector<1x16xf32>,
      %parallel_loop3A_241 = vector.shape_cast %parallel_loop3A_240 : vector<1x16xf32> to vector<16xf32>
      %parallel_loop3A_242 = arith.constant 11.3137083 : f32
      %parallel_loop3A_243 = vector.broadcast %parallel_loop3A_242 : f32 to vector<16xf32>
      %parallel_loop3A_244 = arith.mulf %parallel_loop3A_241, %parallel_loop3A_243 : vector<16xf32>
      %parallel_loop3A_245 = arith.index_cast %parallel_loop3A_213 : i32 to index
      %parallel_loop3A_246 = arith.constant 32 : index
      %parallel_loop3A_247 = tpu.vector_load %arg8[%parallel_loop3A_245, %parallel_loop3A_246] {strides = array<i32>} : memref<128x128xf32, #tpu.memory_space<vmem>>, vector<1x16xf32>,
      %parallel_loop3A_248 = vector.shape_cast %parallel_loop3A_247 : vector<1x16xf32> to vector<16xf32>
      %parallel_loop3A_249 = vector.shape_cast %parallel_loop3A_244 : vector<16xf32> to vector<1x16xf32>
      tpu.vector_store %arg8[%parallel_loop3A_245, %parallel_loop3A_246], %parallel_loop3A_249 {strides = array<i32>} : memref<128x128xf32, #tpu.memory_space<vmem>>, vector<1x16xf32>,
      %parallel_loop3A_250 = arith.index_cast %parallel_loop3A_213 : i32 to index
      %parallel_loop3A_251 = arith.constant 48 : index
      %parallel_loop3A_252 = tpu.vector_load %arg8[%parallel_loop3A_250, %parallel_loop3A_251] {strides = array<i32>} : memref<128x128xf32, #tpu.memory_space<vmem>>, vector<1x16xf32>,
      %parallel_loop3A_253 = vector.shape_cast %parallel_loop3A_252 : vector<1x16xf32> to vector<16xf32>
      %parallel_loop3A_254 = arith.constant 11.3137083 : f32
      %parallel_loop3A_255 = vector.broadcast %parallel_loop3A_254 : f32 to vector<16xf32>
      %parallel_loop3A_256 = arith.mulf %parallel_loop3A_253, %parallel_loop3A_255 : vector<16xf32>
      %parallel_loop3A_257 = arith.index_cast %parallel_loop3A_213 : i32 to index
      %parallel_loop3A_258 = arith.constant 48 : index
      %parallel_loop3A_259 = tpu.vector_load %arg8[%parallel_loop3A_257, %parallel_loop3A_258] {strides = array<i32>} : memref<128x128xf32, #tpu.memory_space<vmem>>, vector<1x16xf32>,
      %parallel_loop3A_260 = vector.shape_cast %parallel_loop3A_259 : vector<1x16xf32> to vector<16xf32>
      %parallel_loop3A_261 = vector.shape_cast %parallel_loop3A_256 : vector<16xf32> to vector<1x16xf32>
      tpu.vector_store %arg8[%parallel_loop3A_257, %parallel_loop3A_258], %parallel_loop3A_261 {strides = array<i32>} : memref<128x128xf32, #tpu.memory_space<vmem>>, vector<1x16xf32>,
      %parallel_loop3A_262 = arith.index_cast %parallel_loop3A_213 : i32 to index
      %parallel_loop3A_263 = arith.constant 64 : index
      %parallel_loop3A_264 = tpu.vector_load %arg8[%parallel_loop3A_262, %parallel_loop3A_263] {strides = array<i32>} : memref<128x128xf32, #tpu.memory_space<vmem>>, vector<1x16xf32>,
      %parallel_loop3A_265 = vector.shape_cast %parallel_loop3A_264 : vector<1x16xf32> to vector<16xf32>
      %parallel_loop3A_266 = arith.constant 11.3137083 : f32
      %parallel_loop3A_267 = vector.broadcast %parallel_loop3A_266 : f32 to vector<16xf32>
      %parallel_loop3A_268 = arith.mulf %parallel_loop3A_265, %parallel_loop3A_267 : vector<16xf32>
      %parallel_loop3A_269 = arith.index_cast %parallel_loop3A_213 : i32 to index
      %parallel_loop3A_270 = arith.constant 64 : index
      %parallel_loop3A_271 = tpu.vector_load %arg8[%parallel_loop3A_269, %parallel_loop3A_270] {strides = array<i32>} : memref<128x128xf32, #tpu.memory_space<vmem>>, vector<1x16xf32>,
      %parallel_loop3A_272 = vector.shape_cast %parallel_loop3A_271 : vector<1x16xf32> to vector<16xf32>
      %parallel_loop3A_273 = vector.shape_cast %parallel_loop3A_268 : vector<16xf32> to vector<1x16xf32>
      tpu.vector_store %arg8[%parallel_loop3A_269, %parallel_loop3A_270], %parallel_loop3A_273 {strides = array<i32>} : memref<128x128xf32, #tpu.memory_space<vmem>>, vector<1x16xf32>,
      %parallel_loop3A_274 = arith.index_cast %parallel_loop3A_213 : i32 to index
      %parallel_loop3A_275 = arith.constant 80 : index
      %parallel_loop3A_276 = tpu.vector_load %arg8[%parallel_loop3A_274, %parallel_loop3A_275] {strides = array<i32>} : memref<128x128xf32, #tpu.memory_space<vmem>>, vector<1x16xf32>,
      %parallel_loop3A_277 = vector.shape_cast %parallel_loop3A_276 : vector<1x16xf32> to vector<16xf32>
      %parallel_loop3A_278 = arith.constant 11.3137083 : f32
      %parallel_loop3A_279 = vector.broadcast %parallel_loop3A_278 : f32 to vector<16xf32>
      %parallel_loop3A_280 = arith.mulf %parallel_loop3A_277, %parallel_loop3A_279 : vector<16xf32>
      %parallel_loop3A_281 = arith.index_cast %parallel_loop3A_213 : i32 to index
      %parallel_loop3A_282 = arith.constant 80 : index
      %parallel_loop3A_283 = tpu.vector_load %arg8[%parallel_loop3A_281, %parallel_loop3A_282] {strides = array<i32>} : memref<128x128xf32, #tpu.memory_space<vmem>>, vector<1x16xf32>,
      %parallel_loop3A_284 = vector.shape_cast %parallel_loop3A_283 : vector<1x16xf32> to vector<16xf32>
      %parallel_loop3A_285 = vector.shape_cast %parallel_loop3A_280 : vector<16xf32> to vector<1x16xf32>
      tpu.vector_store %arg8[%parallel_loop3A_281, %parallel_loop3A_282], %parallel_loop3A_285 {strides = array<i32>} : memref<128x128xf32, #tpu.memory_space<vmem>>, vector<1x16xf32>,
      %parallel_loop3A_286 = arith.index_cast %parallel_loop3A_213 : i32 to index
      %parallel_loop3A_287 = arith.constant 96 : index
      %parallel_loop3A_288 = tpu.vector_load %arg8[%parallel_loop3A_286, %parallel_loop3A_287] {strides = array<i32>} : memref<128x128xf32, #tpu.memory_space<vmem>>, vector<1x16xf32>,
      %parallel_loop3A_289 = vector.shape_cast %parallel_loop3A_288 : vector<1x16xf32> to vector<16xf32>
      %parallel_loop3A_290 = arith.constant 11.3137083 : f32
      %parallel_loop3A_291 = vector.broadcast %parallel_loop3A_290 : f32 to vector<16xf32>
      %parallel_loop3A_292 = arith.mulf %parallel_loop3A_289, %parallel_loop3A_291 : vector<16xf32>
      %parallel_loop3A_293 = arith.index_cast %parallel_loop3A_213 : i32 to index
      %parallel_loop3A_294 = arith.constant 96 : index
      %parallel_loop3A_295 = tpu.vector_load %arg8[%parallel_loop3A_293, %parallel_loop3A_294] {strides = array<i32>} : memref<128x128xf32, #tpu.memory_space<vmem>>, vector<1x16xf32>,
      %parallel_loop3A_296 = vector.shape_cast %parallel_loop3A_295 : vector<1x16xf32> to vector<16xf32>
      %parallel_loop3A_297 = vector.shape_cast %parallel_loop3A_292 : vector<16xf32> to vector<1x16xf32>
      tpu.vector_store %arg8[%parallel_loop3A_293, %parallel_loop3A_294], %parallel_loop3A_297 {strides = array<i32>} : memref<128x128xf32, #tpu.memory_space<vmem>>, vector<1x16xf32>,
      %parallel_loop3A_298 = arith.index_cast %parallel_loop3A_213 : i32 to index
      %parallel_loop3A_299 = arith.constant 112 : index
      %parallel_loop3A_300 = tpu.vector_load %arg8[%parallel_loop3A_298, %parallel_loop3A_299] {strides = array<i32>} : memref<128x128xf32, #tpu.memory_space<vmem>>, vector<1x16xf32>,
      %parallel_loop3A_301 = vector.shape_cast %parallel_loop3A_300 : vector<1x16xf32> to vector<16xf32>
      %parallel_loop3A_302 = arith.constant 11.3137083 : f32
      %parallel_loop3A_303 = vector.broadcast %parallel_loop3A_302 : f32 to vector<16xf32>
      %parallel_loop3A_304 = arith.mulf %parallel_loop3A_301, %parallel_loop3A_303 : vector<16xf32>
      %parallel_loop3A_305 = arith.index_cast %parallel_loop3A_213 : i32 to index
      %parallel_loop3A_306 = arith.constant 112 : index
      %parallel_loop3A_307 = tpu.vector_load %arg8[%parallel_loop3A_305, %parallel_loop3A_306] {strides = array<i32>} : memref<128x128xf32, #tpu.memory_space<vmem>>, vector<1x16xf32>,
      %parallel_loop3A_308 = vector.shape_cast %parallel_loop3A_307 : vector<1x16xf32> to vector<16xf32>
      %parallel_loop3A_309 = vector.shape_cast %parallel_loop3A_304 : vector<16xf32> to vector<1x16xf32>
      tpu.vector_store %arg8[%parallel_loop3A_305, %parallel_loop3A_306], %parallel_loop3A_309 {strides = array<i32>} : memref<128x128xf32, #tpu.memory_space<vmem>>, vector<1x16xf32>,
    } {sc.loop_unroll_factor = 4 : i64, sc.parallel_access}
    %dma_start3A_70 = arith.constant 1 : i32
    %dma_start3A_71 = arith.constant 0 : i32
    %dma_start3A_72 = arith.constant 0 : i32
    %dma_start3A_73 = tpu.memref_slice %arg8[%dma_start3A_71, %dma_start3A_72] : memref<128x128xf32, #tpu.memory_space<vmem>> -> memref<128x128xf32, #tpu.memory_space<vmem>>
    %dma_start3A_74 = arith.constant 0 : i32
    %dma_start3A_75 = tpu.memref_slice %arg6[%dma_start3A_70, %dma_start3A_74] : memref<200x128xi32, #tpu.memory_space<vmem>> -> memref<1x128xi32, #tpu.memory_space<vmem>>
    %dma_start3A_76 = tpu.memref_squeeze %dma_start3A_75 : memref<1x128xi32, #tpu.memory_space<vmem>> -> memref<128xi32, #tpu.memory_space<vmem>>
    %dma_start3A_77 = arith.constant 0 : i32
    %dma_start3A_78 = arith.constant 0 : i32
    %dma_start3A_79 = tpu.memref_slice %arg4[%dma_start3A_77, %dma_start3A_78] : memref<1024x128xf32, #tpu.memory_space<hbm>> -> memref<1024x128xf32, #tpu.memory_space<hbm>>
    tpu.enqueue_indirect_dma source(%dma_start3A_79 : memref<1024x128xf32, #tpu.memory_space<hbm>>) target(%dma_start3A_73 : memref<128x128xf32, #tpu.memory_space<vmem>>) offsets(%dma_start3A_76 : memref<128xi32, #tpu.memory_space<vmem>>) semaphore(%arg16 : memref<!tpu.dma_semaphore, #tpu.memory_space<semaphore_mem>>) {add = true}
    %add3A_80 = arith.constant 0 : i32
    %add3A_81 = arith.addi %mul3A_2, %add3A_80 : i32
    %dma_wait3A_82 = arith.constant 0 : i32
    %dma_wait3A_83 = tpu.memref_slice %arg5[%add3A_81, %dma_wait3A_82] : memref<819200x128xf32, #tpu.memory_space<hbm>> -> memref<128x128xf32, #tpu.memory_space<hbm>>
    %dma_wait3A_84 = arith.constant 0 : i32
    %dma_wait3A_85 = tpu.memref_slice %arg5[%add3A_81, %dma_wait3A_84] : memref<819200x128xf32, #tpu.memory_space<hbm>> -> memref<128x128xf32, #tpu.memory_space<hbm>>
    tpu.wait_dma2 semaphore(%arg19 : memref<!tpu.dma_semaphore, #tpu.memory_space<semaphore_mem>>) src(%arg7 : memref<128x128xf32, #tpu.memory_space<vmem>>) dst(%dma_wait3A_85 : memref<128x128xf32, #tpu.memory_space<hbm>>)
    %add3A_86 = arith.constant 512 : i32
    %add3A_87 = arith.addi %mul3A_2, %add3A_86 : i32
    %dma_start3A_88 = arith.constant 0 : i32
    %dma_start3A_89 = tpu.memref_slice %arg2[%add3A_87, %dma_start3A_88] : memref<819200x128xf32, #tpu.memory_space<hbm>> -> memref<128x128xf32, #tpu.memory_space<hbm>>
    %dma_start3A_90 = arith.constant 0 : i32
    %dma_start3A_91 = tpu.memref_slice %arg2[%add3A_87, %dma_start3A_90] : memref<819200x128xf32, #tpu.memory_space<hbm>> -> memref<128x128xf32, #tpu.memory_space<hbm>>
    tpu.enqueue_dma source(%dma_start3A_91 : memref<128x128xf32, #tpu.memory_space<hbm>>) target(%arg7 : memref<128x128xf32, #tpu.memory_space<vmem>>) target_semaphore(%arg11 : memref<!tpu.dma_semaphore, #tpu.memory_space<semaphore_mem>>)
    %dma_wait3A_92 = arith.constant 1 : i32
    %dma_wait3A_93 = arith.constant 0 : i32
    %dma_wait3A_94 = arith.constant 0 : i32
    %dma_wait3A_95 = tpu.memref_slice %arg8[%dma_wait3A_93, %dma_wait3A_94] : memref<128x128xf32, #tpu.memory_space<vmem>> -> memref<128x128xf32, #tpu.memory_space<vmem>>
    %dma_wait3A_96 = arith.constant 0 : i32
    %dma_wait3A_97 = tpu.memref_slice %arg6[%dma_wait3A_92, %dma_wait3A_96] : memref<200x128xi32, #tpu.memory_space<vmem>> -> memref<1x128xi32, #tpu.memory_space<vmem>>
    %dma_wait3A_98 = tpu.memref_squeeze %dma_wait3A_97 : memref<1x128xi32, #tpu.memory_space<vmem>> -> memref<128xi32, #tpu.memory_space<vmem>>
    %dma_wait3A_99 = arith.constant 0 : i32
    %dma_wait3A_100 = arith.constant 0 : i32
    %dma_wait3A_101 = tpu.memref_slice %arg4[%dma_wait3A_99, %dma_wait3A_100] : memref<1024x128xf32, #tpu.memory_space<hbm>> -> memref<1024x128xf32, #tpu.memory_space<hbm>>
    tpu.wait_indirect_dma semaphore(%arg16 : memref<!tpu.dma_semaphore, #tpu.memory_space<semaphore_mem>>) src(%dma_wait3A_101 : memref<1024x128xf32, #tpu.memory_space<hbm>>) dst(%dma_wait3A_95 : memref<128x128xf32, #tpu.memory_space<vmem>>)
    %add3A_102 = arith.constant 128 : i32
    %add3A_103 = arith.addi %mul3A_2, %add3A_102 : i32
    %dma_start3A_104 = arith.constant 0 : i32
    %dma_start3A_105 = tpu.memref_slice %arg5[%add3A_103, %dma_start3A_104] : memref<819200x128xf32, #tpu.memory_space<hbm>> -> memref<128x128xf32, #tpu.memory_space<hbm>>
    %dma_start3A_106 = arith.constant 0 : i32
    %dma_start3A_107 = tpu.memref_slice %arg5[%add3A_103, %dma_start3A_106] : memref<819200x128xf32, #tpu.memory_space<hbm>> -> memref<128x128xf32, #tpu.memory_space<hbm>>
    tpu.enqueue_dma source(%arg8 : memref<128x128xf32, #tpu.memory_space<vmem>>) target(%dma_start3A_107 : memref<128x128xf32, #tpu.memory_space<hbm>>) target_semaphore(%arg20 : memref<!tpu.dma_semaphore, #tpu.memory_space<semaphore_mem>>)
    %add3A_108 = arith.constant 256 : i32
    %add3A_109 = arith.addi %mul3A_2, %add3A_108 : i32
    %dma_wait3A_110 = arith.constant 0 : i32
    %dma_wait3A_111 = tpu.memref_slice %arg2[%add3A_109, %dma_wait3A_110] : memref<819200x128xf32, #tpu.memory_space<hbm>> -> memref<128x128xf32, #tpu.memory_space<hbm>>
    %dma_wait3A_112 = arith.constant 0 : i32
    %dma_wait3A_113 = tpu.memref_slice %arg2[%add3A_109, %dma_wait3A_112] : memref<819200x128xf32, #tpu.memory_space<hbm>> -> memref<128x128xf32, #tpu.memory_space<hbm>>
    tpu.wait_dma2 semaphore(%arg13 : memref<!tpu.dma_semaphore, #tpu.memory_space<semaphore_mem>>) src(%dma_wait3A_113 : memref<128x128xf32, #tpu.memory_space<hbm>>) dst(%arg9 : memref<128x128xf32, #tpu.memory_space<vmem>>)
    %parallel_loop3A_114 = arith.constant 0 : i32
    %parallel_loop3A_115 = arith.constant 128 : i32
    %parallel_loop3A_116 = arith.constant 1 : i32
    scf.for %parallel_loop3A_213 = %parallel_loop3A_114 to %parallel_loop3A_115 step %parallel_loop3A_116  : i32 {
      %parallel_loop3A_214 = arith.index_cast %parallel_loop3A_213 : i32 to index
      %parallel_loop3A_215 = arith.constant 0 : index
      %parallel_loop3A_216 = tpu.vector_load %arg9[%parallel_loop3A_214, %parallel_loop3A_215] {strides = array<i32>} : memref<128x128xf32, #tpu.memory_space<vmem>>, vector<1x16xf32>,
      %parallel_loop3A_217 = vector.shape_cast %parallel_loop3A_216 : vector<1x16xf32> to vector<16xf32>
      %parallel_loop3A_218 = arith.constant 11.3137083 : f32
      %parallel_loop3A_219 = vector.broadcast %parallel_loop3A_218 : f32 to vector<16xf32>
      %parallel_loop3A_220 = arith.mulf %parallel_loop3A_217, %parallel_loop3A_219 : vector<16xf32>
      %parallel_loop3A_221 = arith.index_cast %parallel_loop3A_213 : i32 to index
      %parallel_loop3A_222 = arith.constant 0 : index
      %parallel_loop3A_223 = tpu.vector_load %arg9[%parallel_loop3A_221, %parallel_loop3A_222] {strides = array<i32>} : memref<128x128xf32, #tpu.memory_space<vmem>>, vector<1x16xf32>,
      %parallel_loop3A_224 = vector.shape_cast %parallel_loop3A_223 : vector<1x16xf32> to vector<16xf32>
      %parallel_loop3A_225 = vector.shape_cast %parallel_loop3A_220 : vector<16xf32> to vector<1x16xf32>
      tpu.vector_store %arg9[%parallel_loop3A_221, %parallel_loop3A_222], %parallel_loop3A_225 {strides = array<i32>} : memref<128x128xf32, #tpu.memory_space<vmem>>, vector<1x16xf32>,
      %parallel_loop3A_226 = arith.index_cast %parallel_loop3A_213 : i32 to index
      %parallel_loop3A_227 = arith.constant 16 : index
      %parallel_loop3A_228 = tpu.vector_load %arg9[%parallel_loop3A_226, %parallel_loop3A_227] {strides = array<i32>} : memref<128x128xf32, #tpu.memory_space<vmem>>, vector<1x16xf32>,
      %parallel_loop3A_229 = vector.shape_cast %parallel_loop3A_228 : vector<1x16xf32> to vector<16xf32>
      %parallel_loop3A_230 = arith.constant 11.3137083 : f32
      %parallel_loop3A_231 = vector.broadcast %parallel_loop3A_230 : f32 to vector<16xf32>
      %parallel_loop3A_232 = arith.mulf %parallel_loop3A_229, %parallel_loop3A_231 : vector<16xf32>
      %parallel_loop3A_233 = arith.index_cast %parallel_loop3A_213 : i32 to index
      %parallel_loop3A_234 = arith.constant 16 : index
      %parallel_loop3A_235 = tpu.vector_load %arg9[%parallel_loop3A_233, %parallel_loop3A_234] {strides = array<i32>} : memref<128x128xf32, #tpu.memory_space<vmem>>, vector<1x16xf32>,
      %parallel_loop3A_236 = vector.shape_cast %parallel_loop3A_235 : vector<1x16xf32> to vector<16xf32>
      %parallel_loop3A_237 = vector.shape_cast %parallel_loop3A_232 : vector<16xf32> to vector<1x16xf32>
      tpu.vector_store %arg9[%parallel_loop3A_233, %parallel_loop3A_234], %parallel_loop3A_237 {strides = array<i32>} : memref<128x128xf32, #tpu.memory_space<vmem>>, vector<1x16xf32>,
      %parallel_loop3A_238 = arith.index_cast %parallel_loop3A_213 : i32 to index
      %parallel_loop3A_239 = arith.constant 32 : index
      %parallel_loop3A_240 = tpu.vector_load %arg9[%parallel_loop3A_238, %parallel_loop3A_239] {strides = array<i32>} : memref<128x128xf32, #tpu.memory_space<vmem>>, vector<1x16xf32>,
      %parallel_loop3A_241 = vector.shape_cast %parallel_loop3A_240 : vector<1x16xf32> to vector<16xf32>
      %parallel_loop3A_242 = arith.constant 11.3137083 : f32
      %parallel_loop3A_243 = vector.broadcast %parallel_loop3A_242 : f32 to vector<16xf32>
      %parallel_loop3A_244 = arith.mulf %parallel_loop3A_241, %parallel_loop3A_243 : vector<16xf32>
      %parallel_loop3A_245 = arith.index_cast %parallel_loop3A_213 : i32 to index
      %parallel_loop3A_246 = arith.constant 32 : index
      %parallel_loop3A_247 = tpu.vector_load %arg9[%parallel_loop3A_245, %parallel_loop3A_246] {strides = array<i32>} : memref<128x128xf32, #tpu.memory_space<vmem>>, vector<1x16xf32>,
      %parallel_loop3A_248 = vector.shape_cast %parallel_loop3A_247 : vector<1x16xf32> to vector<16xf32>
      %parallel_loop3A_249 = vector.shape_cast %parallel_loop3A_244 : vector<16xf32> to vector<1x16xf32>
      tpu.vector_store %arg9[%parallel_loop3A_245, %parallel_loop3A_246], %parallel_loop3A_249 {strides = array<i32>} : memref<128x128xf32, #tpu.memory_space<vmem>>, vector<1x16xf32>,
      %parallel_loop3A_250 = arith.index_cast %parallel_loop3A_213 : i32 to index
      %parallel_loop3A_251 = arith.constant 48 : index
      %parallel_loop3A_252 = tpu.vector_load %arg9[%parallel_loop3A_250, %parallel_loop3A_251] {strides = array<i32>} : memref<128x128xf32, #tpu.memory_space<vmem>>, vector<1x16xf32>,
      %parallel_loop3A_253 = vector.shape_cast %parallel_loop3A_252 : vector<1x16xf32> to vector<16xf32>
      %parallel_loop3A_254 = arith.constant 11.3137083 : f32
      %parallel_loop3A_255 = vector.broadcast %parallel_loop3A_254 : f32 to vector<16xf32>
      %parallel_loop3A_256 = arith.mulf %parallel_loop3A_253, %parallel_loop3A_255 : vector<16xf32>
      %parallel_loop3A_257 = arith.index_cast %parallel_loop3A_213 : i32 to index
      %parallel_loop3A_258 = arith.constant 48 : index
      %parallel_loop3A_259 = tpu.vector_load %arg9[%parallel_loop3A_257, %parallel_loop3A_258] {strides = array<i32>} : memref<128x128xf32, #tpu.memory_space<vmem>>, vector<1x16xf32>,
      %parallel_loop3A_260 = vector.shape_cast %parallel_loop3A_259 : vector<1x16xf32> to vector<16xf32>
      %parallel_loop3A_261 = vector.shape_cast %parallel_loop3A_256 : vector<16xf32> to vector<1x16xf32>
      tpu.vector_store %arg9[%parallel_loop3A_257, %parallel_loop3A_258], %parallel_loop3A_261 {strides = array<i32>} : memref<128x128xf32, #tpu.memory_space<vmem>>, vector<1x16xf32>,
      %parallel_loop3A_262 = arith.index_cast %parallel_loop3A_213 : i32 to index
      %parallel_loop3A_263 = arith.constant 64 : index
      %parallel_loop3A_264 = tpu.vector_load %arg9[%parallel_loop3A_262, %parallel_loop3A_263] {strides = array<i32>} : memref<128x128xf32, #tpu.memory_space<vmem>>, vector<1x16xf32>,
      %parallel_loop3A_265 = vector.shape_cast %parallel_loop3A_264 : vector<1x16xf32> to vector<16xf32>
      %parallel_loop3A_266 = arith.constant 11.3137083 : f32
      %parallel_loop3A_267 = vector.broadcast %parallel_loop3A_266 : f32 to vector<16xf32>
      %parallel_loop3A_268 = arith.mulf %parallel_loop3A_265, %parallel_loop3A_267 : vector<16xf32>
      %parallel_loop3A_269 = arith.index_cast %parallel_loop3A_213 : i32 to index
      %parallel_loop3A_270 = arith.constant 64 : index
      %parallel_loop3A_271 = tpu.vector_load %arg9[%parallel_loop3A_269, %parallel_loop3A_270] {strides = array<i32>} : memref<128x128xf32, #tpu.memory_space<vmem>>, vector<1x16xf32>,
      %parallel_loop3A_272 = vector.shape_cast %parallel_loop3A_271 : vector<1x16xf32> to vector<16xf32>
      %parallel_loop3A_273 = vector.shape_cast %parallel_loop3A_268 : vector<16xf32> to vector<1x16xf32>
      tpu.vector_store %arg9[%parallel_loop3A_269, %parallel_loop3A_270], %parallel_loop3A_273 {strides = array<i32>} : memref<128x128xf32, #tpu.memory_space<vmem>>, vector<1x16xf32>,
      %parallel_loop3A_274 = arith.index_cast %parallel_loop3A_213 : i32 to index
      %parallel_loop3A_275 = arith.constant 80 : index
      %parallel_loop3A_276 = tpu.vector_load %arg9[%parallel_loop3A_274, %parallel_loop3A_275] {strides = array<i32>} : memref<128x128xf32, #tpu.memory_space<vmem>>, vector<1x16xf32>,
      %parallel_loop3A_277 = vector.shape_cast %parallel_loop3A_276 : vector<1x16xf32> to vector<16xf32>
      %parallel_loop3A_278 = arith.constant 11.3137083 : f32
      %parallel_loop3A_279 = vector.broadcast %parallel_loop3A_278 : f32 to vector<16xf32>
      %parallel_loop3A_280 = arith.mulf %parallel_loop3A_277, %parallel_loop3A_279 : vector<16xf32>
      %parallel_loop3A_281 = arith.index_cast %parallel_loop3A_213 : i32 to index
      %parallel_loop3A_282 = arith.constant 80 : index
      %parallel_loop3A_283 = tpu.vector_load %arg9[%parallel_loop3A_281, %parallel_loop3A_282] {strides = array<i32>} : memref<128x128xf32, #tpu.memory_space<vmem>>, vector<1x16xf32>,
      %parallel_loop3A_284 = vector.shape_cast %parallel_loop3A_283 : vector<1x16xf32> to vector<16xf32>
      %parallel_loop3A_285 = vector.shape_cast %parallel_loop3A_280 : vector<16xf32> to vector<1x16xf32>
      tpu.vector_store %arg9[%parallel_loop3A_281, %parallel_loop3A_282], %parallel_loop3A_285 {strides = array<i32>} : memref<128x128xf32, #tpu.memory_space<vmem>>, vector<1x16xf32>,
      %parallel_loop3A_286 = arith.index_cast %parallel_loop3A_213 : i32 to index
      %parallel_loop3A_287 = arith.constant 96 : index
      %parallel_loop3A_288 = tpu.vector_load %arg9[%parallel_loop3A_286, %parallel_loop3A_287] {strides = array<i32>} : memref<128x128xf32, #tpu.memory_space<vmem>>, vector<1x16xf32>,
      %parallel_loop3A_289 = vector.shape_cast %parallel_loop3A_288 : vector<1x16xf32> to vector<16xf32>
      %parallel_loop3A_290 = arith.constant 11.3137083 : f32
      %parallel_loop3A_291 = vector.broadcast %parallel_loop3A_290 : f32 to vector<16xf32>
      %parallel_loop3A_292 = arith.mulf %parallel_loop3A_289, %parallel_loop3A_291 : vector<16xf32>
      %parallel_loop3A_293 = arith.index_cast %parallel_loop3A_213 : i32 to index
      %parallel_loop3A_294 = arith.constant 96 : index
      %parallel_loop3A_295 = tpu.vector_load %arg9[%parallel_loop3A_293, %parallel_loop3A_294] {strides = array<i32>} : memref<128x128xf32, #tpu.memory_space<vmem>>, vector<1x16xf32>,
      %parallel_loop3A_296 = vector.shape_cast %parallel_loop3A_295 : vector<1x16xf32> to vector<16xf32>
      %parallel_loop3A_297 = vector.shape_cast %parallel_loop3A_292 : vector<16xf32> to vector<1x16xf32>
      tpu.vector_store %arg9[%parallel_loop3A_293, %parallel_loop3A_294], %parallel_loop3A_297 {strides = array<i32>} : memref<128x128xf32, #tpu.memory_space<vmem>>, vector<1x16xf32>,
      %parallel_loop3A_298 = arith.index_cast %parallel_loop3A_213 : i32 to index
      %parallel_loop3A_299 = arith.constant 112 : index
      %parallel_loop3A_300 = tpu.vector_load %arg9[%parallel_loop3A_298, %parallel_loop3A_299] {strides = array<i32>} : memref<128x128xf32, #tpu.memory_space<vmem>>, vector<1x16xf32>,
      %parallel_loop3A_301 = vector.shape_cast %parallel_loop3A_300 : vector<1x16xf32> to vector<16xf32>
      %parallel_loop3A_302 = arith.constant 11.3137083 : f32
      %parallel_loop3A_303 = vector.broadcast %parallel_loop3A_302 : f32 to vector<16xf32>
      %parallel_loop3A_304 = arith.mulf %parallel_loop3A_301, %parallel_loop3A_303 : vector<16xf32>
      %parallel_loop3A_305 = arith.index_cast %parallel_loop3A_213 : i32 to index
      %parallel_loop3A_306 = arith.constant 112 : index
      %parallel_loop3A_307 = tpu.vector_load %arg9[%parallel_loop3A_305, %parallel_loop3A_306] {strides = array<i32>} : memref<128x128xf32, #tpu.memory_space<vmem>>, vector<1x16xf32>,
      %parallel_loop3A_308 = vector.shape_cast %parallel_loop3A_307 : vector<1x16xf32> to vector<16xf32>
      %parallel_loop3A_309 = vector.shape_cast %parallel_loop3A_304 : vector<16xf32> to vector<1x16xf32>
      tpu.vector_store %arg9[%parallel_loop3A_305, %parallel_loop3A_306], %parallel_loop3A_309 {strides = array<i32>} : memref<128x128xf32, #tpu.memory_space<vmem>>, vector<1x16xf32>,
    } {sc.loop_unroll_factor = 4 : i64, sc.parallel_access}
    %dma_start3A_117 = arith.constant 2 : i32
    %dma_start3A_118 = arith.constant 0 : i32
    %dma_start3A_119 = arith.constant 0 : i32
    %dma_start3A_120 = tpu.memref_slice %arg9[%dma_start3A_118, %dma_start3A_119] : memref<128x128xf32, #tpu.memory_space<vmem>> -> memref<128x128xf32, #tpu.memory_space<vmem>>
    %dma_start3A_121 = arith.constant 0 : i32
    %dma_start3A_122 = tpu.memref_slice %arg6[%dma_start3A_117, %dma_start3A_121] : memref<200x128xi32, #tpu.memory_space<vmem>> -> memref<1x128xi32, #tpu.memory_space<vmem>>
    %dma_start3A_123 = tpu.memref_squeeze %dma_start3A_122 : memref<1x128xi32, #tpu.memory_space<vmem>> -> memref<128xi32, #tpu.memory_space<vmem>>
    %dma_start3A_124 = arith.constant 0 : i32
    %dma_start3A_125 = arith.constant 0 : i32
    %dma_start3A_126 = tpu.memref_slice %arg4[%dma_start3A_124, %dma_start3A_125] : memref<1024x128xf32, #tpu.memory_space<hbm>> -> memref<1024x128xf32, #tpu.memory_space<hbm>>
    tpu.enqueue_indirect_dma source(%dma_start3A_126 : memref<1024x128xf32, #tpu.memory_space<hbm>>) target(%dma_start3A_120 : memref<128x128xf32, #tpu.memory_space<vmem>>) offsets(%dma_start3A_123 : memref<128xi32, #tpu.memory_space<vmem>>) semaphore(%arg17 : memref<!tpu.dma_semaphore, #tpu.memory_space<semaphore_mem>>) {add = true}
    %add3A_127 = arith.constant 128 : i32
    %add3A_128 = arith.addi %mul3A_2, %add3A_127 : i32
    %dma_wait3A_129 = arith.constant 0 : i32
    %dma_wait3A_130 = tpu.memref_slice %arg5[%add3A_128, %dma_wait3A_129] : memref<819200x128xf32, #tpu.memory_space<hbm>> -> memref<128x128xf32, #tpu.memory_space<hbm>>
    %dma_wait3A_131 = arith.constant 0 : i32
    %dma_wait3A_132 = tpu.memref_slice %arg5[%add3A_128, %dma_wait3A_131] : memref<819200x128xf32, #tpu.memory_space<hbm>> -> memref<128x128xf32, #tpu.memory_space<hbm>>
    tpu.wait_dma2 semaphore(%arg20 : memref<!tpu.dma_semaphore, #tpu.memory_space<semaphore_mem>>) src(%arg8 : memref<128x128xf32, #tpu.memory_space<vmem>>) dst(%dma_wait3A_132 : memref<128x128xf32, #tpu.memory_space<hbm>>)
    %add3A_133 = arith.constant 640 : i32
    %add3A_134 = arith.addi %mul3A_2, %add3A_133 : i32
    %dma_start3A_135 = arith.constant 0 : i32
    %dma_start3A_136 = tpu.memref_slice %arg2[%add3A_134, %dma_start3A_135] : memref<819200x128xf32, #tpu.memory_space<hbm>> -> memref<128x128xf32, #tpu.memory_space<hbm>>
    %dma_start3A_137 = arith.constant 0 : i32
    %dma_start3A_138 = tpu.memref_slice %arg2[%add3A_134, %dma_start3A_137] : memref<819200x128xf32, #tpu.memory_space<hbm>> -> memref<128x128xf32, #tpu.memory_space<hbm>>
    tpu.enqueue_dma source(%dma_start3A_138 : memref<128x128xf32, #tpu.memory_space<hbm>>) target(%arg8 : memref<128x128xf32, #tpu.memory_space<vmem>>) target_semaphore(%arg12 : memref<!tpu.dma_semaphore, #tpu.memory_space<semaphore_mem>>)
    %dma_wait3A_139 = arith.constant 2 : i32
    %dma_wait3A_140 = arith.constant 0 : i32
    %dma_wait3A_141 = arith.constant 0 : i32
    %dma_wait3A_142 = tpu.memref_slice %arg9[%dma_wait3A_140, %dma_wait3A_141] : memref<128x128xf32, #tpu.memory_space<vmem>> -> memref<128x128xf32, #tpu.memory_space<vmem>>
    %dma_wait3A_143 = arith.constant 0 : i32
    %dma_wait3A_144 = tpu.memref_slice %arg6[%dma_wait3A_139, %dma_wait3A_143] : memref<200x128xi32, #tpu.memory_space<vmem>> -> memref<1x128xi32, #tpu.memory_space<vmem>>
    %dma_wait3A_145 = tpu.memref_squeeze %dma_wait3A_144 : memref<1x128xi32, #tpu.memory_space<vmem>> -> memref<128xi32, #tpu.memory_space<vmem>>
    %dma_wait3A_146 = arith.constant 0 : i32
    %dma_wait3A_147 = arith.constant 0 : i32
    %dma_wait3A_148 = tpu.memref_slice %arg4[%dma_wait3A_146, %dma_wait3A_147] : memref<1024x128xf32, #tpu.memory_space<hbm>> -> memref<1024x128xf32, #tpu.memory_space<hbm>>
    tpu.wait_indirect_dma semaphore(%arg17 : memref<!tpu.dma_semaphore, #tpu.memory_space<semaphore_mem>>) src(%dma_wait3A_148 : memref<1024x128xf32, #tpu.memory_space<hbm>>) dst(%dma_wait3A_142 : memref<128x128xf32, #tpu.memory_space<vmem>>)
    %add3A_149 = arith.constant 256 : i32
    %add3A_150 = arith.addi %mul3A_2, %add3A_149 : i32
    %dma_start3A_151 = arith.constant 0 : i32
    %dma_start3A_152 = tpu.memref_slice %arg5[%add3A_150, %dma_start3A_151] : memref<819200x128xf32, #tpu.memory_space<hbm>> -> memref<128x128xf32, #tpu.memory_space<hbm>>
    %dma_start3A_153 = arith.constant 0 : i32
    %dma_start3A_154 = tpu.memref_slice %arg5[%add3A_150, %dma_start3A_153] : memref<819200x128xf32, #tpu.memory_space<hbm>> -> memref<128x128xf32, #tpu.memory_space<hbm>>
    tpu.enqueue_dma source(%arg9 : memref<128x128xf32, #tpu.memory_space<vmem>>) target(%dma_start3A_154 : memref<128x128xf32, #tpu.memory_space<hbm>>) target_semaphore(%arg21 : memref<!tpu.dma_semaphore, #tpu.memory_space<semaphore_mem>>)
    %add3A_155 = arith.constant 384 : i32
    %add3A_156 = arith.addi %mul3A_2, %add3A_155 : i32
    %dma_wait3A_157 = arith.constant 0 : i32
    %dma_wait3A_158 = tpu.memref_slice %arg2[%add3A_156, %dma_wait3A_157] : memref<819200x128xf32, #tpu.memory_space<hbm>> -> memref<128x128xf32, #tpu.memory_space<hbm>>
    %dma_wait3A_159 = arith.constant 0 : i32
    %dma_wait3A_160 = tpu.memref_slice %arg2[%add3A_156, %dma_wait3A_159] : memref<819200x128xf32, #tpu.memory_space<hbm>> -> memref<128x128xf32, #tpu.memory_space<hbm>>
    tpu.wait_dma2 semaphore(%arg14 : memref<!tpu.dma_semaphore, #tpu.memory_space<semaphore_mem>>) src(%dma_wait3A_160 : memref<128x128xf32, #tpu.memory_space<hbm>>) dst(%arg10 : memref<128x128xf32, #tpu.memory_space<vmem>>)
    %parallel_loop3A_161 = arith.constant 0 : i32
    %parallel_loop3A_162 = arith.constant 128 : i32
    %parallel_loop3A_163 = arith.constant 1 : i32
    scf.for %parallel_loop3A_213 = %parallel_loop3A_161 to %parallel_loop3A_162 step %parallel_loop3A_163  : i32 {
      %parallel_loop3A_214 = arith.index_cast %parallel_loop3A_213 : i32 to index
      %parallel_loop3A_215 = arith.constant 0 : index
      %parallel_loop3A_216 = tpu.vector_load %arg10[%parallel_loop3A_214, %parallel_loop3A_215] {strides = array<i32>} : memref<128x128xf32, #tpu.memory_space<vmem>>, vector<1x16xf32>,
      %parallel_loop3A_217 = vector.shape_cast %parallel_loop3A_216 : vector<1x16xf32> to vector<16xf32>
      %parallel_loop3A_218 = arith.constant 11.3137083 : f32
      %parallel_loop3A_219 = vector.broadcast %parallel_loop3A_218 : f32 to vector<16xf32>
      %parallel_loop3A_220 = arith.mulf %parallel_loop3A_217, %parallel_loop3A_219 : vector<16xf32>
      %parallel_loop3A_221 = arith.index_cast %parallel_loop3A_213 : i32 to index
      %parallel_loop3A_222 = arith.constant 0 : index
      %parallel_loop3A_223 = tpu.vector_load %arg10[%parallel_loop3A_221, %parallel_loop3A_222] {strides = array<i32>} : memref<128x128xf32, #tpu.memory_space<vmem>>, vector<1x16xf32>,
      %parallel_loop3A_224 = vector.shape_cast %parallel_loop3A_223 : vector<1x16xf32> to vector<16xf32>
      %parallel_loop3A_225 = vector.shape_cast %parallel_loop3A_220 : vector<16xf32> to vector<1x16xf32>
      tpu.vector_store %arg10[%parallel_loop3A_221, %parallel_loop3A_222], %parallel_loop3A_225 {strides = array<i32>} : memref<128x128xf32, #tpu.memory_space<vmem>>, vector<1x16xf32>,
      %parallel_loop3A_226 = arith.index_cast %parallel_loop3A_213 : i32 to index
      %parallel_loop3A_227 = arith.constant 16 : index
      %parallel_loop3A_228 = tpu.vector_load %arg10[%parallel_loop3A_226, %parallel_loop3A_227] {strides = array<i32>} : memref<128x128xf32, #tpu.memory_space<vmem>>, vector<1x16xf32>,
      %parallel_loop3A_229 = vector.shape_cast %parallel_loop3A_228 : vector<1x16xf32> to vector<16xf32>
      %parallel_loop3A_230 = arith.constant 11.3137083 : f32
      %parallel_loop3A_231 = vector.broadcast %parallel_loop3A_230 : f32 to vector<16xf32>
      %parallel_loop3A_232 = arith.mulf %parallel_loop3A_229, %parallel_loop3A_231 : vector<16xf32>
      %parallel_loop3A_233 = arith.index_cast %parallel_loop3A_213 : i32 to index
      %parallel_loop3A_234 = arith.constant 16 : index
      %parallel_loop3A_235 = tpu.vector_load %arg10[%parallel_loop3A_233, %parallel_loop3A_234] {strides = array<i32>} : memref<128x128xf32, #tpu.memory_space<vmem>>, vector<1x16xf32>,
      %parallel_loop3A_236 = vector.shape_cast %parallel_loop3A_235 : vector<1x16xf32> to vector<16xf32>
      %parallel_loop3A_237 = vector.shape_cast %parallel_loop3A_232 : vector<16xf32> to vector<1x16xf32>
      tpu.vector_store %arg10[%parallel_loop3A_233, %parallel_loop3A_234], %parallel_loop3A_237 {strides = array<i32>} : memref<128x128xf32, #tpu.memory_space<vmem>>, vector<1x16xf32>,
      %parallel_loop3A_238 = arith.index_cast %parallel_loop3A_213 : i32 to index
      %parallel_loop3A_239 = arith.constant 32 : index
      %parallel_loop3A_240 = tpu.vector_load %arg10[%parallel_loop3A_238, %parallel_loop3A_239] {strides = array<i32>} : memref<128x128xf32, #tpu.memory_space<vmem>>, vector<1x16xf32>,
      %parallel_loop3A_241 = vector.shape_cast %parallel_loop3A_240 : vector<1x16xf32> to vector<16xf32>
      %parallel_loop3A_242 = arith.constant 11.3137083 : f32
      %parallel_loop3A_243 = vector.broadcast %parallel_loop3A_242 : f32 to vector<16xf32>
      %parallel_loop3A_244 = arith.mulf %parallel_loop3A_241, %parallel_loop3A_243 : vector<16xf32>
      %parallel_loop3A_245 = arith.index_cast %parallel_loop3A_213 : i32 to index
      %parallel_loop3A_246 = arith.constant 32 : index
      %parallel_loop3A_247 = tpu.vector_load %arg10[%parallel_loop3A_245, %parallel_loop3A_246] {strides = array<i32>} : memref<128x128xf32, #tpu.memory_space<vmem>>, vector<1x16xf32>,
      %parallel_loop3A_248 = vector.shape_cast %parallel_loop3A_247 : vector<1x16xf32> to vector<16xf32>
      %parallel_loop3A_249 = vector.shape_cast %parallel_loop3A_244 : vector<16xf32> to vector<1x16xf32>
      tpu.vector_store %arg10[%parallel_loop3A_245, %parallel_loop3A_246], %parallel_loop3A_249 {strides = array<i32>} : memref<128x128xf32, #tpu.memory_space<vmem>>, vector<1x16xf32>,
      %parallel_loop3A_250 = arith.index_cast %parallel_loop3A_213 : i32 to index
      %parallel_loop3A_251 = arith.constant 48 : index
      %parallel_loop3A_252 = tpu.vector_load %arg10[%parallel_loop3A_250, %parallel_loop3A_251] {strides = array<i32>} : memref<128x128xf32, #tpu.memory_space<vmem>>, vector<1x16xf32>,
      %parallel_loop3A_253 = vector.shape_cast %parallel_loop3A_252 : vector<1x16xf32> to vector<16xf32>
      %parallel_loop3A_254 = arith.constant 11.3137083 : f32
      %parallel_loop3A_255 = vector.broadcast %parallel_loop3A_254 : f32 to vector<16xf32>
      %parallel_loop3A_256 = arith.mulf %parallel_loop3A_253, %parallel_loop3A_255 : vector<16xf32>
      %parallel_loop3A_257 = arith.index_cast %parallel_loop3A_213 : i32 to index
      %parallel_loop3A_258 = arith.constant 48 : index
      %parallel_loop3A_259 = tpu.vector_load %arg10[%parallel_loop3A_257, %parallel_loop3A_258] {strides = array<i32>} : memref<128x128xf32, #tpu.memory_space<vmem>>, vector<1x16xf32>,
      %parallel_loop3A_260 = vector.shape_cast %parallel_loop3A_259 : vector<1x16xf32> to vector<16xf32>
      %parallel_loop3A_261 = vector.shape_cast %parallel_loop3A_256 : vector<16xf32> to vector<1x16xf32>
      tpu.vector_store %arg10[%parallel_loop3A_257, %parallel_loop3A_258], %parallel_loop3A_261 {strides = array<i32>} : memref<128x128xf32, #tpu.memory_space<vmem>>, vector<1x16xf32>,
      %parallel_loop3A_262 = arith.index_cast %parallel_loop3A_213 : i32 to index
      %parallel_loop3A_263 = arith.constant 64 : index
      %parallel_loop3A_264 = tpu.vector_load %arg10[%parallel_loop3A_262, %parallel_loop3A_263] {strides = array<i32>} : memref<128x128xf32, #tpu.memory_space<vmem>>, vector<1x16xf32>,
      %parallel_loop3A_265 = vector.shape_cast %parallel_loop3A_264 : vector<1x16xf32> to vector<16xf32>
      %parallel_loop3A_266 = arith.constant 11.3137083 : f32
      %parallel_loop3A_267 = vector.broadcast %parallel_loop3A_266 : f32 to vector<16xf32>
      %parallel_loop3A_268 = arith.mulf %parallel_loop3A_265, %parallel_loop3A_267 : vector<16xf32>
      %parallel_loop3A_269 = arith.index_cast %parallel_loop3A_213 : i32 to index
      %parallel_loop3A_270 = arith.constant 64 : index
      %parallel_loop3A_271 = tpu.vector_load %arg10[%parallel_loop3A_269, %parallel_loop3A_270] {strides = array<i32>} : memref<128x128xf32, #tpu.memory_space<vmem>>, vector<1x16xf32>,
      %parallel_loop3A_272 = vector.shape_cast %parallel_loop3A_271 : vector<1x16xf32> to vector<16xf32>
      %parallel_loop3A_273 = vector.shape_cast %parallel_loop3A_268 : vector<16xf32> to vector<1x16xf32>
      tpu.vector_store %arg10[%parallel_loop3A_269, %parallel_loop3A_270], %parallel_loop3A_273 {strides = array<i32>} : memref<128x128xf32, #tpu.memory_space<vmem>>, vector<1x16xf32>,
      %parallel_loop3A_274 = arith.index_cast %parallel_loop3A_213 : i32 to index
      %parallel_loop3A_275 = arith.constant 80 : index
      %parallel_loop3A_276 = tpu.vector_load %arg10[%parallel_loop3A_274, %parallel_loop3A_275] {strides = array<i32>} : memref<128x128xf32, #tpu.memory_space<vmem>>, vector<1x16xf32>,
      %parallel_loop3A_277 = vector.shape_cast %parallel_loop3A_276 : vector<1x16xf32> to vector<16xf32>
      %parallel_loop3A_278 = arith.constant 11.3137083 : f32
      %parallel_loop3A_279 = vector.broadcast %parallel_loop3A_278 : f32 to vector<16xf32>
      %parallel_loop3A_280 = arith.mulf %parallel_loop3A_277, %parallel_loop3A_279 : vector<16xf32>
      %parallel_loop3A_281 = arith.index_cast %parallel_loop3A_213 : i32 to index
      %parallel_loop3A_282 = arith.constant 80 : index
      %parallel_loop3A_283 = tpu.vector_load %arg10[%parallel_loop3A_281, %parallel_loop3A_282] {strides = array<i32>} : memref<128x128xf32, #tpu.memory_space<vmem>>, vector<1x16xf32>,
      %parallel_loop3A_284 = vector.shape_cast %parallel_loop3A_283 : vector<1x16xf32> to vector<16xf32>
      %parallel_loop3A_285 = vector.shape_cast %parallel_loop3A_280 : vector<16xf32> to vector<1x16xf32>
      tpu.vector_store %arg10[%parallel_loop3A_281, %parallel_loop3A_282], %parallel_loop3A_285 {strides = array<i32>} : memref<128x128xf32, #tpu.memory_space<vmem>>, vector<1x16xf32>,
      %parallel_loop3A_286 = arith.index_cast %parallel_loop3A_213 : i32 to index
      %parallel_loop3A_287 = arith.constant 96 : index
      %parallel_loop3A_288 = tpu.vector_load %arg10[%parallel_loop3A_286, %parallel_loop3A_287] {strides = array<i32>} : memref<128x128xf32, #tpu.memory_space<vmem>>, vector<1x16xf32>,
      %parallel_loop3A_289 = vector.shape_cast %parallel_loop3A_288 : vector<1x16xf32> to vector<16xf32>
      %parallel_loop3A_290 = arith.constant 11.3137083 : f32
      %parallel_loop3A_291 = vector.broadcast %parallel_loop3A_290 : f32 to vector<16xf32>
      %parallel_loop3A_292 = arith.mulf %parallel_loop3A_289, %parallel_loop3A_291 : vector<16xf32>
      %parallel_loop3A_293 = arith.index_cast %parallel_loop3A_213 : i32 to index
      %parallel_loop3A_294 = arith.constant 96 : index
      %parallel_loop3A_295 = tpu.vector_load %arg10[%parallel_loop3A_293, %parallel_loop3A_294] {strides = array<i32>} : memref<128x128xf32, #tpu.memory_space<vmem>>, vector<1x16xf32>,
      %parallel_loop3A_296 = vector.shape_cast %parallel_loop3A_295 : vector<1x16xf32> to vector<16xf32>
      %parallel_loop3A_297 = vector.shape_cast %parallel_loop3A_292 : vector<16xf32> to vector<1x16xf32>
      tpu.vector_store %arg10[%parallel_loop3A_293, %parallel_loop3A_294], %parallel_loop3A_297 {strides = array<i32>} : memref<128x128xf32, #tpu.memory_space<vmem>>, vector<1x16xf32>,
      %parallel_loop3A_298 = arith.index_cast %parallel_loop3A_213 : i32 to index
      %parallel_loop3A_299 = arith.constant 112 : index
      %parallel_loop3A_300 = tpu.vector_load %arg10[%parallel_loop3A_298, %parallel_loop3A_299] {strides = array<i32>} : memref<128x128xf32, #tpu.memory_space<vmem>>, vector<1x16xf32>,
      %parallel_loop3A_301 = vector.shape_cast %parallel_loop3A_300 : vector<1x16xf32> to vector<16xf32>
      %parallel_loop3A_302 = arith.constant 11.3137083 : f32
      %parallel_loop3A_303 = vector.broadcast %parallel_loop3A_302 : f32 to vector<16xf32>
      %parallel_loop3A_304 = arith.mulf %parallel_loop3A_301, %parallel_loop3A_303 : vector<16xf32>
      %parallel_loop3A_305 = arith.index_cast %parallel_loop3A_213 : i32 to index
      %parallel_loop3A_306 = arith.constant 112 : index
      %parallel_loop3A_307 = tpu.vector_load %arg10[%parallel_loop3A_305, %parallel_loop3A_306] {strides = array<i32>} : memref<128x128xf32, #tpu.memory_space<vmem>>, vector<1x16xf32>,
      %parallel_loop3A_308 = vector.shape_cast %parallel_loop3A_307 : vector<1x16xf32> to vector<16xf32>
      %parallel_loop3A_309 = vector.shape_cast %parallel_loop3A_304 : vector<16xf32> to vector<1x16xf32>
      tpu.vector_store %arg10[%parallel_loop3A_305, %parallel_loop3A_306], %parallel_loop3A_309 {strides = array<i32>} : memref<128x128xf32, #tpu.memory_space<vmem>>, vector<1x16xf32>,
    } {sc.loop_unroll_factor = 4 : i64, sc.parallel_access}
    %dma_start3A_164 = arith.constant 3 : i32
    %dma_start3A_165 = arith.constant 0 : i32
    %dma_start3A_166 = arith.constant 0 : i32
    %dma_start3A_167 = tpu.memref_slice %arg10[%dma_start3A_165, %dma_start3A_166] : memref<128x128xf32, #tpu.memory_space<vmem>> -> memref<128x128xf32, #tpu.memory_space<vmem>>
    %dma_start3A_168 = arith.constant 0 : i32
    %dma_start3A_169 = tpu.memref_slice %arg6[%dma_start3A_164, %dma_start3A_168] : memref<200x128xi32, #tpu.memory_space<vmem>> -> memref<1x128xi32, #tpu.memory_space<vmem>>
    %dma_start3A_170 = tpu.memref_squeeze %dma_start3A_169 : memref<1x128xi32, #tpu.memory_space<vmem>> -> memref<128xi32, #tpu.memory_space<vmem>>
    %dma_start3A_171 = arith.constant 0 : i32
    %dma_start3A_172 = arith.constant 0 : i32
    %dma_start3A_173 = tpu.memref_slice %arg4[%dma_start3A_171, %dma_start3A_172] : memref<1024x128xf32, #tpu.memory_space<hbm>> -> memref<1024x128xf32, #tpu.memory_space<hbm>>
    tpu.enqueue_indirect_dma source(%dma_start3A_173 : memref<1024x128xf32, #tpu.memory_space<hbm>>) target(%dma_start3A_167 : memref<128x128xf32, #tpu.memory_space<vmem>>) offsets(%dma_start3A_170 : memref<128xi32, #tpu.memory_space<vmem>>) semaphore(%arg18 : memref<!tpu.dma_semaphore, #tpu.memory_space<semaphore_mem>>) {add = true}
    %add3A_174 = arith.constant 256 : i32
    %add3A_175 = arith.addi %mul3A_2, %add3A_174 : i32
    %dma_wait3A_176 = arith.constant 0 : i32
    %dma_wait3A_177 = tpu.memref_slice %arg5[%add3A_175, %dma_wait3A_176] : memref<819200x128xf32, #tpu.memory_space<hbm>> -> memref<128x128xf32, #tpu.memory_space<hbm>>
    %dma_wait3A_178 = arith.constant 0 : i32
    %dma_wait3A_179 = tpu.memref_slice %arg5[%add3A_175, %dma_wait3A_178] : memref<819200x128xf32, #tpu.memory_space<hbm>> -> memref<128x128xf32, #tpu.memory_space<hbm>>
    tpu.wait_dma2 semaphore(%arg21 : memref<!tpu.dma_semaphore, #tpu.memory_space<semaphore_mem>>) src(%arg9 : memref<128x128xf32, #tpu.memory_space<vmem>>) dst(%dma_wait3A_179 : memref<128x128xf32, #tpu.memory_space<hbm>>)
    %add3A_180 = arith.constant 768 : i32
    %add3A_181 = arith.addi %mul3A_2, %add3A_180 : i32
    %dma_start3A_182 = arith.constant 0 : i32
    %dma_start3A_183 = tpu.memref_slice %arg2[%add3A_181, %dma_start3A_182] : memref<819200x128xf32, #tpu.memory_space<hbm>> -> memref<128x128xf32, #tpu.memory_space<hbm>>
    %dma_start3A_184 = arith.constant 0 : i32
    %dma_start3A_185 = tpu.memref_slice %arg2[%add3A_181, %dma_start3A_184] : memref<819200x128xf32, #tpu.memory_space<hbm>> -> memref<128x128xf32, #tpu.memory_space<hbm>>
    tpu.enqueue_dma source(%dma_start3A_185 : memref<128x128xf32, #tpu.memory_space<hbm>>) target(%arg9 : memref<128x128xf32, #tpu.memory_space<vmem>>) target_semaphore(%arg13 : memref<!tpu.dma_semaphore, #tpu.memory_space<semaphore_mem>>)
    %dma_wait3A_186 = arith.constant 3 : i32
    %dma_wait3A_187 = arith.constant 0 : i32
    %dma_wait3A_188 = arith.constant 0 : i32
    %dma_wait3A_189 = tpu.memref_slice %arg10[%dma_wait3A_187, %dma_wait3A_188] : memref<128x128xf32, #tpu.memory_space<vmem>> -> memref<128x128xf32, #tpu.memory_space<vmem>>
    %dma_wait3A_190 = arith.constant 0 : i32
    %dma_wait3A_191 = tpu.memref_slice %arg6[%dma_wait3A_186, %dma_wait3A_190] : memref<200x128xi32, #tpu.memory_space<vmem>> -> memref<1x128xi32, #tpu.memory_space<vmem>>
    %dma_wait3A_192 = tpu.memref_squeeze %dma_wait3A_191 : memref<1x128xi32, #tpu.memory_space<vmem>> -> memref<128xi32, #tpu.memory_space<vmem>>
    %dma_wait3A_193 = arith.constant 0 : i32
    %dma_wait3A_194 = arith.constant 0 : i32
    %dma_wait3A_195 = tpu.memref_slice %arg4[%dma_wait3A_193, %dma_wait3A_194] : memref<1024x128xf32, #tpu.memory_space<hbm>> -> memref<1024x128xf32, #tpu.memory_space<hbm>>
    tpu.wait_indirect_dma semaphore(%arg18 : memref<!tpu.dma_semaphore, #tpu.memory_space<semaphore_mem>>) src(%dma_wait3A_195 : memref<1024x128xf32, #tpu.memory_space<hbm>>) dst(%dma_wait3A_189 : memref<128x128xf32, #tpu.memory_space<vmem>>)
    %add3A_196 = arith.constant 384 : i32
    %add3A_197 = arith.addi %mul3A_2, %add3A_196 : i32
    %dma_start3A_198 = arith.constant 0 : i32
    %dma_start3A_199 = tpu.memref_slice %arg5[%add3A_197, %dma_start3A_198] : memref<819200x128xf32, #tpu.memory_space<hbm>> -> memref<128x128xf32, #tpu.memory_space<hbm>>
    %dma_start3A_200 = arith.constant 0 : i32
    %dma_start3A_201 = tpu.memref_slice %arg5[%add3A_197, %dma_start3A_200] : memref<819200x128xf32, #tpu.memory_space<hbm>> -> memref<128x128xf32, #tpu.memory_space<hbm>>
    tpu.enqueue_dma source(%arg10 : memref<128x128xf32, #tpu.memory_space<vmem>>) target(%dma_start3A_201 : memref<128x128xf32, #tpu.memory_space<hbm>>) target_semaphore(%arg22 : memref<!tpu.dma_semaphore, #tpu.memory_space<semaphore_mem>>)
    %scan3A = arith.constant 0 : i32
    %scan3A_202 = arith.constant 1 : i32
    %scan3A_203 = arith.constant 49 : i32
    %scan3A_204 = arith.addi %scan3A_202, %scan3A_203 : i32
    %scan3A_205 = arith.constant 1 : i32
    scf.for %scan3A_213 = %scan3A_202 to %scan3A_204 step %scan3A_205  : i32 {
      %mul3A_214 = arith.constant 4 : i32
      %mul3A_215 = arith.muli %mul3A_214, %scan3A_213 : i32
      %add3A_216 = arith.constant 0 : i32
      %add3A_217 = arith.addi %mul3A_215, %add3A_216 : i32
      %mul3A_218 = arith.constant 128 : i32
      %mul3A_219 = arith.muli %add3A_217, %mul3A_218 : i32
      %add3A_220 = arith.addi %mul3A_2, %mul3A_219 : i32
      %dma_wait3A_221 = arith.constant 0 : i32
      %dma_wait3A_222 = tpu.memref_slice %arg2[%add3A_220, %dma_wait3A_221] : memref<819200x128xf32, #tpu.memory_space<hbm>> -> memref<128x128xf32, #tpu.memory_space<hbm>>
      %dma_wait3A_223 = arith.constant 0 : i32
      %dma_wait3A_224 = tpu.memref_slice %arg2[%add3A_220, %dma_wait3A_223] : memref<819200x128xf32, #tpu.memory_space<hbm>> -> memref<128x128xf32, #tpu.memory_space<hbm>>
      tpu.wait_dma2 semaphore(%arg11 : memref<!tpu.dma_semaphore, #tpu.memory_space<semaphore_mem>>) src(%dma_wait3A_224 : memref<128x128xf32, #tpu.memory_space<hbm>>) dst(%arg7 : memref<128x128xf32, #tpu.memory_space<vmem>>)
      %parallel_loop3A_225 = arith.constant 0 : i32
      %parallel_loop3A_226 = arith.constant 128 : i32
      %parallel_loop3A_227 = arith.constant 1 : i32
      scf.for %parallel_loop3A_454 = %parallel_loop3A_225 to %parallel_loop3A_226 step %parallel_loop3A_227  : i32 {
        %parallel_loop3A_455 = arith.index_cast %parallel_loop3A_454 : i32 to index
        %parallel_loop3A_456 = arith.constant 0 : index
        %parallel_loop3A_457 = tpu.vector_load %arg7[%parallel_loop3A_455, %parallel_loop3A_456] {strides = array<i32>} : memref<128x128xf32, #tpu.memory_space<vmem>>, vector<1x16xf32>,
        %parallel_loop3A_458 = vector.shape_cast %parallel_loop3A_457 : vector<1x16xf32> to vector<16xf32>
        %parallel_loop3A_459 = arith.constant 11.3137083 : f32
        %parallel_loop3A_460 = vector.broadcast %parallel_loop3A_459 : f32 to vector<16xf32>
        %parallel_loop3A_461 = arith.mulf %parallel_loop3A_458, %parallel_loop3A_460 : vector<16xf32>
        %parallel_loop3A_462 = arith.index_cast %parallel_loop3A_454 : i32 to index
        %parallel_loop3A_463 = arith.constant 0 : index
        %parallel_loop3A_464 = tpu.vector_load %arg7[%parallel_loop3A_462, %parallel_loop3A_463] {strides = array<i32>} : memref<128x128xf32, #tpu.memory_space<vmem>>, vector<1x16xf32>,
        %parallel_loop3A_465 = vector.shape_cast %parallel_loop3A_464 : vector<1x16xf32> to vector<16xf32>
        %parallel_loop3A_466 = vector.shape_cast %parallel_loop3A_461 : vector<16xf32> to vector<1x16xf32>
        tpu.vector_store %arg7[%parallel_loop3A_462, %parallel_loop3A_463], %parallel_loop3A_466 {strides = array<i32>} : memref<128x128xf32, #tpu.memory_space<vmem>>, vector<1x16xf32>,
        %parallel_loop3A_467 = arith.index_cast %parallel_loop3A_454 : i32 to index
        %parallel_loop3A_468 = arith.constant 16 : index
        %parallel_loop3A_469 = tpu.vector_load %arg7[%parallel_loop3A_467, %parallel_loop3A_468] {strides = array<i32>} : memref<128x128xf32, #tpu.memory_space<vmem>>, vector<1x16xf32>,
        %parallel_loop3A_470 = vector.shape_cast %parallel_loop3A_469 : vector<1x16xf32> to vector<16xf32>
        %parallel_loop3A_471 = arith.constant 11.3137083 : f32
        %parallel_loop3A_472 = vector.broadcast %parallel_loop3A_471 : f32 to vector<16xf32>
        %parallel_loop3A_473 = arith.mulf %parallel_loop3A_470, %parallel_loop3A_472 : vector<16xf32>
        %parallel_loop3A_474 = arith.index_cast %parallel_loop3A_454 : i32 to index
        %parallel_loop3A_475 = arith.constant 16 : index
        %parallel_loop3A_476 = tpu.vector_load %arg7[%parallel_loop3A_474, %parallel_loop3A_475] {strides = array<i32>} : memref<128x128xf32, #tpu.memory_space<vmem>>, vector<1x16xf32>,
        %parallel_loop3A_477 = vector.shape_cast %parallel_loop3A_476 : vector<1x16xf32> to vector<16xf32>
        %parallel_loop3A_478 = vector.shape_cast %parallel_loop3A_473 : vector<16xf32> to vector<1x16xf32>
        tpu.vector_store %arg7[%parallel_loop3A_474, %parallel_loop3A_475], %parallel_loop3A_478 {strides = array<i32>} : memref<128x128xf32, #tpu.memory_space<vmem>>, vector<1x16xf32>,
        %parallel_loop3A_479 = arith.index_cast %parallel_loop3A_454 : i32 to index
        %parallel_loop3A_480 = arith.constant 32 : index
        %parallel_loop3A_481 = tpu.vector_load %arg7[%parallel_loop3A_479, %parallel_loop3A_480] {strides = array<i32>} : memref<128x128xf32, #tpu.memory_space<vmem>>, vector<1x16xf32>,
        %parallel_loop3A_482 = vector.shape_cast %parallel_loop3A_481 : vector<1x16xf32> to vector<16xf32>
        %parallel_loop3A_483 = arith.constant 11.3137083 : f32
        %parallel_loop3A_484 = vector.broadcast %parallel_loop3A_483 : f32 to vector<16xf32>
        %parallel_loop3A_485 = arith.mulf %parallel_loop3A_482, %parallel_loop3A_484 : vector<16xf32>
        %parallel_loop3A_486 = arith.index_cast %parallel_loop3A_454 : i32 to index
        %parallel_loop3A_487 = arith.constant 32 : index
        %parallel_loop3A_488 = tpu.vector_load %arg7[%parallel_loop3A_486, %parallel_loop3A_487] {strides = array<i32>} : memref<128x128xf32, #tpu.memory_space<vmem>>, vector<1x16xf32>,
        %parallel_loop3A_489 = vector.shape_cast %parallel_loop3A_488 : vector<1x16xf32> to vector<16xf32>
        %parallel_loop3A_490 = vector.shape_cast %parallel_loop3A_485 : vector<16xf32> to vector<1x16xf32>
        tpu.vector_store %arg7[%parallel_loop3A_486, %parallel_loop3A_487], %parallel_loop3A_490 {strides = array<i32>} : memref<128x128xf32, #tpu.memory_space<vmem>>, vector<1x16xf32>,
        %parallel_loop3A_491 = arith.index_cast %parallel_loop3A_454 : i32 to index
        %parallel_loop3A_492 = arith.constant 48 : index
        %parallel_loop3A_493 = tpu.vector_load %arg7[%parallel_loop3A_491, %parallel_loop3A_492] {strides = array<i32>} : memref<128x128xf32, #tpu.memory_space<vmem>>, vector<1x16xf32>,
        %parallel_loop3A_494 = vector.shape_cast %parallel_loop3A_493 : vector<1x16xf32> to vector<16xf32>
        %parallel_loop3A_495 = arith.constant 11.3137083 : f32
        %parallel_loop3A_496 = vector.broadcast %parallel_loop3A_495 : f32 to vector<16xf32>
        %parallel_loop3A_497 = arith.mulf %parallel_loop3A_494, %parallel_loop3A_496 : vector<16xf32>
        %parallel_loop3A_498 = arith.index_cast %parallel_loop3A_454 : i32 to index
        %parallel_loop3A_499 = arith.constant 48 : index
        %parallel_loop3A_500 = tpu.vector_load %arg7[%parallel_loop3A_498, %parallel_loop3A_499] {strides = array<i32>} : memref<128x128xf32, #tpu.memory_space<vmem>>, vector<1x16xf32>,
        %parallel_loop3A_501 = vector.shape_cast %parallel_loop3A_500 : vector<1x16xf32> to vector<16xf32>
        %parallel_loop3A_502 = vector.shape_cast %parallel_loop3A_497 : vector<16xf32> to vector<1x16xf32>
        tpu.vector_store %arg7[%parallel_loop3A_498, %parallel_loop3A_499], %parallel_loop3A_502 {strides = array<i32>} : memref<128x128xf32, #tpu.memory_space<vmem>>, vector<1x16xf32>,
        %parallel_loop3A_503 = arith.index_cast %parallel_loop3A_454 : i32 to index
        %parallel_loop3A_504 = arith.constant 64 : index
        %parallel_loop3A_505 = tpu.vector_load %arg7[%parallel_loop3A_503, %parallel_loop3A_504] {strides = array<i32>} : memref<128x128xf32, #tpu.memory_space<vmem>>, vector<1x16xf32>,
        %parallel_loop3A_506 = vector.shape_cast %parallel_loop3A_505 : vector<1x16xf32> to vector<16xf32>
        %parallel_loop3A_507 = arith.constant 11.3137083 : f32
        %parallel_loop3A_508 = vector.broadcast %parallel_loop3A_507 : f32 to vector<16xf32>
        %parallel_loop3A_509 = arith.mulf %parallel_loop3A_506, %parallel_loop3A_508 : vector<16xf32>
        %parallel_loop3A_510 = arith.index_cast %parallel_loop3A_454 : i32 to index
        %parallel_loop3A_511 = arith.constant 64 : index
        %parallel_loop3A_512 = tpu.vector_load %arg7[%parallel_loop3A_510, %parallel_loop3A_511] {strides = array<i32>} : memref<128x128xf32, #tpu.memory_space<vmem>>, vector<1x16xf32>,
        %parallel_loop3A_513 = vector.shape_cast %parallel_loop3A_512 : vector<1x16xf32> to vector<16xf32>
        %parallel_loop3A_514 = vector.shape_cast %parallel_loop3A_509 : vector<16xf32> to vector<1x16xf32>
        tpu.vector_store %arg7[%parallel_loop3A_510, %parallel_loop3A_511], %parallel_loop3A_514 {strides = array<i32>} : memref<128x128xf32, #tpu.memory_space<vmem>>, vector<1x16xf32>,
        %parallel_loop3A_515 = arith.index_cast %parallel_loop3A_454 : i32 to index
        %parallel_loop3A_516 = arith.constant 80 : index
        %parallel_loop3A_517 = tpu.vector_load %arg7[%parallel_loop3A_515, %parallel_loop3A_516] {strides = array<i32>} : memref<128x128xf32, #tpu.memory_space<vmem>>, vector<1x16xf32>,
        %parallel_loop3A_518 = vector.shape_cast %parallel_loop3A_517 : vector<1x16xf32> to vector<16xf32>
        %parallel_loop3A_519 = arith.constant 11.3137083 : f32
        %parallel_loop3A_520 = vector.broadcast %parallel_loop3A_519 : f32 to vector<16xf32>
        %parallel_loop3A_521 = arith.mulf %parallel_loop3A_518, %parallel_loop3A_520 : vector<16xf32>
        %parallel_loop3A_522 = arith.index_cast %parallel_loop3A_454 : i32 to index
        %parallel_loop3A_523 = arith.constant 80 : index
        %parallel_loop3A_524 = tpu.vector_load %arg7[%parallel_loop3A_522, %parallel_loop3A_523] {strides = array<i32>} : memref<128x128xf32, #tpu.memory_space<vmem>>, vector<1x16xf32>,
        %parallel_loop3A_525 = vector.shape_cast %parallel_loop3A_524 : vector<1x16xf32> to vector<16xf32>
        %parallel_loop3A_526 = vector.shape_cast %parallel_loop3A_521 : vector<16xf32> to vector<1x16xf32>
        tpu.vector_store %arg7[%parallel_loop3A_522, %parallel_loop3A_523], %parallel_loop3A_526 {strides = array<i32>} : memref<128x128xf32, #tpu.memory_space<vmem>>, vector<1x16xf32>,
        %parallel_loop3A_527 = arith.index_cast %parallel_loop3A_454 : i32 to index
        %parallel_loop3A_528 = arith.constant 96 : index
        %parallel_loop3A_529 = tpu.vector_load %arg7[%parallel_loop3A_527, %parallel_loop3A_528] {strides = array<i32>} : memref<128x128xf32, #tpu.memory_space<vmem>>, vector<1x16xf32>,
        %parallel_loop3A_530 = vector.shape_cast %parallel_loop3A_529 : vector<1x16xf32> to vector<16xf32>
        %parallel_loop3A_531 = arith.constant 11.3137083 : f32
        %parallel_loop3A_532 = vector.broadcast %parallel_loop3A_531 : f32 to vector<16xf32>
        %parallel_loop3A_533 = arith.mulf %parallel_loop3A_530, %parallel_loop3A_532 : vector<16xf32>
        %parallel_loop3A_534 = arith.index_cast %parallel_loop3A_454 : i32 to index
        %parallel_loop3A_535 = arith.constant 96 : index
        %parallel_loop3A_536 = tpu.vector_load %arg7[%parallel_loop3A_534, %parallel_loop3A_535] {strides = array<i32>} : memref<128x128xf32, #tpu.memory_space<vmem>>, vector<1x16xf32>,
        %parallel_loop3A_537 = vector.shape_cast %parallel_loop3A_536 : vector<1x16xf32> to vector<16xf32>
        %parallel_loop3A_538 = vector.shape_cast %parallel_loop3A_533 : vector<16xf32> to vector<1x16xf32>
        tpu.vector_store %arg7[%parallel_loop3A_534, %parallel_loop3A_535], %parallel_loop3A_538 {strides = array<i32>} : memref<128x128xf32, #tpu.memory_space<vmem>>, vector<1x16xf32>,
        %parallel_loop3A_539 = arith.index_cast %parallel_loop3A_454 : i32 to index
        %parallel_loop3A_540 = arith.constant 112 : index
        %parallel_loop3A_541 = tpu.vector_load %arg7[%parallel_loop3A_539, %parallel_loop3A_540] {strides = array<i32>} : memref<128x128xf32, #tpu.memory_space<vmem>>, vector<1x16xf32>,
        %parallel_loop3A_542 = vector.shape_cast %parallel_loop3A_541 : vector<1x16xf32> to vector<16xf32>
        %parallel_loop3A_543 = arith.constant 11.3137083 : f32
        %parallel_loop3A_544 = vector.broadcast %parallel_loop3A_543 : f32 to vector<16xf32>
        %parallel_loop3A_545 = arith.mulf %parallel_loop3A_542, %parallel_loop3A_544 : vector<16xf32>
        %parallel_loop3A_546 = arith.index_cast %parallel_loop3A_454 : i32 to index
        %parallel_loop3A_547 = arith.constant 112 : index
        %parallel_loop3A_548 = tpu.vector_load %arg7[%parallel_loop3A_546, %parallel_loop3A_547] {strides = array<i32>} : memref<128x128xf32, #tpu.memory_space<vmem>>, vector<1x16xf32>,
        %parallel_loop3A_549 = vector.shape_cast %parallel_loop3A_548 : vector<1x16xf32> to vector<16xf32>
        %parallel_loop3A_550 = vector.shape_cast %parallel_loop3A_545 : vector<16xf32> to vector<1x16xf32>
        tpu.vector_store %arg7[%parallel_loop3A_546, %parallel_loop3A_547], %parallel_loop3A_550 {strides = array<i32>} : memref<128x128xf32, #tpu.memory_space<vmem>>, vector<1x16xf32>,
      } {sc.loop_unroll_factor = 4 : i64, sc.parallel_access}
      %mul3A_228 = arith.constant 1 : i32
      %mul3A_229 = arith.muli %add3A_217, %mul3A_228 : i32
      %add3A_230 = arith.constant 0 : i32
      %add3A_231 = arith.addi %mul3A_229, %add3A_230 : i32
      %dma_start3A_232 = arith.constant 0 : i32
      %dma_start3A_233 = arith.constant 0 : i32
      %dma_start3A_234 = tpu.memref_slice %arg7[%dma_start3A_232, %dma_start3A_233] : memref<128x128xf32, #tpu.memory_space<vmem>> -> memref<128x128xf32, #tpu.memory_space<vmem>>
      %dma_start3A_235 = arith.constant 0 : i32
      %dma_start3A_236 = tpu.memref_slice %arg6[%add3A_231, %dma_start3A_235] : memref<200x128xi32, #tpu.memory_space<vmem>> -> memref<1x128xi32, #tpu.memory_space<vmem>>
      %dma_start3A_237 = tpu.memref_squeeze %dma_start3A_236 : memref<1x128xi32, #tpu.memory_space<vmem>> -> memref<128xi32, #tpu.memory_space<vmem>>
      %dma_start3A_238 = arith.constant 0 : i32
      %dma_start3A_239 = arith.constant 0 : i32
      %dma_start3A_240 = tpu.memref_slice %arg4[%dma_start3A_238, %dma_start3A_239] : memref<1024x128xf32, #tpu.memory_space<hbm>> -> memref<1024x128xf32, #tpu.memory_space<hbm>>
      tpu.enqueue_indirect_dma source(%dma_start3A_240 : memref<1024x128xf32, #tpu.memory_space<hbm>>) target(%dma_start3A_234 : memref<128x128xf32, #tpu.memory_space<vmem>>) offsets(%dma_start3A_237 : memref<128xi32, #tpu.memory_space<vmem>>) semaphore(%arg15 : memref<!tpu.dma_semaphore, #tpu.memory_space<semaphore_mem>>) {add = true}
      %sub3A = arith.constant 1 : i32
      %sub3A_241 = arith.subi %add3A_217, %sub3A : i32
      %mul3A_242 = arith.constant 128 : i32
      %mul3A_243 = arith.muli %sub3A_241, %mul3A_242 : i32
      %add3A_244 = arith.addi %mul3A_2, %mul3A_243 : i32
      %dma_wait3A_245 = arith.constant 0 : i32
      %dma_wait3A_246 = tpu.memref_slice %arg5[%add3A_244, %dma_wait3A_245] : memref<819200x128xf32, #tpu.memory_space<hbm>> -> memref<128x128xf32, #tpu.memory_space<hbm>>
      %dma_wait3A_247 = arith.constant 0 : i32
      %dma_wait3A_248 = tpu.memref_slice %arg5[%add3A_244, %dma_wait3A_247] : memref<819200x128xf32, #tpu.memory_space<hbm>> -> memref<128x128xf32, #tpu.memory_space<hbm>>
      tpu.wait_dma2 semaphore(%arg22 : memref<!tpu.dma_semaphore, #tpu.memory_space<semaphore_mem>>) src(%arg10 : memref<128x128xf32, #tpu.memory_space<vmem>>) dst(%dma_wait3A_248 : memref<128x128xf32, #tpu.memory_space<hbm>>)
      %add3A_249 = arith.constant 4 : i32
      %add3A_250 = arith.addi %add3A_217, %add3A_249 : i32
      %sub3A_251 = arith.constant 1 : i32
      %sub3A_252 = arith.subi %add3A_250, %sub3A_251 : i32
      %lt3A = arith.constant 200 : i32
      %lt3A_253 = arith.cmpi slt, %sub3A_252, %lt3A : i32
      %convert_element_type3A = arith.extui %lt3A_253 : i1 to i32
      %cond3A = arith.constant 0 : i32
      %cond3A_254 = arith.cmpi ne, %convert_element_type3A, %cond3A : i32
      scf.if %cond3A_254 {
        %add3A_454 = arith.constant 4 : i32
        %add3A_455 = arith.addi %add3A_217, %add3A_454 : i32
        %sub3A_456 = arith.constant 1 : i32
        %sub3A_457 = arith.subi %add3A_455, %sub3A_456 : i32
        %mul3A_458 = arith.constant 128 : i32
        %mul3A_459 = arith.muli %sub3A_457, %mul3A_458 : i32
        %add3A_460 = arith.addi %mul3A_2, %mul3A_459 : i32
        %dma_start3A_461 = arith.constant 0 : i32
        %dma_start3A_462 = tpu.memref_slice %arg2[%add3A_460, %dma_start3A_461] : memref<819200x128xf32, #tpu.memory_space<hbm>> -> memref<128x128xf32, #tpu.memory_space<hbm>>
        %dma_start3A_463 = arith.constant 0 : i32
        %dma_start3A_464 = tpu.memref_slice %arg2[%add3A_460, %dma_start3A_463] : memref<819200x128xf32, #tpu.memory_space<hbm>> -> memref<128x128xf32, #tpu.memory_space<hbm>>
        tpu.enqueue_dma source(%dma_start3A_464 : memref<128x128xf32, #tpu.memory_space<hbm>>) target(%arg10 : memref<128x128xf32, #tpu.memory_space<vmem>>) target_semaphore(%arg14 : memref<!tpu.dma_semaphore, #tpu.memory_space<semaphore_mem>>)
      } else {
      }
      %dma_wait3A_255 = arith.constant 0 : i32
      %dma_wait3A_256 = arith.constant 0 : i32
      %dma_wait3A_257 = tpu.memref_slice %arg7[%dma_wait3A_255, %dma_wait3A_256] : memref<128x128xf32, #tpu.memory_space<vmem>> -> memref<128x128xf32, #tpu.memory_space<vmem>>
      %dma_wait3A_258 = arith.constant 0 : i32
      %dma_wait3A_259 = tpu.memref_slice %arg6[%add3A_231, %dma_wait3A_258] : memref<200x128xi32, #tpu.memory_space<vmem>> -> memref<1x128xi32, #tpu.memory_space<vmem>>
      %dma_wait3A_260 = tpu.memref_squeeze %dma_wait3A_259 : memref<1x128xi32, #tpu.memory_space<vmem>> -> memref<128xi32, #tpu.memory_space<vmem>>
      %dma_wait3A_261 = arith.constant 0 : i32
      %dma_wait3A_262 = arith.constant 0 : i32
      %dma_wait3A_263 = tpu.memref_slice %arg4[%dma_wait3A_261, %dma_wait3A_262] : memref<1024x128xf32, #tpu.memory_space<hbm>> -> memref<1024x128xf32, #tpu.memory_space<hbm>>
      tpu.wait_indirect_dma semaphore(%arg15 : memref<!tpu.dma_semaphore, #tpu.memory_space<semaphore_mem>>) src(%dma_wait3A_263 : memref<1024x128xf32, #tpu.memory_space<hbm>>) dst(%dma_wait3A_257 : memref<128x128xf32, #tpu.memory_space<vmem>>)
      %mul3A_264 = arith.constant 128 : i32
      %mul3A_265 = arith.muli %add3A_217, %mul3A_264 : i32
      %add3A_266 = arith.addi %mul3A_2, %mul3A_265 : i32
      %dma_start3A_267 = arith.constant 0 : i32
      %dma_start3A_268 = tpu.memref_slice %arg5[%add3A_266, %dma_start3A_267] : memref<819200x128xf32, #tpu.memory_space<hbm>> -> memref<128x128xf32, #tpu.memory_space<hbm>>
      %dma_start3A_269 = arith.constant 0 : i32
      %dma_start3A_270 = tpu.memref_slice %arg5[%add3A_266, %dma_start3A_269] : memref<819200x128xf32, #tpu.memory_space<hbm>> -> memref<128x128xf32, #tpu.memory_space<hbm>>
      tpu.enqueue_dma source(%arg7 : memref<128x128xf32, #tpu.memory_space<vmem>>) target(%dma_start3A_270 : memref<128x128xf32, #tpu.memory_space<hbm>>) target_semaphore(%arg19 : memref<!tpu.dma_semaphore, #tpu.memory_space<semaphore_mem>>)
      %mul3A_271 = arith.constant 4 : i32
      %mul3A_272 = arith.muli %mul3A_271, %scan3A_213 : i32
      %add3A_273 = arith.constant 1 : i32
      %add3A_274 = arith.addi %mul3A_272, %add3A_273 : i32
      %mul3A_275 = arith.constant 128 : i32
      %mul3A_276 = arith.muli %add3A_274, %mul3A_275 : i32
      %add3A_277 = arith.addi %mul3A_2, %mul3A_276 : i32
      %dma_wait3A_278 = arith.constant 0 : i32
      %dma_wait3A_279 = tpu.memref_slice %arg2[%add3A_277, %dma_wait3A_278] : memref<819200x128xf32, #tpu.memory_space<hbm>> -> memref<128x128xf32, #tpu.memory_space<hbm>>
      %dma_wait3A_280 = arith.constant 0 : i32
      %dma_wait3A_281 = tpu.memref_slice %arg2[%add3A_277, %dma_wait3A_280] : memref<819200x128xf32, #tpu.memory_space<hbm>> -> memref<128x128xf32, #tpu.memory_space<hbm>>
      tpu.wait_dma2 semaphore(%arg12 : memref<!tpu.dma_semaphore, #tpu.memory_space<semaphore_mem>>) src(%dma_wait3A_281 : memref<128x128xf32, #tpu.memory_space<hbm>>) dst(%arg8 : memref<128x128xf32, #tpu.memory_space<vmem>>)
      %parallel_loop3A_282 = arith.constant 0 : i32
      %parallel_loop3A_283 = arith.constant 128 : i32
      %parallel_loop3A_284 = arith.constant 1 : i32
      scf.for %parallel_loop3A_454 = %parallel_loop3A_282 to %parallel_loop3A_283 step %parallel_loop3A_284  : i32 {
        %parallel_loop3A_455 = arith.index_cast %parallel_loop3A_454 : i32 to index
        %parallel_loop3A_456 = arith.constant 0 : index
        %parallel_loop3A_457 = tpu.vector_load %arg8[%parallel_loop3A_455, %parallel_loop3A_456] {strides = array<i32>} : memref<128x128xf32, #tpu.memory_space<vmem>>, vector<1x16xf32>,
        %parallel_loop3A_458 = vector.shape_cast %parallel_loop3A_457 : vector<1x16xf32> to vector<16xf32>
        %parallel_loop3A_459 = arith.constant 11.3137083 : f32
        %parallel_loop3A_460 = vector.broadcast %parallel_loop3A_459 : f32 to vector<16xf32>
        %parallel_loop3A_461 = arith.mulf %parallel_loop3A_458, %parallel_loop3A_460 : vector<16xf32>
        %parallel_loop3A_462 = arith.index_cast %parallel_loop3A_454 : i32 to index
        %parallel_loop3A_463 = arith.constant 0 : index
        %parallel_loop3A_464 = tpu.vector_load %arg8[%parallel_loop3A_462, %parallel_loop3A_463] {strides = array<i32>} : memref<128x128xf32, #tpu.memory_space<vmem>>, vector<1x16xf32>,
        %parallel_loop3A_465 = vector.shape_cast %parallel_loop3A_464 : vector<1x16xf32> to vector<16xf32>
        %parallel_loop3A_466 = vector.shape_cast %parallel_loop3A_461 : vector<16xf32> to vector<1x16xf32>
        tpu.vector_store %arg8[%parallel_loop3A_462, %parallel_loop3A_463], %parallel_loop3A_466 {strides = array<i32>} : memref<128x128xf32, #tpu.memory_space<vmem>>, vector<1x16xf32>,
        %parallel_loop3A_467 = arith.index_cast %parallel_loop3A_454 : i32 to index
        %parallel_loop3A_468 = arith.constant 16 : index
        %parallel_loop3A_469 = tpu.vector_load %arg8[%parallel_loop3A_467, %parallel_loop3A_468] {strides = array<i32>} : memref<128x128xf32, #tpu.memory_space<vmem>>, vector<1x16xf32>,
        %parallel_loop3A_470 = vector.shape_cast %parallel_loop3A_469 : vector<1x16xf32> to vector<16xf32>
        %parallel_loop3A_471 = arith.constant 11.3137083 : f32
        %parallel_loop3A_472 = vector.broadcast %parallel_loop3A_471 : f32 to vector<16xf32>
        %parallel_loop3A_473 = arith.mulf %parallel_loop3A_470, %parallel_loop3A_472 : vector<16xf32>
        %parallel_loop3A_474 = arith.index_cast %parallel_loop3A_454 : i32 to index
        %parallel_loop3A_475 = arith.constant 16 : index
        %parallel_loop3A_476 = tpu.vector_load %arg8[%parallel_loop3A_474, %parallel_loop3A_475] {strides = array<i32>} : memref<128x128xf32, #tpu.memory_space<vmem>>, vector<1x16xf32>,
        %parallel_loop3A_477 = vector.shape_cast %parallel_loop3A_476 : vector<1x16xf32> to vector<16xf32>
        %parallel_loop3A_478 = vector.shape_cast %parallel_loop3A_473 : vector<16xf32> to vector<1x16xf32>
        tpu.vector_store %arg8[%parallel_loop3A_474, %parallel_loop3A_475], %parallel_loop3A_478 {strides = array<i32>} : memref<128x128xf32, #tpu.memory_space<vmem>>, vector<1x16xf32>,
        %parallel_loop3A_479 = arith.index_cast %parallel_loop3A_454 : i32 to index
        %parallel_loop3A_480 = arith.constant 32 : index
        %parallel_loop3A_481 = tpu.vector_load %arg8[%parallel_loop3A_479, %parallel_loop3A_480] {strides = array<i32>} : memref<128x128xf32, #tpu.memory_space<vmem>>, vector<1x16xf32>,
        %parallel_loop3A_482 = vector.shape_cast %parallel_loop3A_481 : vector<1x16xf32> to vector<16xf32>
        %parallel_loop3A_483 = arith.constant 11.3137083 : f32
        %parallel_loop3A_484 = vector.broadcast %parallel_loop3A_483 : f32 to vector<16xf32>
        %parallel_loop3A_485 = arith.mulf %parallel_loop3A_482, %parallel_loop3A_484 : vector<16xf32>
        %parallel_loop3A_486 = arith.index_cast %parallel_loop3A_454 : i32 to index
        %parallel_loop3A_487 = arith.constant 32 : index
        %parallel_loop3A_488 = tpu.vector_load %arg8[%parallel_loop3A_486, %parallel_loop3A_487] {strides = array<i32>} : memref<128x128xf32, #tpu.memory_space<vmem>>, vector<1x16xf32>,
        %parallel_loop3A_489 = vector.shape_cast %parallel_loop3A_488 : vector<1x16xf32> to vector<16xf32>
        %parallel_loop3A_490 = vector.shape_cast %parallel_loop3A_485 : vector<16xf32> to vector<1x16xf32>
        tpu.vector_store %arg8[%parallel_loop3A_486, %parallel_loop3A_487], %parallel_loop3A_490 {strides = array<i32>} : memref<128x128xf32, #tpu.memory_space<vmem>>, vector<1x16xf32>,
        %parallel_loop3A_491 = arith.index_cast %parallel_loop3A_454 : i32 to index
        %parallel_loop3A_492 = arith.constant 48 : index
        %parallel_loop3A_493 = tpu.vector_load %arg8[%parallel_loop3A_491, %parallel_loop3A_492] {strides = array<i32>} : memref<128x128xf32, #tpu.memory_space<vmem>>, vector<1x16xf32>,
        %parallel_loop3A_494 = vector.shape_cast %parallel_loop3A_493 : vector<1x16xf32> to vector<16xf32>
        %parallel_loop3A_495 = arith.constant 11.3137083 : f32
        %parallel_loop3A_496 = vector.broadcast %parallel_loop3A_495 : f32 to vector<16xf32>
        %parallel_loop3A_497 = arith.mulf %parallel_loop3A_494, %parallel_loop3A_496 : vector<16xf32>
        %parallel_loop3A_498 = arith.index_cast %parallel_loop3A_454 : i32 to index
        %parallel_loop3A_499 = arith.constant 48 : index
        %parallel_loop3A_500 = tpu.vector_load %arg8[%parallel_loop3A_498, %parallel_loop3A_499] {strides = array<i32>} : memref<128x128xf32, #tpu.memory_space<vmem>>, vector<1x16xf32>,
        %parallel_loop3A_501 = vector.shape_cast %parallel_loop3A_500 : vector<1x16xf32> to vector<16xf32>
        %parallel_loop3A_502 = vector.shape_cast %parallel_loop3A_497 : vector<16xf32> to vector<1x16xf32>
        tpu.vector_store %arg8[%parallel_loop3A_498, %parallel_loop3A_499], %parallel_loop3A_502 {strides = array<i32>} : memref<128x128xf32, #tpu.memory_space<vmem>>, vector<1x16xf32>,
        %parallel_loop3A_503 = arith.index_cast %parallel_loop3A_454 : i32 to index
        %parallel_loop3A_504 = arith.constant 64 : index
        %parallel_loop3A_505 = tpu.vector_load %arg8[%parallel_loop3A_503, %parallel_loop3A_504] {strides = array<i32>} : memref<128x128xf32, #tpu.memory_space<vmem>>, vector<1x16xf32>,
        %parallel_loop3A_506 = vector.shape_cast %parallel_loop3A_505 : vector<1x16xf32> to vector<16xf32>
        %parallel_loop3A_507 = arith.constant 11.3137083 : f32
        %parallel_loop3A_508 = vector.broadcast %parallel_loop3A_507 : f32 to vector<16xf32>
        %parallel_loop3A_509 = arith.mulf %parallel_loop3A_506, %parallel_loop3A_508 : vector<16xf32>
        %parallel_loop3A_510 = arith.index_cast %parallel_loop3A_454 : i32 to index
        %parallel_loop3A_511 = arith.constant 64 : index
        %parallel_loop3A_512 = tpu.vector_load %arg8[%parallel_loop3A_510, %parallel_loop3A_511] {strides = array<i32>} : memref<128x128xf32, #tpu.memory_space<vmem>>, vector<1x16xf32>,
        %parallel_loop3A_513 = vector.shape_cast %parallel_loop3A_512 : vector<1x16xf32> to vector<16xf32>
        %parallel_loop3A_514 = vector.shape_cast %parallel_loop3A_509 : vector<16xf32> to vector<1x16xf32>
        tpu.vector_store %arg8[%parallel_loop3A_510, %parallel_loop3A_511], %parallel_loop3A_514 {strides = array<i32>} : memref<128x128xf32, #tpu.memory_space<vmem>>, vector<1x16xf32>,
        %parallel_loop3A_515 = arith.index_cast %parallel_loop3A_454 : i32 to index
        %parallel_loop3A_516 = arith.constant 80 : index
        %parallel_loop3A_517 = tpu.vector_load %arg8[%parallel_loop3A_515, %parallel_loop3A_516] {strides = array<i32>} : memref<128x128xf32, #tpu.memory_space<vmem>>, vector<1x16xf32>,
        %parallel_loop3A_518 = vector.shape_cast %parallel_loop3A_517 : vector<1x16xf32> to vector<16xf32>
        %parallel_loop3A_519 = arith.constant 11.3137083 : f32
        %parallel_loop3A_520 = vector.broadcast %parallel_loop3A_519 : f32 to vector<16xf32>
        %parallel_loop3A_521 = arith.mulf %parallel_loop3A_518, %parallel_loop3A_520 : vector<16xf32>
        %parallel_loop3A_522 = arith.index_cast %parallel_loop3A_454 : i32 to index
        %parallel_loop3A_523 = arith.constant 80 : index
        %parallel_loop3A_524 = tpu.vector_load %arg8[%parallel_loop3A_522, %parallel_loop3A_523] {strides = array<i32>} : memref<128x128xf32, #tpu.memory_space<vmem>>, vector<1x16xf32>,
        %parallel_loop3A_525 = vector.shape_cast %parallel_loop3A_524 : vector<1x16xf32> to vector<16xf32>
        %parallel_loop3A_526 = vector.shape_cast %parallel_loop3A_521 : vector<16xf32> to vector<1x16xf32>
        tpu.vector_store %arg8[%parallel_loop3A_522, %parallel_loop3A_523], %parallel_loop3A_526 {strides = array<i32>} : memref<128x128xf32, #tpu.memory_space<vmem>>, vector<1x16xf32>,
        %parallel_loop3A_527 = arith.index_cast %parallel_loop3A_454 : i32 to index
        %parallel_loop3A_528 = arith.constant 96 : index
        %parallel_loop3A_529 = tpu.vector_load %arg8[%parallel_loop3A_527, %parallel_loop3A_528] {strides = array<i32>} : memref<128x128xf32, #tpu.memory_space<vmem>>, vector<1x16xf32>,
        %parallel_loop3A_530 = vector.shape_cast %parallel_loop3A_529 : vector<1x16xf32> to vector<16xf32>
        %parallel_loop3A_531 = arith.constant 11.3137083 : f32
        %parallel_loop3A_532 = vector.broadcast %parallel_loop3A_531 : f32 to vector<16xf32>
        %parallel_loop3A_533 = arith.mulf %parallel_loop3A_530, %parallel_loop3A_532 : vector<16xf32>
        %parallel_loop3A_534 = arith.index_cast %parallel_loop3A_454 : i32 to index
        %parallel_loop3A_535 = arith.constant 96 : index
        %parallel_loop3A_536 = tpu.vector_load %arg8[%parallel_loop3A_534, %parallel_loop3A_535] {strides = array<i32>} : memref<128x128xf32, #tpu.memory_space<vmem>>, vector<1x16xf32>,
        %parallel_loop3A_537 = vector.shape_cast %parallel_loop3A_536 : vector<1x16xf32> to vector<16xf32>
        %parallel_loop3A_538 = vector.shape_cast %parallel_loop3A_533 : vector<16xf32> to vector<1x16xf32>
        tpu.vector_store %arg8[%parallel_loop3A_534, %parallel_loop3A_535], %parallel_loop3A_538 {strides = array<i32>} : memref<128x128xf32, #tpu.memory_space<vmem>>, vector<1x16xf32>,
        %parallel_loop3A_539 = arith.index_cast %parallel_loop3A_454 : i32 to index
        %parallel_loop3A_540 = arith.constant 112 : index
        %parallel_loop3A_541 = tpu.vector_load %arg8[%parallel_loop3A_539, %parallel_loop3A_540] {strides = array<i32>} : memref<128x128xf32, #tpu.memory_space<vmem>>, vector<1x16xf32>,
        %parallel_loop3A_542 = vector.shape_cast %parallel_loop3A_541 : vector<1x16xf32> to vector<16xf32>
        %parallel_loop3A_543 = arith.constant 11.3137083 : f32
        %parallel_loop3A_544 = vector.broadcast %parallel_loop3A_543 : f32 to vector<16xf32>
        %parallel_loop3A_545 = arith.mulf %parallel_loop3A_542, %parallel_loop3A_544 : vector<16xf32>
        %parallel_loop3A_546 = arith.index_cast %parallel_loop3A_454 : i32 to index
        %parallel_loop3A_547 = arith.constant 112 : index
        %parallel_loop3A_548 = tpu.vector_load %arg8[%parallel_loop3A_546, %parallel_loop3A_547] {strides = array<i32>} : memref<128x128xf32, #tpu.memory_space<vmem>>, vector<1x16xf32>,
        %parallel_loop3A_549 = vector.shape_cast %parallel_loop3A_548 : vector<1x16xf32> to vector<16xf32>
        %parallel_loop3A_550 = vector.shape_cast %parallel_loop3A_545 : vector<16xf32> to vector<1x16xf32>
        tpu.vector_store %arg8[%parallel_loop3A_546, %parallel_loop3A_547], %parallel_loop3A_550 {strides = array<i32>} : memref<128x128xf32, #tpu.memory_space<vmem>>, vector<1x16xf32>,
      } {sc.loop_unroll_factor = 4 : i64, sc.parallel_access}
      %mul3A_285 = arith.constant 1 : i32
      %mul3A_286 = arith.muli %add3A_274, %mul3A_285 : i32
      %add3A_287 = arith.constant 0 : i32
      %add3A_288 = arith.addi %mul3A_286, %add3A_287 : i32
      %dma_start3A_289 = arith.constant 0 : i32
      %dma_start3A_290 = arith.constant 0 : i32
      %dma_start3A_291 = tpu.memref_slice %arg8[%dma_start3A_289, %dma_start3A_290] : memref<128x128xf32, #tpu.memory_space<vmem>> -> memref<128x128xf32, #tpu.memory_space<vmem>>
      %dma_start3A_292 = arith.constant 0 : i32
      %dma_start3A_293 = tpu.memref_slice %arg6[%add3A_288, %dma_start3A_292] : memref<200x128xi32, #tpu.memory_space<vmem>> -> memref<1x128xi32, #tpu.memory_space<vmem>>
      %dma_start3A_294 = tpu.memref_squeeze %dma_start3A_293 : memref<1x128xi32, #tpu.memory_space<vmem>> -> memref<128xi32, #tpu.memory_space<vmem>>
      %dma_start3A_295 = arith.constant 0 : i32
      %dma_start3A_296 = arith.constant 0 : i32
      %dma_start3A_297 = tpu.memref_slice %arg4[%dma_start3A_295, %dma_start3A_296] : memref<1024x128xf32, #tpu.memory_space<hbm>> -> memref<1024x128xf32, #tpu.memory_space<hbm>>
      tpu.enqueue_indirect_dma source(%dma_start3A_297 : memref<1024x128xf32, #tpu.memory_space<hbm>>) target(%dma_start3A_291 : memref<128x128xf32, #tpu.memory_space<vmem>>) offsets(%dma_start3A_294 : memref<128xi32, #tpu.memory_space<vmem>>) semaphore(%arg16 : memref<!tpu.dma_semaphore, #tpu.memory_space<semaphore_mem>>) {add = true}
      %sub3A_298 = arith.constant 1 : i32
      %sub3A_299 = arith.subi %add3A_274, %sub3A_298 : i32
      %mul3A_300 = arith.constant 128 : i32
      %mul3A_301 = arith.muli %sub3A_299, %mul3A_300 : i32
      %add3A_302 = arith.addi %mul3A_2, %mul3A_301 : i32
      %dma_wait3A_303 = arith.constant 0 : i32
      %dma_wait3A_304 = tpu.memref_slice %arg5[%add3A_302, %dma_wait3A_303] : memref<819200x128xf32, #tpu.memory_space<hbm>> -> memref<128x128xf32, #tpu.memory_space<hbm>>
      %dma_wait3A_305 = arith.constant 0 : i32
      %dma_wait3A_306 = tpu.memref_slice %arg5[%add3A_302, %dma_wait3A_305] : memref<819200x128xf32, #tpu.memory_space<hbm>> -> memref<128x128xf32, #tpu.memory_space<hbm>>
      tpu.wait_dma2 semaphore(%arg19 : memref<!tpu.dma_semaphore, #tpu.memory_space<semaphore_mem>>) src(%arg7 : memref<128x128xf32, #tpu.memory_space<vmem>>) dst(%dma_wait3A_306 : memref<128x128xf32, #tpu.memory_space<hbm>>)
      %add3A_307 = arith.constant 4 : i32
      %add3A_308 = arith.addi %add3A_274, %add3A_307 : i32
      %sub3A_309 = arith.constant 1 : i32
      %sub3A_310 = arith.subi %add3A_308, %sub3A_309 : i32
      %lt3A_311 = arith.constant 200 : i32
      %lt3A_312 = arith.cmpi slt, %sub3A_310, %lt3A_311 : i32
      %convert_element_type3A_313 = arith.extui %lt3A_312 : i1 to i32
      %cond3A_314 = arith.constant 0 : i32
      %cond3A_315 = arith.cmpi ne, %convert_element_type3A_313, %cond3A_314 : i32
      scf.if %cond3A_315 {
        %add3A_454 = arith.constant 4 : i32
        %add3A_455 = arith.addi %add3A_274, %add3A_454 : i32
        %sub3A_456 = arith.constant 1 : i32
        %sub3A_457 = arith.subi %add3A_455, %sub3A_456 : i32
        %mul3A_458 = arith.constant 128 : i32
        %mul3A_459 = arith.muli %sub3A_457, %mul3A_458 : i32
        %add3A_460 = arith.addi %mul3A_2, %mul3A_459 : i32
        %dma_start3A_461 = arith.constant 0 : i32
        %dma_start3A_462 = tpu.memref_slice %arg2[%add3A_460, %dma_start3A_461] : memref<819200x128xf32, #tpu.memory_space<hbm>> -> memref<128x128xf32, #tpu.memory_space<hbm>>
        %dma_start3A_463 = arith.constant 0 : i32
        %dma_start3A_464 = tpu.memref_slice %arg2[%add3A_460, %dma_start3A_463] : memref<819200x128xf32, #tpu.memory_space<hbm>> -> memref<128x128xf32, #tpu.memory_space<hbm>>
        tpu.enqueue_dma source(%dma_start3A_464 : memref<128x128xf32, #tpu.memory_space<hbm>>) target(%arg7 : memref<128x128xf32, #tpu.memory_space<vmem>>) target_semaphore(%arg11 : memref<!tpu.dma_semaphore, #tpu.memory_space<semaphore_mem>>)
      } else {
      }
      %dma_wait3A_316 = arith.constant 0 : i32
      %dma_wait3A_317 = arith.constant 0 : i32
      %dma_wait3A_318 = tpu.memref_slice %arg8[%dma_wait3A_316, %dma_wait3A_317] : memref<128x128xf32, #tpu.memory_space<vmem>> -> memref<128x128xf32, #tpu.memory_space<vmem>>
      %dma_wait3A_319 = arith.constant 0 : i32
      %dma_wait3A_320 = tpu.memref_slice %arg6[%add3A_288, %dma_wait3A_319] : memref<200x128xi32, #tpu.memory_space<vmem>> -> memref<1x128xi32, #tpu.memory_space<vmem>>
      %dma_wait3A_321 = tpu.memref_squeeze %dma_wait3A_320 : memref<1x128xi32, #tpu.memory_space<vmem>> -> memref<128xi32, #tpu.memory_space<vmem>>
      %dma_wait3A_322 = arith.constant 0 : i32
      %dma_wait3A_323 = arith.constant 0 : i32
      %dma_wait3A_324 = tpu.memref_slice %arg4[%dma_wait3A_322, %dma_wait3A_323] : memref<1024x128xf32, #tpu.memory_space<hbm>> -> memref<1024x128xf32, #tpu.memory_space<hbm>>
      tpu.wait_indirect_dma semaphore(%arg16 : memref<!tpu.dma_semaphore, #tpu.memory_space<semaphore_mem>>) src(%dma_wait3A_324 : memref<1024x128xf32, #tpu.memory_space<hbm>>) dst(%dma_wait3A_318 : memref<128x128xf32, #tpu.memory_space<vmem>>)
      %mul3A_325 = arith.constant 128 : i32
      %mul3A_326 = arith.muli %add3A_274, %mul3A_325 : i32
      %add3A_327 = arith.addi %mul3A_2, %mul3A_326 : i32
      %dma_start3A_328 = arith.constant 0 : i32
      %dma_start3A_329 = tpu.memref_slice %arg5[%add3A_327, %dma_start3A_328] : memref<819200x128xf32, #tpu.memory_space<hbm>> -> memref<128x128xf32, #tpu.memory_space<hbm>>
      %dma_start3A_330 = arith.constant 0 : i32
      %dma_start3A_331 = tpu.memref_slice %arg5[%add3A_327, %dma_start3A_330] : memref<819200x128xf32, #tpu.memory_space<hbm>> -> memref<128x128xf32, #tpu.memory_space<hbm>>
      tpu.enqueue_dma source(%arg8 : memref<128x128xf32, #tpu.memory_space<vmem>>) target(%dma_start3A_331 : memref<128x128xf32, #tpu.memory_space<hbm>>) target_semaphore(%arg20 : memref<!tpu.dma_semaphore, #tpu.memory_space<semaphore_mem>>)
      %mul3A_332 = arith.constant 4 : i32
      %mul3A_333 = arith.muli %mul3A_332, %scan3A_213 : i32
      %add3A_334 = arith.constant 2 : i32
      %add3A_335 = arith.addi %mul3A_333, %add3A_334 : i32
      %mul3A_336 = arith.constant 128 : i32
      %mul3A_337 = arith.muli %add3A_335, %mul3A_336 : i32
      %add3A_338 = arith.addi %mul3A_2, %mul3A_337 : i32
      %dma_wait3A_339 = arith.constant 0 : i32
      %dma_wait3A_340 = tpu.memref_slice %arg2[%add3A_338, %dma_wait3A_339] : memref<819200x128xf32, #tpu.memory_space<hbm>> -> memref<128x128xf32, #tpu.memory_space<hbm>>
      %dma_wait3A_341 = arith.constant 0 : i32
      %dma_wait3A_342 = tpu.memref_slice %arg2[%add3A_338, %dma_wait3A_341] : memref<819200x128xf32, #tpu.memory_space<hbm>> -> memref<128x128xf32, #tpu.memory_space<hbm>>
      tpu.wait_dma2 semaphore(%arg13 : memref<!tpu.dma_semaphore, #tpu.memory_space<semaphore_mem>>) src(%dma_wait3A_342 : memref<128x128xf32, #tpu.memory_space<hbm>>) dst(%arg9 : memref<128x128xf32, #tpu.memory_space<vmem>>)
      %parallel_loop3A_343 = arith.constant 0 : i32
      %parallel_loop3A_344 = arith.constant 128 : i32
      %parallel_loop3A_345 = arith.constant 1 : i32
      scf.for %parallel_loop3A_454 = %parallel_loop3A_343 to %parallel_loop3A_344 step %parallel_loop3A_345  : i32 {
        %parallel_loop3A_455 = arith.index_cast %parallel_loop3A_454 : i32 to index
        %parallel_loop3A_456 = arith.constant 0 : index
        %parallel_loop3A_457 = tpu.vector_load %arg9[%parallel_loop3A_455, %parallel_loop3A_456] {strides = array<i32>} : memref<128x128xf32, #tpu.memory_space<vmem>>, vector<1x16xf32>,
        %parallel_loop3A_458 = vector.shape_cast %parallel_loop3A_457 : vector<1x16xf32> to vector<16xf32>
        %parallel_loop3A_459 = arith.constant 11.3137083 : f32
        %parallel_loop3A_460 = vector.broadcast %parallel_loop3A_459 : f32 to vector<16xf32>
        %parallel_loop3A_461 = arith.mulf %parallel_loop3A_458, %parallel_loop3A_460 : vector<16xf32>
        %parallel_loop3A_462 = arith.index_cast %parallel_loop3A_454 : i32 to index
        %parallel_loop3A_463 = arith.constant 0 : index
        %parallel_loop3A_464 = tpu.vector_load %arg9[%parallel_loop3A_462, %parallel_loop3A_463] {strides = array<i32>} : memref<128x128xf32, #tpu.memory_space<vmem>>, vector<1x16xf32>,
        %parallel_loop3A_465 = vector.shape_cast %parallel_loop3A_464 : vector<1x16xf32> to vector<16xf32>
        %parallel_loop3A_466 = vector.shape_cast %parallel_loop3A_461 : vector<16xf32> to vector<1x16xf32>
        tpu.vector_store %arg9[%parallel_loop3A_462, %parallel_loop3A_463], %parallel_loop3A_466 {strides = array<i32>} : memref<128x128xf32, #tpu.memory_space<vmem>>, vector<1x16xf32>,
        %parallel_loop3A_467 = arith.index_cast %parallel_loop3A_454 : i32 to index
        %parallel_loop3A_468 = arith.constant 16 : index
        %parallel_loop3A_469 = tpu.vector_load %arg9[%parallel_loop3A_467, %parallel_loop3A_468] {strides = array<i32>} : memref<128x128xf32, #tpu.memory_space<vmem>>, vector<1x16xf32>,
        %parallel_loop3A_470 = vector.shape_cast %parallel_loop3A_469 : vector<1x16xf32> to vector<16xf32>
        %parallel_loop3A_471 = arith.constant 11.3137083 : f32
        %parallel_loop3A_472 = vector.broadcast %parallel_loop3A_471 : f32 to vector<16xf32>
        %parallel_loop3A_473 = arith.mulf %parallel_loop3A_470, %parallel_loop3A_472 : vector<16xf32>
        %parallel_loop3A_474 = arith.index_cast %parallel_loop3A_454 : i32 to index
        %parallel_loop3A_475 = arith.constant 16 : index
        %parallel_loop3A_476 = tpu.vector_load %arg9[%parallel_loop3A_474, %parallel_loop3A_475] {strides = array<i32>} : memref<128x128xf32, #tpu.memory_space<vmem>>, vector<1x16xf32>,
        %parallel_loop3A_477 = vector.shape_cast %parallel_loop3A_476 : vector<1x16xf32> to vector<16xf32>
        %parallel_loop3A_478 = vector.shape_cast %parallel_loop3A_473 : vector<16xf32> to vector<1x16xf32>
        tpu.vector_store %arg9[%parallel_loop3A_474, %parallel_loop3A_475], %parallel_loop3A_478 {strides = array<i32>} : memref<128x128xf32, #tpu.memory_space<vmem>>, vector<1x16xf32>,
        %parallel_loop3A_479 = arith.index_cast %parallel_loop3A_454 : i32 to index
        %parallel_loop3A_480 = arith.constant 32 : index
        %parallel_loop3A_481 = tpu.vector_load %arg9[%parallel_loop3A_479, %parallel_loop3A_480] {strides = array<i32>} : memref<128x128xf32, #tpu.memory_space<vmem>>, vector<1x16xf32>,
        %parallel_loop3A_482 = vector.shape_cast %parallel_loop3A_481 : vector<1x16xf32> to vector<16xf32>
        %parallel_loop3A_483 = arith.constant 11.3137083 : f32
        %parallel_loop3A_484 = vector.broadcast %parallel_loop3A_483 : f32 to vector<16xf32>
        %parallel_loop3A_485 = arith.mulf %parallel_loop3A_482, %parallel_loop3A_484 : vector<16xf32>
        %parallel_loop3A_486 = arith.index_cast %parallel_loop3A_454 : i32 to index
        %parallel_loop3A_487 = arith.constant 32 : index
        %parallel_loop3A_488 = tpu.vector_load %arg9[%parallel_loop3A_486, %parallel_loop3A_487] {strides = array<i32>} : memref<128x128xf32, #tpu.memory_space<vmem>>, vector<1x16xf32>,
        %parallel_loop3A_489 = vector.shape_cast %parallel_loop3A_488 : vector<1x16xf32> to vector<16xf32>
        %parallel_loop3A_490 = vector.shape_cast %parallel_loop3A_485 : vector<16xf32> to vector<1x16xf32>
        tpu.vector_store %arg9[%parallel_loop3A_486, %parallel_loop3A_487], %parallel_loop3A_490 {strides = array<i32>} : memref<128x128xf32, #tpu.memory_space<vmem>>, vector<1x16xf32>,
        %parallel_loop3A_491 = arith.index_cast %parallel_loop3A_454 : i32 to index
        %parallel_loop3A_492 = arith.constant 48 : index
        %parallel_loop3A_493 = tpu.vector_load %arg9[%parallel_loop3A_491, %parallel_loop3A_492] {strides = array<i32>} : memref<128x128xf32, #tpu.memory_space<vmem>>, vector<1x16xf32>,
        %parallel_loop3A_494 = vector.shape_cast %parallel_loop3A_493 : vector<1x16xf32> to vector<16xf32>
        %parallel_loop3A_495 = arith.constant 11.3137083 : f32
        %parallel_loop3A_496 = vector.broadcast %parallel_loop3A_495 : f32 to vector<16xf32>
        %parallel_loop3A_497 = arith.mulf %parallel_loop3A_494, %parallel_loop3A_496 : vector<16xf32>
        %parallel_loop3A_498 = arith.index_cast %parallel_loop3A_454 : i32 to index
        %parallel_loop3A_499 = arith.constant 48 : index
        %parallel_loop3A_500 = tpu.vector_load %arg9[%parallel_loop3A_498, %parallel_loop3A_499] {strides = array<i32>} : memref<128x128xf32, #tpu.memory_space<vmem>>, vector<1x16xf32>,
        %parallel_loop3A_501 = vector.shape_cast %parallel_loop3A_500 : vector<1x16xf32> to vector<16xf32>
        %parallel_loop3A_502 = vector.shape_cast %parallel_loop3A_497 : vector<16xf32> to vector<1x16xf32>
        tpu.vector_store %arg9[%parallel_loop3A_498, %parallel_loop3A_499], %parallel_loop3A_502 {strides = array<i32>} : memref<128x128xf32, #tpu.memory_space<vmem>>, vector<1x16xf32>,
        %parallel_loop3A_503 = arith.index_cast %parallel_loop3A_454 : i32 to index
        %parallel_loop3A_504 = arith.constant 64 : index
        %parallel_loop3A_505 = tpu.vector_load %arg9[%parallel_loop3A_503, %parallel_loop3A_504] {strides = array<i32>} : memref<128x128xf32, #tpu.memory_space<vmem>>, vector<1x16xf32>,
        %parallel_loop3A_506 = vector.shape_cast %parallel_loop3A_505 : vector<1x16xf32> to vector<16xf32>
        %parallel_loop3A_507 = arith.constant 11.3137083 : f32
        %parallel_loop3A_508 = vector.broadcast %parallel_loop3A_507 : f32 to vector<16xf32>
        %parallel_loop3A_509 = arith.mulf %parallel_loop3A_506, %parallel_loop3A_508 : vector<16xf32>
        %parallel_loop3A_510 = arith.index_cast %parallel_loop3A_454 : i32 to index
        %parallel_loop3A_511 = arith.constant 64 : index
        %parallel_loop3A_512 = tpu.vector_load %arg9[%parallel_loop3A_510, %parallel_loop3A_511] {strides = array<i32>} : memref<128x128xf32, #tpu.memory_space<vmem>>, vector<1x16xf32>,
        %parallel_loop3A_513 = vector.shape_cast %parallel_loop3A_512 : vector<1x16xf32> to vector<16xf32>
        %parallel_loop3A_514 = vector.shape_cast %parallel_loop3A_509 : vector<16xf32> to vector<1x16xf32>
        tpu.vector_store %arg9[%parallel_loop3A_510, %parallel_loop3A_511], %parallel_loop3A_514 {strides = array<i32>} : memref<128x128xf32, #tpu.memory_space<vmem>>, vector<1x16xf32>,
        %parallel_loop3A_515 = arith.index_cast %parallel_loop3A_454 : i32 to index
        %parallel_loop3A_516 = arith.constant 80 : index
        %parallel_loop3A_517 = tpu.vector_load %arg9[%parallel_loop3A_515, %parallel_loop3A_516] {strides = array<i32>} : memref<128x128xf32, #tpu.memory_space<vmem>>, vector<1x16xf32>,
        %parallel_loop3A_518 = vector.shape_cast %parallel_loop3A_517 : vector<1x16xf32> to vector<16xf32>
        %parallel_loop3A_519 = arith.constant 11.3137083 : f32
        %parallel_loop3A_520 = vector.broadcast %parallel_loop3A_519 : f32 to vector<16xf32>
        %parallel_loop3A_521 = arith.mulf %parallel_loop3A_518, %parallel_loop3A_520 : vector<16xf32>
        %parallel_loop3A_522 = arith.index_cast %parallel_loop3A_454 : i32 to index
        %parallel_loop3A_523 = arith.constant 80 : index
        %parallel_loop3A_524 = tpu.vector_load %arg9[%parallel_loop3A_522, %parallel_loop3A_523] {strides = array<i32>} : memref<128x128xf32, #tpu.memory_space<vmem>>, vector<1x16xf32>,
        %parallel_loop3A_525 = vector.shape_cast %parallel_loop3A_524 : vector<1x16xf32> to vector<16xf32>
        %parallel_loop3A_526 = vector.shape_cast %parallel_loop3A_521 : vector<16xf32> to vector<1x16xf32>
        tpu.vector_store %arg9[%parallel_loop3A_522, %parallel_loop3A_523], %parallel_loop3A_526 {strides = array<i32>} : memref<128x128xf32, #tpu.memory_space<vmem>>, vector<1x16xf32>,
        %parallel_loop3A_527 = arith.index_cast %parallel_loop3A_454 : i32 to index
        %parallel_loop3A_528 = arith.constant 96 : index
        %parallel_loop3A_529 = tpu.vector_load %arg9[%parallel_loop3A_527, %parallel_loop3A_528] {strides = array<i32>} : memref<128x128xf32, #tpu.memory_space<vmem>>, vector<1x16xf32>,
        %parallel_loop3A_530 = vector.shape_cast %parallel_loop3A_529 : vector<1x16xf32> to vector<16xf32>
        %parallel_loop3A_531 = arith.constant 11.3137083 : f32
        %parallel_loop3A_532 = vector.broadcast %parallel_loop3A_531 : f32 to vector<16xf32>
        %parallel_loop3A_533 = arith.mulf %parallel_loop3A_530, %parallel_loop3A_532 : vector<16xf32>
        %parallel_loop3A_534 = arith.index_cast %parallel_loop3A_454 : i32 to index
        %parallel_loop3A_535 = arith.constant 96 : index
        %parallel_loop3A_536 = tpu.vector_load %arg9[%parallel_loop3A_534, %parallel_loop3A_535] {strides = array<i32>} : memref<128x128xf32, #tpu.memory_space<vmem>>, vector<1x16xf32>,
        %parallel_loop3A_537 = vector.shape_cast %parallel_loop3A_536 : vector<1x16xf32> to vector<16xf32>
        %parallel_loop3A_538 = vector.shape_cast %parallel_loop3A_533 : vector<16xf32> to vector<1x16xf32>
        tpu.vector_store %arg9[%parallel_loop3A_534, %parallel_loop3A_535], %parallel_loop3A_538 {strides = array<i32>} : memref<128x128xf32, #tpu.memory_space<vmem>>, vector<1x16xf32>,
        %parallel_loop3A_539 = arith.index_cast %parallel_loop3A_454 : i32 to index
        %parallel_loop3A_540 = arith.constant 112 : index
        %parallel_loop3A_541 = tpu.vector_load %arg9[%parallel_loop3A_539, %parallel_loop3A_540] {strides = array<i32>} : memref<128x128xf32, #tpu.memory_space<vmem>>, vector<1x16xf32>,
        %parallel_loop3A_542 = vector.shape_cast %parallel_loop3A_541 : vector<1x16xf32> to vector<16xf32>
        %parallel_loop3A_543 = arith.constant 11.3137083 : f32
        %parallel_loop3A_544 = vector.broadcast %parallel_loop3A_543 : f32 to vector<16xf32>
        %parallel_loop3A_545 = arith.mulf %parallel_loop3A_542, %parallel_loop3A_544 : vector<16xf32>
        %parallel_loop3A_546 = arith.index_cast %parallel_loop3A_454 : i32 to index
        %parallel_loop3A_547 = arith.constant 112 : index
        %parallel_loop3A_548 = tpu.vector_load %arg9[%parallel_loop3A_546, %parallel_loop3A_547] {strides = array<i32>} : memref<128x128xf32, #tpu.memory_space<vmem>>, vector<1x16xf32>,
        %parallel_loop3A_549 = vector.shape_cast %parallel_loop3A_548 : vector<1x16xf32> to vector<16xf32>
        %parallel_loop3A_550 = vector.shape_cast %parallel_loop3A_545 : vector<16xf32> to vector<1x16xf32>
        tpu.vector_store %arg9[%parallel_loop3A_546, %parallel_loop3A_547], %parallel_loop3A_550 {strides = array<i32>} : memref<128x128xf32, #tpu.memory_space<vmem>>, vector<1x16xf32>,
      } {sc.loop_unroll_factor = 4 : i64, sc.parallel_access}
      %mul3A_346 = arith.constant 1 : i32
      %mul3A_347 = arith.muli %add3A_335, %mul3A_346 : i32
      %add3A_348 = arith.constant 0 : i32
      %add3A_349 = arith.addi %mul3A_347, %add3A_348 : i32
      %dma_start3A_350 = arith.constant 0 : i32
      %dma_start3A_351 = arith.constant 0 : i32
      %dma_start3A_352 = tpu.memref_slice %arg9[%dma_start3A_350, %dma_start3A_351] : memref<128x128xf32, #tpu.memory_space<vmem>> -> memref<128x128xf32, #tpu.memory_space<vmem>>
      %dma_start3A_353 = arith.constant 0 : i32
      %dma_start3A_354 = tpu.memref_slice %arg6[%add3A_349, %dma_start3A_353] : memref<200x128xi32, #tpu.memory_space<vmem>> -> memref<1x128xi32, #tpu.memory_space<vmem>>
      %dma_start3A_355 = tpu.memref_squeeze %dma_start3A_354 : memref<1x128xi32, #tpu.memory_space<vmem>> -> memref<128xi32, #tpu.memory_space<vmem>>
      %dma_start3A_356 = arith.constant 0 : i32
      %dma_start3A_357 = arith.constant 0 : i32
      %dma_start3A_358 = tpu.memref_slice %arg4[%dma_start3A_356, %dma_start3A_357] : memref<1024x128xf32, #tpu.memory_space<hbm>> -> memref<1024x128xf32, #tpu.memory_space<hbm>>
      tpu.enqueue_indirect_dma source(%dma_start3A_358 : memref<1024x128xf32, #tpu.memory_space<hbm>>) target(%dma_start3A_352 : memref<128x128xf32, #tpu.memory_space<vmem>>) offsets(%dma_start3A_355 : memref<128xi32, #tpu.memory_space<vmem>>) semaphore(%arg17 : memref<!tpu.dma_semaphore, #tpu.memory_space<semaphore_mem>>) {add = true}
      %sub3A_359 = arith.constant 1 : i32
      %sub3A_360 = arith.subi %add3A_335, %sub3A_359 : i32
      %mul3A_361 = arith.constant 128 : i32
      %mul3A_362 = arith.muli %sub3A_360, %mul3A_361 : i32
      %add3A_363 = arith.addi %mul3A_2, %mul3A_362 : i32
      %dma_wait3A_364 = arith.constant 0 : i32
      %dma_wait3A_365 = tpu.memref_slice %arg5[%add3A_363, %dma_wait3A_364] : memref<819200x128xf32, #tpu.memory_space<hbm>> -> memref<128x128xf32, #tpu.memory_space<hbm>>
      %dma_wait3A_366 = arith.constant 0 : i32
      %dma_wait3A_367 = tpu.memref_slice %arg5[%add3A_363, %dma_wait3A_366] : memref<819200x128xf32, #tpu.memory_space<hbm>> -> memref<128x128xf32, #tpu.memory_space<hbm>>
      tpu.wait_dma2 semaphore(%arg20 : memref<!tpu.dma_semaphore, #tpu.memory_space<semaphore_mem>>) src(%arg8 : memref<128x128xf32, #tpu.memory_space<vmem>>) dst(%dma_wait3A_367 : memref<128x128xf32, #tpu.memory_space<hbm>>)
      %add3A_368 = arith.constant 4 : i32
      %add3A_369 = arith.addi %add3A_335, %add3A_368 : i32
      %sub3A_370 = arith.constant 1 : i32
      %sub3A_371 = arith.subi %add3A_369, %sub3A_370 : i32
      %lt3A_372 = arith.constant 200 : i32
      %lt3A_373 = arith.cmpi slt, %sub3A_371, %lt3A_372 : i32
      %convert_element_type3A_374 = arith.extui %lt3A_373 : i1 to i32
      %cond3A_375 = arith.constant 0 : i32
      %cond3A_376 = arith.cmpi ne, %convert_element_type3A_374, %cond3A_375 : i32
      scf.if %cond3A_376 {
        %add3A_454 = arith.constant 4 : i32
        %add3A_455 = arith.addi %add3A_335, %add3A_454 : i32
        %sub3A_456 = arith.constant 1 : i32
        %sub3A_457 = arith.subi %add3A_455, %sub3A_456 : i32
        %mul3A_458 = arith.constant 128 : i32
        %mul3A_459 = arith.muli %sub3A_457, %mul3A_458 : i32
        %add3A_460 = arith.addi %mul3A_2, %mul3A_459 : i32
        %dma_start3A_461 = arith.constant 0 : i32
        %dma_start3A_462 = tpu.memref_slice %arg2[%add3A_460, %dma_start3A_461] : memref<819200x128xf32, #tpu.memory_space<hbm>> -> memref<128x128xf32, #tpu.memory_space<hbm>>
        %dma_start3A_463 = arith.constant 0 : i32
        %dma_start3A_464 = tpu.memref_slice %arg2[%add3A_460, %dma_start3A_463] : memref<819200x128xf32, #tpu.memory_space<hbm>> -> memref<128x128xf32, #tpu.memory_space<hbm>>
        tpu.enqueue_dma source(%dma_start3A_464 : memref<128x128xf32, #tpu.memory_space<hbm>>) target(%arg8 : memref<128x128xf32, #tpu.memory_space<vmem>>) target_semaphore(%arg12 : memref<!tpu.dma_semaphore, #tpu.memory_space<semaphore_mem>>)
      } else {
      }
      %dma_wait3A_377 = arith.constant 0 : i32
      %dma_wait3A_378 = arith.constant 0 : i32
      %dma_wait3A_379 = tpu.memref_slice %arg9[%dma_wait3A_377, %dma_wait3A_378] : memref<128x128xf32, #tpu.memory_space<vmem>> -> memref<128x128xf32, #tpu.memory_space<vmem>>
      %dma_wait3A_380 = arith.constant 0 : i32
      %dma_wait3A_381 = tpu.memref_slice %arg6[%add3A_349, %dma_wait3A_380] : memref<200x128xi32, #tpu.memory_space<vmem>> -> memref<1x128xi32, #tpu.memory_space<vmem>>
      %dma_wait3A_382 = tpu.memref_squeeze %dma_wait3A_381 : memref<1x128xi32, #tpu.memory_space<vmem>> -> memref<128xi32, #tpu.memory_space<vmem>>
      %dma_wait3A_383 = arith.constant 0 : i32
      %dma_wait3A_384 = arith.constant 0 : i32
      %dma_wait3A_385 = tpu.memref_slice %arg4[%dma_wait3A_383, %dma_wait3A_384] : memref<1024x128xf32, #tpu.memory_space<hbm>> -> memref<1024x128xf32, #tpu.memory_space<hbm>>
      tpu.wait_indirect_dma semaphore(%arg17 : memref<!tpu.dma_semaphore, #tpu.memory_space<semaphore_mem>>) src(%dma_wait3A_385 : memref<1024x128xf32, #tpu.memory_space<hbm>>) dst(%dma_wait3A_379 : memref<128x128xf32, #tpu.memory_space<vmem>>)
      %mul3A_386 = arith.constant 128 : i32
      %mul3A_387 = arith.muli %add3A_335, %mul3A_386 : i32
      %add3A_388 = arith.addi %mul3A_2, %mul3A_387 : i32
      %dma_start3A_389 = arith.constant 0 : i32
      %dma_start3A_390 = tpu.memref_slice %arg5[%add3A_388, %dma_start3A_389] : memref<819200x128xf32, #tpu.memory_space<hbm>> -> memref<128x128xf32, #tpu.memory_space<hbm>>
      %dma_start3A_391 = arith.constant 0 : i32
      %dma_start3A_392 = tpu.memref_slice %arg5[%add3A_388, %dma_start3A_391] : memref<819200x128xf32, #tpu.memory_space<hbm>> -> memref<128x128xf32, #tpu.memory_space<hbm>>
      tpu.enqueue_dma source(%arg9 : memref<128x128xf32, #tpu.memory_space<vmem>>) target(%dma_start3A_392 : memref<128x128xf32, #tpu.memory_space<hbm>>) target_semaphore(%arg21 : memref<!tpu.dma_semaphore, #tpu.memory_space<semaphore_mem>>)
      %mul3A_393 = arith.constant 4 : i32
      %mul3A_394 = arith.muli %mul3A_393, %scan3A_213 : i32
      %add3A_395 = arith.constant 3 : i32
      %add3A_396 = arith.addi %mul3A_394, %add3A_395 : i32
      %mul3A_397 = arith.constant 128 : i32
      %mul3A_398 = arith.muli %add3A_396, %mul3A_397 : i32
      %add3A_399 = arith.addi %mul3A_2, %mul3A_398 : i32
      %dma_wait3A_400 = arith.constant 0 : i32
      %dma_wait3A_401 = tpu.memref_slice %arg2[%add3A_399, %dma_wait3A_400] : memref<819200x128xf32, #tpu.memory_space<hbm>> -> memref<128x128xf32, #tpu.memory_space<hbm>>
      %dma_wait3A_402 = arith.constant 0 : i32
      %dma_wait3A_403 = tpu.memref_slice %arg2[%add3A_399, %dma_wait3A_402] : memref<819200x128xf32, #tpu.memory_space<hbm>> -> memref<128x128xf32, #tpu.memory_space<hbm>>
      tpu.wait_dma2 semaphore(%arg14 : memref<!tpu.dma_semaphore, #tpu.memory_space<semaphore_mem>>) src(%dma_wait3A_403 : memref<128x128xf32, #tpu.memory_space<hbm>>) dst(%arg10 : memref<128x128xf32, #tpu.memory_space<vmem>>)
      %parallel_loop3A_404 = arith.constant 0 : i32
      %parallel_loop3A_405 = arith.constant 128 : i32
      %parallel_loop3A_406 = arith.constant 1 : i32
      scf.for %parallel_loop3A_454 = %parallel_loop3A_404 to %parallel_loop3A_405 step %parallel_loop3A_406  : i32 {
        %parallel_loop3A_455 = arith.index_cast %parallel_loop3A_454 : i32 to index
        %parallel_loop3A_456 = arith.constant 0 : index
        %parallel_loop3A_457 = tpu.vector_load %arg10[%parallel_loop3A_455, %parallel_loop3A_456] {strides = array<i32>} : memref<128x128xf32, #tpu.memory_space<vmem>>, vector<1x16xf32>,
        %parallel_loop3A_458 = vector.shape_cast %parallel_loop3A_457 : vector<1x16xf32> to vector<16xf32>
        %parallel_loop3A_459 = arith.constant 11.3137083 : f32
        %parallel_loop3A_460 = vector.broadcast %parallel_loop3A_459 : f32 to vector<16xf32>
        %parallel_loop3A_461 = arith.mulf %parallel_loop3A_458, %parallel_loop3A_460 : vector<16xf32>
        %parallel_loop3A_462 = arith.index_cast %parallel_loop3A_454 : i32 to index
        %parallel_loop3A_463 = arith.constant 0 : index
        %parallel_loop3A_464 = tpu.vector_load %arg10[%parallel_loop3A_462, %parallel_loop3A_463] {strides = array<i32>} : memref<128x128xf32, #tpu.memory_space<vmem>>, vector<1x16xf32>,
        %parallel_loop3A_465 = vector.shape_cast %parallel_loop3A_464 : vector<1x16xf32> to vector<16xf32>
        %parallel_loop3A_466 = vector.shape_cast %parallel_loop3A_461 : vector<16xf32> to vector<1x16xf32>
        tpu.vector_store %arg10[%parallel_loop3A_462, %parallel_loop3A_463], %parallel_loop3A_466 {strides = array<i32>} : memref<128x128xf32, #tpu.memory_space<vmem>>, vector<1x16xf32>,
        %parallel_loop3A_467 = arith.index_cast %parallel_loop3A_454 : i32 to index
        %parallel_loop3A_468 = arith.constant 16 : index
        %parallel_loop3A_469 = tpu.vector_load %arg10[%parallel_loop3A_467, %parallel_loop3A_468] {strides = array<i32>} : memref<128x128xf32, #tpu.memory_space<vmem>>, vector<1x16xf32>,
        %parallel_loop3A_470 = vector.shape_cast %parallel_loop3A_469 : vector<1x16xf32> to vector<16xf32>
        %parallel_loop3A_471 = arith.constant 11.3137083 : f32
        %parallel_loop3A_472 = vector.broadcast %parallel_loop3A_471 : f32 to vector<16xf32>
        %parallel_loop3A_473 = arith.mulf %parallel_loop3A_470, %parallel_loop3A_472 : vector<16xf32>
        %parallel_loop3A_474 = arith.index_cast %parallel_loop3A_454 : i32 to index
        %parallel_loop3A_475 = arith.constant 16 : index
        %parallel_loop3A_476 = tpu.vector_load %arg10[%parallel_loop3A_474, %parallel_loop3A_475] {strides = array<i32>} : memref<128x128xf32, #tpu.memory_space<vmem>>, vector<1x16xf32>,
        %parallel_loop3A_477 = vector.shape_cast %parallel_loop3A_476 : vector<1x16xf32> to vector<16xf32>
        %parallel_loop3A_478 = vector.shape_cast %parallel_loop3A_473 : vector<16xf32> to vector<1x16xf32>
        tpu.vector_store %arg10[%parallel_loop3A_474, %parallel_loop3A_475], %parallel_loop3A_478 {strides = array<i32>} : memref<128x128xf32, #tpu.memory_space<vmem>>, vector<1x16xf32>,
        %parallel_loop3A_479 = arith.index_cast %parallel_loop3A_454 : i32 to index
        %parallel_loop3A_480 = arith.constant 32 : index
        %parallel_loop3A_481 = tpu.vector_load %arg10[%parallel_loop3A_479, %parallel_loop3A_480] {strides = array<i32>} : memref<128x128xf32, #tpu.memory_space<vmem>>, vector<1x16xf32>,
        %parallel_loop3A_482 = vector.shape_cast %parallel_loop3A_481 : vector<1x16xf32> to vector<16xf32>
        %parallel_loop3A_483 = arith.constant 11.3137083 : f32
        %parallel_loop3A_484 = vector.broadcast %parallel_loop3A_483 : f32 to vector<16xf32>
        %parallel_loop3A_485 = arith.mulf %parallel_loop3A_482, %parallel_loop3A_484 : vector<16xf32>
        %parallel_loop3A_486 = arith.index_cast %parallel_loop3A_454 : i32 to index
        %parallel_loop3A_487 = arith.constant 32 : index
        %parallel_loop3A_488 = tpu.vector_load %arg10[%parallel_loop3A_486, %parallel_loop3A_487] {strides = array<i32>} : memref<128x128xf32, #tpu.memory_space<vmem>>, vector<1x16xf32>,
        %parallel_loop3A_489 = vector.shape_cast %parallel_loop3A_488 : vector<1x16xf32> to vector<16xf32>
        %parallel_loop3A_490 = vector.shape_cast %parallel_loop3A_485 : vector<16xf32> to vector<1x16xf32>
        tpu.vector_store %arg10[%parallel_loop3A_486, %parallel_loop3A_487], %parallel_loop3A_490 {strides = array<i32>} : memref<128x128xf32, #tpu.memory_space<vmem>>, vector<1x16xf32>,
        %parallel_loop3A_491 = arith.index_cast %parallel_loop3A_454 : i32 to index
        %parallel_loop3A_492 = arith.constant 48 : index
        %parallel_loop3A_493 = tpu.vector_load %arg10[%parallel_loop3A_491, %parallel_loop3A_492] {strides = array<i32>} : memref<128x128xf32, #tpu.memory_space<vmem>>, vector<1x16xf32>,
        %parallel_loop3A_494 = vector.shape_cast %parallel_loop3A_493 : vector<1x16xf32> to vector<16xf32>
        %parallel_loop3A_495 = arith.constant 11.3137083 : f32
        %parallel_loop3A_496 = vector.broadcast %parallel_loop3A_495 : f32 to vector<16xf32>
        %parallel_loop3A_497 = arith.mulf %parallel_loop3A_494, %parallel_loop3A_496 : vector<16xf32>
        %parallel_loop3A_498 = arith.index_cast %parallel_loop3A_454 : i32 to index
        %parallel_loop3A_499 = arith.constant 48 : index
        %parallel_loop3A_500 = tpu.vector_load %arg10[%parallel_loop3A_498, %parallel_loop3A_499] {strides = array<i32>} : memref<128x128xf32, #tpu.memory_space<vmem>>, vector<1x16xf32>,
        %parallel_loop3A_501 = vector.shape_cast %parallel_loop3A_500 : vector<1x16xf32> to vector<16xf32>
        %parallel_loop3A_502 = vector.shape_cast %parallel_loop3A_497 : vector<16xf32> to vector<1x16xf32>
        tpu.vector_store %arg10[%parallel_loop3A_498, %parallel_loop3A_499], %parallel_loop3A_502 {strides = array<i32>} : memref<128x128xf32, #tpu.memory_space<vmem>>, vector<1x16xf32>,
        %parallel_loop3A_503 = arith.index_cast %parallel_loop3A_454 : i32 to index
        %parallel_loop3A_504 = arith.constant 64 : index
        %parallel_loop3A_505 = tpu.vector_load %arg10[%parallel_loop3A_503, %parallel_loop3A_504] {strides = array<i32>} : memref<128x128xf32, #tpu.memory_space<vmem>>, vector<1x16xf32>,
        %parallel_loop3A_506 = vector.shape_cast %parallel_loop3A_505 : vector<1x16xf32> to vector<16xf32>
        %parallel_loop3A_507 = arith.constant 11.3137083 : f32
        %parallel_loop3A_508 = vector.broadcast %parallel_loop3A_507 : f32 to vector<16xf32>
        %parallel_loop3A_509 = arith.mulf %parallel_loop3A_506, %parallel_loop3A_508 : vector<16xf32>
        %parallel_loop3A_510 = arith.index_cast %parallel_loop3A_454 : i32 to index
        %parallel_loop3A_511 = arith.constant 64 : index
        %parallel_loop3A_512 = tpu.vector_load %arg10[%parallel_loop3A_510, %parallel_loop3A_511] {strides = array<i32>} : memref<128x128xf32, #tpu.memory_space<vmem>>, vector<1x16xf32>,
        %parallel_loop3A_513 = vector.shape_cast %parallel_loop3A_512 : vector<1x16xf32> to vector<16xf32>
        %parallel_loop3A_514 = vector.shape_cast %parallel_loop3A_509 : vector<16xf32> to vector<1x16xf32>
        tpu.vector_store %arg10[%parallel_loop3A_510, %parallel_loop3A_511], %parallel_loop3A_514 {strides = array<i32>} : memref<128x128xf32, #tpu.memory_space<vmem>>, vector<1x16xf32>,
        %parallel_loop3A_515 = arith.index_cast %parallel_loop3A_454 : i32 to index
        %parallel_loop3A_516 = arith.constant 80 : index
        %parallel_loop3A_517 = tpu.vector_load %arg10[%parallel_loop3A_515, %parallel_loop3A_516] {strides = array<i32>} : memref<128x128xf32, #tpu.memory_space<vmem>>, vector<1x16xf32>,
        %parallel_loop3A_518 = vector.shape_cast %parallel_loop3A_517 : vector<1x16xf32> to vector<16xf32>
        %parallel_loop3A_519 = arith.constant 11.3137083 : f32
        %parallel_loop3A_520 = vector.broadcast %parallel_loop3A_519 : f32 to vector<16xf32>
        %parallel_loop3A_521 = arith.mulf %parallel_loop3A_518, %parallel_loop3A_520 : vector<16xf32>
        %parallel_loop3A_522 = arith.index_cast %parallel_loop3A_454 : i32 to index
        %parallel_loop3A_523 = arith.constant 80 : index
        %parallel_loop3A_524 = tpu.vector_load %arg10[%parallel_loop3A_522, %parallel_loop3A_523] {strides = array<i32>} : memref<128x128xf32, #tpu.memory_space<vmem>>, vector<1x16xf32>,
        %parallel_loop3A_525 = vector.shape_cast %parallel_loop3A_524 : vector<1x16xf32> to vector<16xf32>
        %parallel_loop3A_526 = vector.shape_cast %parallel_loop3A_521 : vector<16xf32> to vector<1x16xf32>
        tpu.vector_store %arg10[%parallel_loop3A_522, %parallel_loop3A_523], %parallel_loop3A_526 {strides = array<i32>} : memref<128x128xf32, #tpu.memory_space<vmem>>, vector<1x16xf32>,
        %parallel_loop3A_527 = arith.index_cast %parallel_loop3A_454 : i32 to index
        %parallel_loop3A_528 = arith.constant 96 : index
        %parallel_loop3A_529 = tpu.vector_load %arg10[%parallel_loop3A_527, %parallel_loop3A_528] {strides = array<i32>} : memref<128x128xf32, #tpu.memory_space<vmem>>, vector<1x16xf32>,
        %parallel_loop3A_530 = vector.shape_cast %parallel_loop3A_529 : vector<1x16xf32> to vector<16xf32>
        %parallel_loop3A_531 = arith.constant 11.3137083 : f32
        %parallel_loop3A_532 = vector.broadcast %parallel_loop3A_531 : f32 to vector<16xf32>
        %parallel_loop3A_533 = arith.mulf %parallel_loop3A_530, %parallel_loop3A_532 : vector<16xf32>
        %parallel_loop3A_534 = arith.index_cast %parallel_loop3A_454 : i32 to index
        %parallel_loop3A_535 = arith.constant 96 : index
        %parallel_loop3A_536 = tpu.vector_load %arg10[%parallel_loop3A_534, %parallel_loop3A_535] {strides = array<i32>} : memref<128x128xf32, #tpu.memory_space<vmem>>, vector<1x16xf32>,
        %parallel_loop3A_537 = vector.shape_cast %parallel_loop3A_536 : vector<1x16xf32> to vector<16xf32>
        %parallel_loop3A_538 = vector.shape_cast %parallel_loop3A_533 : vector<16xf32> to vector<1x16xf32>
        tpu.vector_store %arg10[%parallel_loop3A_534, %parallel_loop3A_535], %parallel_loop3A_538 {strides = array<i32>} : memref<128x128xf32, #tpu.memory_space<vmem>>, vector<1x16xf32>,
        %parallel_loop3A_539 = arith.index_cast %parallel_loop3A_454 : i32 to index
        %parallel_loop3A_540 = arith.constant 112 : index
        %parallel_loop3A_541 = tpu.vector_load %arg10[%parallel_loop3A_539, %parallel_loop3A_540] {strides = array<i32>} : memref<128x128xf32, #tpu.memory_space<vmem>>, vector<1x16xf32>,
        %parallel_loop3A_542 = vector.shape_cast %parallel_loop3A_541 : vector<1x16xf32> to vector<16xf32>
        %parallel_loop3A_543 = arith.constant 11.3137083 : f32
        %parallel_loop3A_544 = vector.broadcast %parallel_loop3A_543 : f32 to vector<16xf32>
        %parallel_loop3A_545 = arith.mulf %parallel_loop3A_542, %parallel_loop3A_544 : vector<16xf32>
        %parallel_loop3A_546 = arith.index_cast %parallel_loop3A_454 : i32 to index
        %parallel_loop3A_547 = arith.constant 112 : index
        %parallel_loop3A_548 = tpu.vector_load %arg10[%parallel_loop3A_546, %parallel_loop3A_547] {strides = array<i32>} : memref<128x128xf32, #tpu.memory_space<vmem>>, vector<1x16xf32>,
        %parallel_loop3A_549 = vector.shape_cast %parallel_loop3A_548 : vector<1x16xf32> to vector<16xf32>
        %parallel_loop3A_550 = vector.shape_cast %parallel_loop3A_545 : vector<16xf32> to vector<1x16xf32>
        tpu.vector_store %arg10[%parallel_loop3A_546, %parallel_loop3A_547], %parallel_loop3A_550 {strides = array<i32>} : memref<128x128xf32, #tpu.memory_space<vmem>>, vector<1x16xf32>,
      } {sc.loop_unroll_factor = 4 : i64, sc.parallel_access}
      %mul3A_407 = arith.constant 1 : i32
      %mul3A_408 = arith.muli %add3A_396, %mul3A_407 : i32
      %add3A_409 = arith.constant 0 : i32
      %add3A_410 = arith.addi %mul3A_408, %add3A_409 : i32
      %dma_start3A_411 = arith.constant 0 : i32
      %dma_start3A_412 = arith.constant 0 : i32
      %dma_start3A_413 = tpu.memref_slice %arg10[%dma_start3A_411, %dma_start3A_412] : memref<128x128xf32, #tpu.memory_space<vmem>> -> memref<128x128xf32, #tpu.memory_space<vmem>>
      %dma_start3A_414 = arith.constant 0 : i32
      %dma_start3A_415 = tpu.memref_slice %arg6[%add3A_410, %dma_start3A_414] : memref<200x128xi32, #tpu.memory_space<vmem>> -> memref<1x128xi32, #tpu.memory_space<vmem>>
      %dma_start3A_416 = tpu.memref_squeeze %dma_start3A_415 : memref<1x128xi32, #tpu.memory_space<vmem>> -> memref<128xi32, #tpu.memory_space<vmem>>
      %dma_start3A_417 = arith.constant 0 : i32
      %dma_start3A_418 = arith.constant 0 : i32
      %dma_start3A_419 = tpu.memref_slice %arg4[%dma_start3A_417, %dma_start3A_418] : memref<1024x128xf32, #tpu.memory_space<hbm>> -> memref<1024x128xf32, #tpu.memory_space<hbm>>
      tpu.enqueue_indirect_dma source(%dma_start3A_419 : memref<1024x128xf32, #tpu.memory_space<hbm>>) target(%dma_start3A_413 : memref<128x128xf32, #tpu.memory_space<vmem>>) offsets(%dma_start3A_416 : memref<128xi32, #tpu.memory_space<vmem>>) semaphore(%arg18 : memref<!tpu.dma_semaphore, #tpu.memory_space<semaphore_mem>>) {add = true}
      %sub3A_420 = arith.constant 1 : i32
      %sub3A_421 = arith.subi %add3A_396, %sub3A_420 : i32
      %mul3A_422 = arith.constant 128 : i32
      %mul3A_423 = arith.muli %sub3A_421, %mul3A_422 : i32
      %add3A_424 = arith.addi %mul3A_2, %mul3A_423 : i32
      %dma_wait3A_425 = arith.constant 0 : i32
      %dma_wait3A_426 = tpu.memref_slice %arg5[%add3A_424, %dma_wait3A_425] : memref<819200x128xf32, #tpu.memory_space<hbm>> -> memref<128x128xf32, #tpu.memory_space<hbm>>
      %dma_wait3A_427 = arith.constant 0 : i32
      %dma_wait3A_428 = tpu.memref_slice %arg5[%add3A_424, %dma_wait3A_427] : memref<819200x128xf32, #tpu.memory_space<hbm>> -> memref<128x128xf32, #tpu.memory_space<hbm>>
      tpu.wait_dma2 semaphore(%arg21 : memref<!tpu.dma_semaphore, #tpu.memory_space<semaphore_mem>>) src(%arg9 : memref<128x128xf32, #tpu.memory_space<vmem>>) dst(%dma_wait3A_428 : memref<128x128xf32, #tpu.memory_space<hbm>>)
      %add3A_429 = arith.constant 4 : i32
      %add3A_430 = arith.addi %add3A_396, %add3A_429 : i32
      %sub3A_431 = arith.constant 1 : i32
      %sub3A_432 = arith.subi %add3A_430, %sub3A_431 : i32
      %lt3A_433 = arith.constant 200 : i32
      %lt3A_434 = arith.cmpi slt, %sub3A_432, %lt3A_433 : i32
      %convert_element_type3A_435 = arith.extui %lt3A_434 : i1 to i32
      %cond3A_436 = arith.constant 0 : i32
      %cond3A_437 = arith.cmpi ne, %convert_element_type3A_435, %cond3A_436 : i32
      scf.if %cond3A_437 {
        %add3A_454 = arith.constant 4 : i32
        %add3A_455 = arith.addi %add3A_396, %add3A_454 : i32
        %sub3A_456 = arith.constant 1 : i32
        %sub3A_457 = arith.subi %add3A_455, %sub3A_456 : i32
        %mul3A_458 = arith.constant 128 : i32
        %mul3A_459 = arith.muli %sub3A_457, %mul3A_458 : i32
        %add3A_460 = arith.addi %mul3A_2, %mul3A_459 : i32
        %dma_start3A_461 = arith.constant 0 : i32
        %dma_start3A_462 = tpu.memref_slice %arg2[%add3A_460, %dma_start3A_461] : memref<819200x128xf32, #tpu.memory_space<hbm>> -> memref<128x128xf32, #tpu.memory_space<hbm>>
        %dma_start3A_463 = arith.constant 0 : i32
        %dma_start3A_464 = tpu.memref_slice %arg2[%add3A_460, %dma_start3A_463] : memref<819200x128xf32, #tpu.memory_space<hbm>> -> memref<128x128xf32, #tpu.memory_space<hbm>>
        tpu.enqueue_dma source(%dma_start3A_464 : memref<128x128xf32, #tpu.memory_space<hbm>>) target(%arg9 : memref<128x128xf32, #tpu.memory_space<vmem>>) target_semaphore(%arg13 : memref<!tpu.dma_semaphore, #tpu.memory_space<semaphore_mem>>)
      } else {
      }
      %dma_wait3A_438 = arith.constant 0 : i32
      %dma_wait3A_439 = arith.constant 0 : i32
      %dma_wait3A_440 = tpu.memref_slice %arg10[%dma_wait3A_438, %dma_wait3A_439] : memref<128x128xf32, #tpu.memory_space<vmem>> -> memref<128x128xf32, #tpu.memory_space<vmem>>
      %dma_wait3A_441 = arith.constant 0 : i32
      %dma_wait3A_442 = tpu.memref_slice %arg6[%add3A_410, %dma_wait3A_441] : memref<200x128xi32, #tpu.memory_space<vmem>> -> memref<1x128xi32, #tpu.memory_space<vmem>>
      %dma_wait3A_443 = tpu.memref_squeeze %dma_wait3A_442 : memref<1x128xi32, #tpu.memory_space<vmem>> -> memref<128xi32, #tpu.memory_space<vmem>>
      %dma_wait3A_444 = arith.constant 0 : i32
      %dma_wait3A_445 = arith.constant 0 : i32
      %dma_wait3A_446 = tpu.memref_slice %arg4[%dma_wait3A_444, %dma_wait3A_445] : memref<1024x128xf32, #tpu.memory_space<hbm>> -> memref<1024x128xf32, #tpu.memory_space<hbm>>
      tpu.wait_indirect_dma semaphore(%arg18 : memref<!tpu.dma_semaphore, #tpu.memory_space<semaphore_mem>>) src(%dma_wait3A_446 : memref<1024x128xf32, #tpu.memory_space<hbm>>) dst(%dma_wait3A_440 : memref<128x128xf32, #tpu.memory_space<vmem>>)
      %mul3A_447 = arith.constant 128 : i32
      %mul3A_448 = arith.muli %add3A_396, %mul3A_447 : i32
      %add3A_449 = arith.addi %mul3A_2, %mul3A_448 : i32
      %dma_start3A_450 = arith.constant 0 : i32
      %dma_start3A_451 = tpu.memref_slice %arg5[%add3A_449, %dma_start3A_450] : memref<819200x128xf32, #tpu.memory_space<hbm>> -> memref<128x128xf32, #tpu.memory_space<hbm>>
      %dma_start3A_452 = arith.constant 0 : i32
      %dma_start3A_453 = tpu.memref_slice %arg5[%add3A_449, %dma_start3A_452] : memref<819200x128xf32, #tpu.memory_space<hbm>> -> memref<128x128xf32, #tpu.memory_space<hbm>>
      tpu.enqueue_dma source(%arg10 : memref<128x128xf32, #tpu.memory_space<vmem>>) target(%dma_start3A_453 : memref<128x128xf32, #tpu.memory_space<hbm>>) target_semaphore(%arg22 : memref<!tpu.dma_semaphore, #tpu.memory_space<semaphore_mem>>)
    }
    %scan3A_206 = arith.constant 49 : i32
    %add3A_207 = arith.constant 25472 : i32
    %add3A_208 = arith.addi %mul3A_2, %add3A_207 : i32
    %dma_wait3A_209 = arith.constant 0 : i32
    %dma_wait3A_210 = tpu.memref_slice %arg5[%add3A_208, %dma_wait3A_209] : memref<819200x128xf32, #tpu.memory_space<hbm>> -> memref<128x128xf32, #tpu.memory_space<hbm>>
    %dma_wait3A_211 = arith.constant 0 : i32
    %dma_wait3A_212 = tpu.memref_slice %arg5[%add3A_208, %dma_wait3A_211] : memref<819200x128xf32, #tpu.memory_space<hbm>> -> memref<128x128xf32, #tpu.memory_space<hbm>>
    tpu.wait_dma2 semaphore(%arg22 : memref<!tpu.dma_semaphore, #tpu.memory_space<semaphore_mem>>) src(%arg10 : memref<128x128xf32, #tpu.memory_space<vmem>>) dst(%dma_wait3A_212 : memref<128x128xf32, #tpu.memory_space<hbm>>)
    return
  }
}

</mosaic_0001>

<sc_bundles>
// kernel: kernel.3.cloned.1.call-start
scs
__scs_entry_jumppad:
0x0: {  	(pc) =	sbr.rel $0x88, $3  }
0x1: {  	(tag) =	ssettag $0x0;
	lr =	simm.s32 $0x1  }
0x2: {  	[smem:$0x3F9E] =	sst lr;
	_ =	strace $0xD0000000  }
0x3: {  	_ = 	snop  }
0x4: {  	_ = 	snop  }
0x5: {  	_ = 	snop  }
0x6: {  	_ = 	snop  }
0x7: {  	_ = 	snop  }
__scs_overlays_trampoline_lowered:
0x8: {  	[smem:$0x3FAD] =	sst s0  }
0x9: {  	[smem:$0x3FAE] =	sst s1  }
0xa: {  	[smem:$0x3FAF] =	sst s2  }
0xb: {  	[smem:$0x3FB0] =	sst s3  }
0xc: {  	[smem:$0x3FB1] =	sst s4  }
0xd: {  	[smem:$0x3FB2] =	sst s5  }
0xe: {  	[smem:$0x3FB3] =	sst s6  }
0xf: {  	[smem:$0x3FB4] =	sst s7  }
0x10: {  	[smem:$0x3FB5] =	sst s8  }
0x11: {  	[smem:$0x3FB6] =	sst s9;
	s0 =	simm.s32 @!p0 $0x0  }
0x12: {  	s1 =	sld [smem:$0x3F9C];
	s0 =	simm.s32 @p0 $0x1  }
0x13: {  	[smem:$0x3FB7] =	sst s0;
	s0 =	simm.s32 @!p1 $0x0  }
0x14: {  	s2 =	sld [smem:$0x3F9B];
	s0 =	simm.s32 @p1 $0x1  }
0x15: {  	[smem:$0x3FB8] =	sst s0;
	s0 =	simm.s32 @!p2 $0x0  }
0x16: {  	s3 =	sld [smem:$0x3FDB];
	s0 =	simm.s32 @p2 $0x1  }
0x17: {  	s4 =	simm.s32 $0x1BF5;
	[smem:$0x3FBA] =	sst s0  }
0x18: {  	s0 =	sld [smem:$0x3F9D];
	_ =	swait.ge [sflag:s4], $0x0  }
0x19: {  	s7 =	sld [smem:$0x3F9E]  }
0x1a: {  	s8 =	sadd.s32 $0xFFFFE003, lr  }
0x1b: {  	s9 =	sadd.s32 $0xFFFFFEF7, lr;
	s5 =	simm.s32 $0xFFFFFFFF;
	p2 =	slt.u32 s8, $0xFFFFF086  }
0x1c: {  	p1 =	slt.u32 s9, $0xF7A;
	s5 =	simm.s32 @!p2 $0x0  }
0x1d: {  	s5 =	simm.s32 @p1 $0x1;
	p0 =	seq.s32 s7, s2  }
0x1e: {  	s7 =	smul.u32 @!p0 $0xF7A, s2;
	p2 =	seq.s32 @!p0 s5, $0x0  }
0x1f: {  	s9 =	smul.u32 $0xF7A, s1;
	s8 =	simm.s32 @!p0 $0x1BF5;
	p2 =	por !p2, p0  }
0x20: {  	[sflag:s8] =	ssyncset.s32 @!p0 $0xFFFFF086;
	s6 =	sadd.s32 @!p0 s3, s7;
	s7 =	simm.s32 @!p0 $0x108  }
0x21: {  	s3 =	sadd.s32 s3, s9;
	s6 =	sadd.s32 @!p0 $0x88, s6;
	s7 =	simm.s32 @p2 $0x1082  }
0x22: {  	[simem:s7], [sflag:s8] =	dma.local @!p0 [hbm:s6], $0xF7A  }
0x23: {  	s9 =	sor.u32 $0xD0000000, s2;
	s6 =	simm.s32 $0x108;
	_ =	swait.ge @!p0 [sflag:s8], $0x0  }
0x24: {  	s3 =	sadd.s32 $0x88, s3;
	s6 =	simm.s32 @!p1 $0x1082;
	[sflag:s4] =	ssyncset.s32 $0xFFFFF086  }
0x25: {  	[simem:s6], [sflag:s4] =	dma.local [hbm:s3], $0xF7A  }
0x26: {  	[smem:$0x3F9E] =	sst s1;
	(tag) =	ssettag s2;
	_ =	strace s9  }
0x27: {  	s1 =	sld [smem:$0x3FAE]  }
0x28: {  	s2 =	sld [smem:$0x3FAF]  }
0x29: {  	s4 =	sld [smem:$0x3FB1]  }
0x2a: {  	p0 =	seq.s32 s5, $0x0;
	s5 =	sld [smem:$0x3FB2]  }
0x2b: {  	s6 =	sld [smem:$0x3FB3]  }
0x2c: {  	s7 =	sld [smem:$0x3FB4]  }
0x2d: {  	s3 =	simm.s32 $0x108;
	s8 =	sld [smem:$0x3FB5]  }
0x2e: {  	s3 =	simm.s32 @!p0 $0x1082;
	s9 =	sld [smem:$0x3FB6]  }
0x2f: {  	lr =	sadd.s32 s0, s3;
	s0 =	sld [smem:$0x3FAD]  }
0x30: {  	s3 =	sld [smem:$0x3FB0]  }
0x31: {  	[smem:$0x3FB9] =	sst s10  }
0x32: {  	s10 =	sld [smem:$0x3FB7];
	_ =	sdelay $0x3  }
0x33: {  	p0 =	seq.s32 s10, $0x1;
	s10 =	sld [smem:$0x3FB9];
	_ =	sdelay $0x3  }
0x34: {  	[smem:$0x3FB9] =	sst s10  }
0x35: {  	s10 =	sld [smem:$0x3FB8];
	_ =	sdelay $0x3  }
0x36: {  	p1 =	seq.s32 s10, $0x1;
	s10 =	sld [smem:$0x3FB9];
	_ =	sdelay $0x3  }
0x37: {  	[smem:$0x3FB9] =	sst s10  }
0x38: {  	s10 =	sld [smem:$0x3FBA]  }
0x39: {  	_ = 	snop;
	(pc) =	sbr.ind lr, $3  }
0x3a: {  	_ = 	snop  }
0x3b: {  	_ = 	snop  }
0x3c: {  	p2 =	seq.s32 s10, $0x1;
	s10 =	sld [smem:$0x3FB9]  }
0x3d: {  	_ =	shalt  }
0x3e: {  	_ =	shalt  }
0x3f: {  	_ =	shalt  }
0x40: {  	_ =	shalt  }
0x41: {  	_ =	shalt  }
0x42: {  	_ =	shalt  }
0x43: {  	_ =	shalt  }
0x44: {  	_ =	shalt  }
0x45: {  	_ =	shalt  }
0x46: {  	_ =	shalt  }
0x47: {  	_ =	shalt  }
0x48: {  	_ =	shalt  }
0x49: {  	_ =	shalt  }
0x4a: {  	_ =	shalt  }
0x4b: {  	_ =	shalt  }
0x4c: {  	_ =	shalt  }
0x4d: {  	_ =	shalt  }
0x4e: {  	_ =	shalt  }
0x4f: {  	_ =	shalt  }
0x50: {  	_ =	shalt  }
0x51: {  	_ =	shalt  }
0x52: {  	_ =	shalt  }
0x53: {  	_ =	shalt  }
0x54: {  	_ =	shalt  }
0x55: {  	_ =	shalt  }
0x56: {  	_ =	shalt  }
0x57: {  	_ =	shalt  }
0x58: {  	_ =	shalt  }
0x59: {  	_ =	shalt  }
0x5a: {  	_ =	shalt  }
0x5b: {  	_ =	shalt  }
0x5c: {  	_ =	shalt  }
0x5d: {  	_ =	shalt  }
0x5e: {  	_ =	shalt  }
0x5f: {  	_ =	shalt  }
0x60: {  	_ =	shalt  }
0x61: {  	_ =	shalt  }
0x62: {  	_ =	shalt  }
0x63: {  	_ =	shalt  }
0x64: {  	_ =	shalt  }
0x65: {  	_ =	shalt  }
0x66: {  	_ =	shalt  }
0x67: {  	_ =	shalt  }
0x68: {  	_ =	shalt  }
0x69: {  	_ =	shalt  }
0x6a: {  	_ =	shalt  }
0x6b: {  	_ =	shalt  }
0x6c: {  	_ =	shalt  }
0x6d: {  	_ =	shalt  }
0x6e: {  	_ =	shalt  }
0x6f: {  	_ =	shalt  }
0x70: {  	_ =	shalt  }
0x71: {  	_ =	shalt  }
0x72: {  	_ =	shalt  }
0x73: {  	_ =	shalt  }
0x74: {  	_ =	shalt  }
0x75: {  	_ =	shalt  }
0x76: {  	_ =	shalt  }
0x77: {  	_ =	shalt  }
0x78: {  	_ =	shalt  }
0x79: {  	_ =	shalt  }
0x7a: {  	_ =	shalt  }
0x7b: {  	_ =	shalt  }
0x7c: {  	_ =	shalt  }
0x7d: {  	_ =	shalt  }
0x7e: {  	_ =	shalt  }
0x7f: {  	_ =	shalt  }
0x80: {  	_ =	shalt  }
0x81: {  	_ =	shalt  }
0x82: {  	_ =	shalt  }
0x83: {  	_ =	shalt  }
0x84: {  	_ =	shalt  }
0x85: {  	_ =	shalt  }
0x86: {  	_ =	shalt  }
0x87: {  	_ =	shalt  }
.Lfunc_end0:
.L_simem_size_0:
called_computation_lowered:
.L_overlay_start_0:
0x88: {  	s2 =	sld [smem:$0x3FD9]  }
0x89: {  	s3 =	sld [smem:$0x3FFE];
	_ =	sdelay $0x1  }
0x8a: {  	s1 =	srdreg.scid  }
0x8b: {  	s0 =	sand.u32 $0x1, s1  }
0x8c: {  	s17 =	sshll.u32 s0, $0xA;
	s2 =	sadd.s32 s3, s2  }
0x8d: {  	s2 =	sadd.s32 s2, s17  }
0x8e: {  	[smem:$0x3FC5] =	sst s2  }
0x8f: {  	_ = 	snop  }
0x90: {  	s2 =	sld [smem:$0x3FC9]  }
0x91: {  	s18 =	sld [smem:$0x3FC7]  }
0x92: {  	s4 =	sld [smem:$0x3FD0];
	(tm) =	ssettm $0x1  }
0x93: {  	s5 =	sld [smem:$0x3FFB];
	_ =	sdelay $0x3  }
0x94: {  	_ =	strace s5  }
0x95: {  	s5 =	sld [smem:$0x3FFC];
	_ =	sdelay $0x3  }
0x96: {  	_ =	strace s5  }
0x97: {  	s5 =	sld [smem:$0x3FFD];
	_ =	sdelay $0x3  }
0x98: {  	_ =	strace s5  }
0x99: {  	_ =	strace $0x8FFFFFFF  }
0x9a: {  	s19 =	sld [smem:$0x3FDB];
	_ =	sdelay $0x1  }
0x9b: {  	s6 =	simm.s32 $_scs_section_size  }
0x9c: {  	s7 =	simm.s32 $_size__tile_overlayer_lowered;
	s8 =	simm.s32 $_tile_overlayer_lowered  }
0x9d: {  	s22 =	simm.s32 $0x1BFF;
	s21 =	sshll.u32 s8, $0x1;
	s5 =	sadd.s32 s6, s19  }
0x9e: {  	s9 =	simm.s32 $0x0;
	s20 =	sshll.u32 s7, $0x1;
	s7 =	sadd.s32 s21, s5  }
0x9f: {  	[timem:s9], [sflag:s22] =	dma.local [hbm:s7], s20  }
0xa0: {  	_ =	swait.ge [sflag:s22], s20  }
0xa1: {  	s6 =	ssub.s32 $0x0, s20;
	[sflag:s22] =	ssyncset.done $0x0  }
0xa2: {  	[sflag:s22] =	ssyncadd.s32 s6;
	_ =	sdelay $0x1  }
0xa3: {  	s23 =	simm.s32 $0x1B8B  }
0xa4: {  	_ =	swait.ge [sflag:s23], $0x1  }
0xa5: {  	[sflag:s23] =	ssyncset.done $0x0  }
0xa6: {  	s25 =	simm.s32 $0x1B8E;
	s24 =	sld [smem:$0x3FFE];
	[sflag:s23] =	ssyncadd.s32 $0xFFFFFFFF  }
0xa7: {  	s26 =	simm.s32 $execute0_lowered;
	[smem:$0x3FD2] =	sst s25  }
0xa8: {  	s7 =	sshll.u32 s26, $0x1;
	_ =	strace $0x80000046;
	[dreg:$0x1] =	wrdreg $0xFFFFFFFF  }
0xa9: {  	s28 =	simm.s32 $_size_execute0_lowered;
	s5 =	sadd.s32 s5, s7;
	[dreg:$0x0] =	wrdreg $0x0  }
0xaa: {  	s7 =	sshll.u32 s28, $0x1;
	[dreg:$0x2] =	wrdreg s5  }
0xab: {  	[dreg:$0x3] =	wrdreg s7  }
0xac: {  	[dreg:$0x4] =	wrdreg $0xC0  }
0xad: {  	_ =	task [dreg:s9], $0x5FFFF  }
0xae: {  	[dreg:$0x1] =	wrdreg $0xFFFFFFFF  }
0xaf: {  	[dreg:$0x0] =	wrdreg $0x60  }
0xb0: {  	[dreg:$0x2] =	wrdreg s2  }
0xb1: {  	[dreg:$0x3] =	wrdreg s24  }
0xb2: {  	[dreg:$0x4] =	wrdreg s18  }
0xb3: {  	[dreg:$0x5] =	wrdreg s4  }
0xb4: {  	[dreg:$0x6] =	wrdreg $0x9  }
0xb5: {  	_ =	task.clear_ibuf [dreg:s9], $0x7FFFF;
	_ =	strace $0x90000046  }
0xb6: {  	s29 =	simm.s32 $0x9;
	_ =	strace $0x80000048  }
0xb7: {  	_ =	swait.ge [sflag:s29], $0x1  }
0xb8: {  	[sflag:s29] =	ssyncadd.s32 $0xFFFFFFFF  }
0xb9: {  	_ =	strace $0x90000048  }
0xba: {  	_ =	sfence  }
0xbb: {  	s30 =	sld [smem:$0x0];
	_ =	sdelay $0x2  }
0xbc: {  	s31 =	sshll.u32 s1, $0xD;
	s1 =	sshrl.u32 s1, $0x2  }
0xbd: {  	s3 =	sand.u32 $0x4000, s31;
	s1 =	sadd.s32 s1, s30  }
0xbe: {  	s0 =	sor.u32 s3, s0;
	s1 =	sshll.u32 s1, $0x11  }
0xbf: {  	s0 =	sor.u32 s1, s0  }
0xc0: {  	s0 =	sadd.s32 $0x8F2B, s0  }
0xc1: {  	[sflag:s0] =	ssyncadd.remote.s32 $0x1  }
0xc2: {  	_ =	sfence.sel $0xFFFF  }
0xc3: {  	[dreg:$0x0] =	wrdreg $0xFFFFFFFF;
	(pc) =	sbr.abs _section_cstart, $3  }
0xc4: {  	[dreg:$0x1] =	wrdreg $0xFFFFFFFF  }
0xc5: {  	_ =	task.clear_ibuf [dreg:s9], $0x2FFFF;
	_ =	strace $0x9FFFFFFF  }
0xc6: {  	(tm) =	ssettm $0x7FFFFFFF  }
0xc7: {  	_ =	shalt  }
tec
execute0_lowered:
.L_overlay_start_1:
0x0: {  	(tag) =	ssettag $0x1  }
0x1: {  	s1 =	rddreg [dreg:$0x0]  }
0x2: {  	s0 =	rddreg [dreg:$0x1]  }
0x3: {  	s2 =	srdreg.scid;
	s5 =	stileid.u32  }
0x4: {  	s3 =	rddreg [dreg:$0x2];
	s2 =	sand.u32 $0x1, s2;
	s5 =	sshll.u32 s5, $0x1  }
0x5: {  	s4 =	rddreg [dreg:$0x3];
	s28 =	simm.s32 $0xE400;
	s7 =	sor.u32 s2, s5  }
0x6: {  	s29 =	simm.s32 $0x1;
	s5 =	simm.s32 $0x0;
	s9 =	smul.u32 $0x64000, s7  }
0x7: {  	s30 =	simm.s32 $0x80;
	s31 =	simm.s32 $0x12400;
	[smem:$0x7FF] =	sst s5  }
0x8: {  	s14 =	smul.u32 $0x320000, s7;
	s11 =	sadd.s32 s1, s9;
	s13 =	sor.u32 $0x800, s9  }
0x9: {  	s15 =	sor.u32 $0x1000, s9;
	s10 =	sor.u32 $0x1800, s9;
	s9 =	sadd.s32 s4, s9  }
0xa: {  	s2 =	ssub.s32 $0x2, s2;
	_ =	strace $0x80000047;
	[dreg:$0xa] =	wrdreg s9  }
0xb: {  	s6 =	smul.u32 $0xC80, s7;
	s23 =	sor.u32 $0x10000, s14;
	[dreg:$0x6] =	wrdreg s11  }
0xc: {  	s8 =	sshrl.u32 s2, $0x1;
	s24 =	sor.u32 $0x14000, s14;
	[dreg:$0x11] =	wrdreg s23  }
0xd: {  	s2 =	ssub.s32 s2, s8;
	s25 =	sor.u32 $0x18000, s14;
	[dreg:$0x12] =	wrdreg s24  }
0xe: {  	s0 =	sadd.s32 s6, s0;
	s26 =	smax.u32 s2, $0x1;
	[dreg:$0x13] =	wrdreg s25  }
0xf: {  	s6 =	smul.u32 $0x6400, s7;
	s0 =	sadd.s32 $0x400, s0;
	[dreg:$0x14] =	wrdreg s26  }
0x10: {  	s2 =	simm.s32 $0x5;
	s12 =	sadd.s32 s1, s13;
	[dreg:$0x5] =	wrdreg s0  }
0x11: {  	s7 =	simm.s32 $0x9;
	s16 =	sadd.s32 s1, s15;
	[dreg:$0x7] =	wrdreg s12  }
0x12: {  	s17 =	sadd.s32 s1, s10;
	s18 =	sadd.s32 $0x2000, s11;
	[dreg:$0x8] =	wrdreg s16  }
0x13: {  	s19 =	sadd.s32 $0x2800, s11;
	s20 =	sadd.s32 s4, s15;
	[dreg:$0x9] =	wrdreg s17  }
0x14: {  	s21 =	sadd.s32 $0x3000, s11;
	s22 =	sadd.s32 s4, s10;
	[dreg:$0xb] =	wrdreg s18  }
0x15: {  	s25 =	simm.s32 $0x6400;
	s26 =	simm.s32 $0xA400;
	[dreg:$0xd] =	wrdreg s19  }
0x16: {  	s9 =	simm.s32 $0x6;
	s10 =	simm.s32 $0x3;
	[dreg:$0xe] =	wrdreg s20  }
0x17: {  	s11 =	simm.s32 $0xA;
	s15 =	simm.s32 $0xB;
	[dreg:$0xf] =	wrdreg s21  }
0x18: {  	s0 =	sadd.s32 s4, s13;
	[dreg:$0x10] =	wrdreg s22;
	s12 =	simm.s32 $0x7  }
0x19: {  	s13 =	simm.s32 $0x4;
	s16 =	simm.s32 $0x8;
	s17 =	simm.s32 $0xC  }
0x1a: {  	s18 =	simm.s32 $0x0;
	[dreg:$0xc] =	wrdreg s0;
	s0 =	simm.s32 $0x2  }
.LBB2_1:
0x1b: {  	[dreg:$0x15] =	wrdreg s18  }
0x1c: {  	s8 =	rddreg [dreg:$0x5];
	s21 =	simm.s32 $0xD  }
0x1d: {  	[tilespmem:s5], [sflag:$0xD] =	stream.linear.gather [hbm4b:s8+s5], $0x6400, $0x38;
	[tilespmem:$0x16400] =	vst v63  }
0x1e: {  	_ =	swait.ge [sflag:s21], $0x6400  }
0x1f: {  	[sflag:s21] =	ssyncset.done $0x0  }
0x20: {  	s22 =	rddreg [dreg:$0x6];
	[sflag:s21] =	ssyncadd.s32 $0xFFFF9C00  }
0x21: {  	[tilespmem:s25], [sflag:$0x1] =	stream.linear.gather [hbm4b:s22+s5], $0x4000, $0x38;
	[tilespmem:$0x16400] =	vst v63  }
0x22: {  	s23 =	rddreg [dreg:$0x7]  }
0x23: {  	[tilespmem:s26], [sflag:$0x2] =	stream.linear.gather [hbm4b:s23+s5], $0x4000, $0x38;
	[tilespmem:$0x16400] =	vst v63  }
0x24: {  	s24 =	rddreg [dreg:$0x8]  }
0x25: {  	[tilespmem:s28], [sflag:$0x3] =	stream.linear.gather [hbm4b:s24+s5], $0x4000, $0x38;
	[tilespmem:$0x16400] =	vst v63  }
0x26: {  	_ =	swait.ge [sflag:s29], $0x4000  }
0x27: {  	[sflag:s29] =	ssyncset.done $0x0  }
0x28: {  	s8 =	simm.s32 $0x6500;
	[sflag:s29] =	ssyncadd.s32 $0xFFFFC000  }
0x29: {  	v0 =	vld [tilespmem:s8+$0xF0]  }
0x2a: {  	v1 =	vld [tilespmem:s8+$0xFFFFFF10]  }
0x2b: {  	v2 =	vld [tilespmem:s8+$0xFFFFFF20]  }
0x2c: {  	v3 =	vld [tilespmem:s8+$0xFFFFFF30]  }
0x2d: {  	v6 =	vld [tilespmem:s8+$0xFFFFFF60]  }
0x2e: {  	v4 =	vld [tilespmem:s8+$0xFFFFFF40]  }
0x2f: {  	v5 =	vld [tilespmem:s8+$0xFFFFFF50];
	v0 =	vmul.f32 $1.131370830e+01, v0  }
0x30: {  	v8 =	vld [tilespmem:s8+$0xFFFFFF80];
	v1 =	vmul.f32 $1.131370830e+01, v1  }
0x31: {  	v7 =	vld [tilespmem:s8+$0xFFFFFF70];
	v2 =	vmul.f32 $1.131370830e+01, v2;
	[tilespmem:s8+$0xF0] =	vst v0  }
0x32: {  	v6 =	vmul.f32 $1.131370830e+01, v6;
	v0 =	vld [tilespmem:s8+$0xFFFFFF90];
	[tilespmem:s8+$0xFFFFFF10] =	vst v1  }
0x33: {  	v1 =	vmul.f32 $1.131370830e+01, v3;
	v3 =	vld [tilespmem:s8+$0xFFFFFFA0];
	[tilespmem:s8+$0xFFFFFF20] =	vst v2;
	v2 =	vmul.f32 $1.131370830e+01, v4  }
0x34: {  	[tilespmem:s8+$0xFFFFFF60] =	vst v6;
	v6 =	vld [tilespmem:s8+$0xFFFFFFF0]  }
0x35: {  	v4 =	vld [tilespmem:s8+$0xFFFFFFB0];
	[tilespmem:s8+$0xFFFFFF40] =	vst v2;
	v2 =	vmul.f32 $1.131370830e+01, v8  }
0x36: {  	[tilespmem:s8+$0xFFFFFF30] =	vst v1;
	v1 =	vmul.f32 $1.131370830e+01, v5;
	v5 =	vld [tilespmem:s8+$0xFFFFFFC0]  }
0x37: {  	v8 =	vld [tilespmem:s8+$0xFFFFFFD0];
	[tilespmem:s8+$0xFFFFFF80] =	vst v2;
	v2 =	vmul.f32 $1.131370830e+01, v7  }
0x38: {  	[tilespmem:s8+$0xFFFFFF50] =	vst v1;
	v1 =	vld [tilespmem:s8+$0xFFFFFFE0];
	v0 =	vmul.f32 $1.131370830e+01, v0  }
0x39: {  	v7 =	vld [tilespmem:s8+$0x30];
	v6 =	vmul.f32 $1.131370830e+01, v6;
	[tilespmem:s8+$0xFFFFFF70] =	vst v2  }
0x3a: {  	v2 =	vmul.f32 $1.131370830e+01, v3;
	v3 =	vld [tilespmem:s8+$0x0];
	[tilespmem:s8+$0xFFFFFF90] =	vst v0  }
0x3b: {  	v0 =	vmul.f32 $1.131370830e+01, v4;
	v4 =	vld [tilespmem:s8+$0x10];
	[tilespmem:s8+$0xFFFFFFF0] =	vst v6  }
0x3c: {  	[tilespmem:s8+$0xFFFFFFA0] =	vst v2;
	v2 =	vmul.f32 $1.131370830e+01, v5;
	v5 =	vld [tilespmem:s8+$0x20]  }
0x3d: {  	v6 =	vld [tilespmem:s8+$0x80];
	[tilespmem:s8+$0xFFFFFFB0] =	vst v0;
	v0 =	vmul.f32 $1.131370830e+01, v8  }
0x3e: {  	v1 =	vmul.f32 $1.131370830e+01, v1;
	[tilespmem:s8+$0xFFFFFFC0] =	vst v2;
	v2 =	vld [tilespmem:s8+$0x40]  }
0x3f: {  	[tilespmem:s8+$0xFFFFFFD0] =	vst v0;
	v0 =	vmul.f32 $1.131370830e+01, v3  }
0x40: {  	v3 =	vld [tilespmem:s8+$0x50];
	[tilespmem:s8+$0xFFFFFFE0] =	vst v1;
	v4 =	vmul.f32 $1.131370830e+01, v4  }
0x41: {  	v1 =	vld [tilespmem:s8+$0x60];
	[tilespmem:s8+$0x0] =	vst v0;
	v0 =	vmul.f32 $1.131370830e+01, v5  }
0x42: {  	v6 =	vmul.f32 $1.131370830e+01, v6;
	v5 =	vld [tilespmem:s8+$0x70];
	[tilespmem:s8+$0x10] =	vst v4  }
0x43: {  	v4 =	vmul.f32 $1.131370830e+01, v7;
	v7 =	vld [tilespmem:s8+$0x90];
	[tilespmem:s8+$0x20] =	vst v0;
	v0 =	vmul.f32 $1.131370830e+01, v2  }
0x44: {  	v8 =	vld [tilespmem:s8+$0xA0];
	[tilespmem:s8+$0x80] =	vst v6  }
0x45: {  	v2 =	vmul.f32 $1.131370830e+01, v3;
	[tilespmem:s8+$0x40] =	vst v0;
	v0 =	vld [tilespmem:s8+$0xB0]  }
0x46: {  	[tilespmem:s8+$0x30] =	vst v4;
	v3 =	vmul.f32 $1.131370830e+01, v1;
	v1 =	vld [tilespmem:s8+$0xC0]  }
0x47: {  	[tilespmem:s8+$0x50] =	vst v2;
	v4 =	vmul.f32 $1.131370830e+01, v5;
	v2 =	vld [tilespmem:s8+$0xD0]  }
0x48: {  	[tilespmem:s8+$0x60] =	vst v3;
	v3 =	vld [tilespmem:s8+$0xE0];
	v5 =	vmul.f32 $1.131370830e+01, v7  }
0x49: {  	s18 =	simm.s32 $0x0;
	s19 =	simm.s32 $0x6700;
	v6 =	vmul.f32 $1.131370830e+01, v8;
	[tilespmem:s8+$0x70] =	vst v4;
	v4 =	vld [tilespmem:s8+$0xFFFFFF00]  }
.LBB2_2:
0x4a: {  	v7 =	vld [tilespmem:s19+$0xF0];
	s18 =	sadd.s32 $0x4, s18;
	[tilespmem:s8+$0x90] =	vst v5;
	v0 =	vmul.f32 $1.131370830e+01, v0  }
0x4b: {  	v5 =	vld [tilespmem:s19+$0xFFFFFF10];
	p0 =	slt.u32 s18, $0x7C;
	[tilespmem:s8+$0xA0] =	vst v6;
	v1 =	vmul.f32 $1.131370830e+01, v1  }
0x4c: {  	v6 =	vld [tilespmem:s19+$0xFFFFFF20];
	[tilespmem:s8+$0xB0] =	vst v0;
	v0 =	vmul.f32 $1.131370830e+01, v2  }
0x4d: {  	v2 =	vld [tilespmem:s19+$0xFFFFFF30];
	[tilespmem:s8+$0xC0] =	vst v1;
	v1 =	vmul.f32 $1.131370830e+01, v3  }
0x4e: {  	v3 =	vld [tilespmem:s19+$0xFFFFFF40];
	v4 =	vmul.f32 $1.131370830e+01, v4;
	[tilespmem:s8+$0xD0] =	vst v0  }
0x4f: {  	v0 =	vld [tilespmem:s19+$0xFFFFFF50];
	v7 =	vmul.f32 $1.131370830e+01, v7;
	[tilespmem:s8+$0xE0] =	vst v1  }
0x50: {  	v1 =	vmul.f32 $1.131370830e+01, v5;
	v5 =	vld [tilespmem:s19+$0xFFFFFF60];
	[tilespmem:s8+$0xFFFFFF00] =	vst v4;
	s8 =	smov.u32 s19  }
0x51: {  	v4 =	vmul.f32 $1.131370830e+01, v6;
	v6 =	vld [tilespmem:s19+$0xFFFFFF70];
	[tilespmem:s19+$0xF0] =	vst v7  }
0x52: {  	[tilespmem:s19+$0xFFFFFF10] =	vst v1;
	v1 =	vmul.f32 $1.131370830e+01, v2;
	v2 =	vld [tilespmem:s19+$0xFFFFFF80]  }
0x53: {  	[tilespmem:s19+$0xFFFFFF20] =	vst v4;
	v3 =	vmul.f32 $1.131370830e+01, v3;
	v4 =	vld [tilespmem:s19+$0xFFFFFF90]  }
0x54: {  	[tilespmem:s19+$0xFFFFFF30] =	vst v1;
	v0 =	vmul.f32 $1.131370830e+01, v0;
	v1 =	vld [tilespmem:s19+$0xFFFFFFA0]  }
0x55: {  	[tilespmem:s19+$0xFFFFFF40] =	vst v3;
	v3 =	vmul.f32 $1.131370830e+01, v5;
	v5 =	vld [tilespmem:s19+$0xFFFFFFB0]  }
0x56: {  	[tilespmem:s19+$0xFFFFFF50] =	vst v0;
	v0 =	vmul.f32 $1.131370830e+01, v6;
	v6 =	vld [tilespmem:s19+$0xFFFFFFC0]  }
0x57: {  	[tilespmem:s19+$0xFFFFFF60] =	vst v3;
	v2 =	vmul.f32 $1.131370830e+01, v2;
	v3 =	vld [tilespmem:s19+$0xFFFFFFD0]  }
0x58: {  	[tilespmem:s19+$0xFFFFFF70] =	vst v0;
	v0 =	vmul.f32 $1.131370830e+01, v4;
	v4 =	vld [tilespmem:s19+$0xFFFFFFE0]  }
0x59: {  	[tilespmem:s19+$0xFFFFFF80] =	vst v2;
	v1 =	vmul.f32 $1.131370830e+01, v1;
	v2 =	vld [tilespmem:s19+$0xFFFFFFF0]  }
0x5a: {  	[tilespmem:s19+$0xFFFFFF90] =	vst v0;
	v0 =	vmul.f32 $1.131370830e+01, v5;
	v5 =	vld [tilespmem:s19+$0x0]  }
0x5b: {  	[tilespmem:s19+$0xFFFFFFA0] =	vst v1;
	v1 =	vmul.f32 $1.131370830e+01, v6;
	v6 =	vld [tilespmem:s19+$0x10]  }
0x5c: {  	[tilespmem:s19+$0xFFFFFFB0] =	vst v0;
	v0 =	vmul.f32 $1.131370830e+01, v3;
	v3 =	vld [tilespmem:s19+$0x20]  }
0x5d: {  	[tilespmem:s19+$0xFFFFFFC0] =	vst v1;
	v1 =	vmul.f32 $1.131370830e+01, v4;
	v4 =	vld [tilespmem:s19+$0x30]  }
0x5e: {  	[tilespmem:s19+$0xFFFFFFD0] =	vst v0;
	v0 =	vmul.f32 $1.131370830e+01, v2;
	v2 =	vld [tilespmem:s19+$0x40]  }
0x5f: {  	[tilespmem:s19+$0xFFFFFFE0] =	vst v1;
	v1 =	vmul.f32 $1.131370830e+01, v5;
	v5 =	vld [tilespmem:s19+$0x50]  }
0x60: {  	[tilespmem:s19+$0xFFFFFFF0] =	vst v0;
	v0 =	vmul.f32 $1.131370830e+01, v6;
	v6 =	vld [tilespmem:s19+$0x60]  }
0x61: {  	[tilespmem:s19+$0x0] =	vst v1;
	v1 =	vmul.f32 $1.131370830e+01, v3;
	v3 =	vld [tilespmem:s19+$0x70]  }
0x62: {  	[tilespmem:s19+$0x10] =	vst v0;
	v0 =	vmul.f32 $1.131370830e+01, v4;
	v4 =	vld [tilespmem:s19+$0x80]  }
0x63: {  	[tilespmem:s19+$0x20] =	vst v1;
	v1 =	vmul.f32 $1.131370830e+01, v2;
	v7 =	vld [tilespmem:s19+$0x90]  }
0x64: {  	[tilespmem:s19+$0x30] =	vst v0;
	v2 =	vmul.f32 $1.131370830e+01, v5;
	v8 =	vld [tilespmem:s19+$0xA0]  }
.Ltmp0:
0x65: {  	[tilespmem:s19+$0x40] =	vst v1;
	v5 =	vmul.f32 $1.131370830e+01, v6;
	v0 =	vld [tilespmem:s19+$0xB0];
	(pc) =	sbr.rel @p0 .LBB2_2-.Ltmp0, $4  }
0x66: {  	[tilespmem:s19+$0x50] =	vst v2;
	v3 =	vmul.f32 $1.131370830e+01, v3;
	v1 =	vld [tilespmem:s19+$0xC0]  }
0x67: {  	[tilespmem:s19+$0x60] =	vst v5;
	v6 =	vmul.f32 $1.131370830e+01, v4;
	v2 =	vld [tilespmem:s19+$0xD0]  }
0x68: {  	[tilespmem:s19+$0x70] =	vst v3;
	v5 =	vmul.f32 $1.131370830e+01, v7;
	v3 =	vld [tilespmem:s19+$0xE0]  }
0x69: {  	s19 =	sadd.s32 $0x200, s19;
	v4 =	vld [tilespmem:s8+$0xFFFFFF00];
	[tilespmem:s8+$0x80] =	vst v6;
	v6 =	vmul.f32 $1.131370830e+01, v8  }
0x6a: {  	[tilespmem:s8+$0x90] =	vst v5;
	v0 =	vmul.f32 $1.131370830e+01, v0  }
0x6b: {  	[tilespmem:s8+$0xA0] =	vst v6;
	v1 =	vmul.f32 $1.131370830e+01, v1  }
0x6c: {  	[tilespmem:s8+$0xB0] =	vst v0;
	v0 =	vmul.f32 $1.131370830e+01, v2  }
0x6d: {  	[tilespmem:s8+$0xC0] =	vst v1;
	v1 =	vmul.f32 $1.131370830e+01, v3  }
0x6e: {  	v2 =	vmul.f32 $1.131370830e+01, v4;
	[tilespmem:s8+$0xD0] =	vst v0  }
0x6f: {  	[tilespmem:s8+$0xE0] =	vst v1  }
0x70: {  	[tilespmem:s8+$0xFFFFFF00] =	vst v2  }
0x71: {  	[tilespmem:s25], [sflag:$0x5] =	stream.indirect.gather.add.f32 [hbm:s3], $0x80, s5, s30, $0xb8;
	[tilespmem:$0x16400] =	vst v63  }
0x72: {  	s8 =	rddreg [dreg:$0x9]  }
0x73: {  	[tilespmem:s31], [sflag:$0x4] =	stream.linear.gather [hbm4b:s8+s5], $0x4000, $0x38;
	[tilespmem:$0x16400] =	vst v63  }
0x74: {  	_ =	swait.ge [sflag:s2], $0x4000  }
0x75: {  	[sflag:s2] =	ssyncset.done $0x0  }
0x76: {  	s24 =	rddreg [dreg:$0xa];
	[sflag:s2] =	ssyncadd.s32 $0xFFFFC000  }
0x77: {  	[hbm4b:s24+s5] =	stream.linear.scatter [tilespmem:s25], [sflag:$0x9], $0x4000, $0x38;
	[tilespmem:$0x16400] =	vst v63  }
0x78: {  	_ =	swait.ge [sflag:s0], $0x4000  }
0x79: {  	[sflag:s0] =	ssyncset.done $0x0  }
0x7a: {  	s8 =	simm.s32 $0xA500;
	[sflag:s0] =	ssyncadd.s32 $0xFFFFC000  }
0x7b: {  	v0 =	vld [tilespmem:s8+$0xF0]  }
0x7c: {  	v1 =	vld [tilespmem:s8+$0xFFFFFF10]  }
0x7d: {  	v2 =	vld [tilespmem:s8+$0xFFFFFF20]  }
0x7e: {  	v3 =	vld [tilespmem:s8+$0xFFFFFF30]  }
0x7f: {  	v6 =	vld [tilespmem:s8+$0xFFFFFF60]  }
0x80: {  	v4 =	vld [tilespmem:s8+$0xFFFFFF40]  }
0x81: {  	v5 =	vld [tilespmem:s8+$0xFFFFFF50];
	v0 =	vmul.f32 $1.131370830e+01, v0  }
0x82: {  	v8 =	vld [tilespmem:s8+$0xFFFFFF80];
	v1 =	vmul.f32 $1.131370830e+01, v1  }
0x83: {  	v7 =	vld [tilespmem:s8+$0xFFFFFF70];
	v2 =	vmul.f32 $1.131370830e+01, v2;
	[tilespmem:s8+$0xF0] =	vst v0  }
0x84: {  	v6 =	vmul.f32 $1.131370830e+01, v6;
	v0 =	vld [tilespmem:s8+$0xFFFFFF90];
	[tilespmem:s8+$0xFFFFFF10] =	vst v1  }
0x85: {  	v1 =	vmul.f32 $1.131370830e+01, v3;
	v3 =	vld [tilespmem:s8+$0xFFFFFFA0];
	[tilespmem:s8+$0xFFFFFF20] =	vst v2;
	v2 =	vmul.f32 $1.131370830e+01, v4  }
0x86: {  	[tilespmem:s8+$0xFFFFFF60] =	vst v6;
	v6 =	vld [tilespmem:s8+$0xFFFFFFF0]  }
0x87: {  	v4 =	vld [tilespmem:s8+$0xFFFFFFB0];
	[tilespmem:s8+$0xFFFFFF40] =	vst v2;
	v2 =	vmul.f32 $1.131370830e+01, v8  }
0x88: {  	[tilespmem:s8+$0xFFFFFF30] =	vst v1;
	v1 =	vmul.f32 $1.131370830e+01, v5;
	v5 =	vld [tilespmem:s8+$0xFFFFFFC0]  }
0x89: {  	v8 =	vld [tilespmem:s8+$0xFFFFFFD0];
	[tilespmem:s8+$0xFFFFFF80] =	vst v2;
	v2 =	vmul.f32 $1.131370830e+01, v7  }
0x8a: {  	[tilespmem:s8+$0xFFFFFF50] =	vst v1;
	v1 =	vld [tilespmem:s8+$0xFFFFFFE0];
	v0 =	vmul.f32 $1.131370830e+01, v0  }
0x8b: {  	v7 =	vld [tilespmem:s8+$0x30];
	v6 =	vmul.f32 $1.131370830e+01, v6;
	[tilespmem:s8+$0xFFFFFF70] =	vst v2  }
0x8c: {  	v2 =	vmul.f32 $1.131370830e+01, v3;
	v3 =	vld [tilespmem:s8+$0x0];
	[tilespmem:s8+$0xFFFFFF90] =	vst v0  }
0x8d: {  	v0 =	vmul.f32 $1.131370830e+01, v4;
	v4 =	vld [tilespmem:s8+$0x10];
	[tilespmem:s8+$0xFFFFFFF0] =	vst v6  }
0x8e: {  	[tilespmem:s8+$0xFFFFFFA0] =	vst v2;
	v2 =	vmul.f32 $1.131370830e+01, v5;
	v5 =	vld [tilespmem:s8+$0x20]  }
0x8f: {  	v6 =	vld [tilespmem:s8+$0x80];
	[tilespmem:s8+$0xFFFFFFB0] =	vst v0;
	v0 =	vmul.f32 $1.131370830e+01, v8  }
0x90: {  	v1 =	vmul.f32 $1.131370830e+01, v1;
	[tilespmem:s8+$0xFFFFFFC0] =	vst v2;
	v2 =	vld [tilespmem:s8+$0x40]  }
0x91: {  	[tilespmem:s8+$0xFFFFFFD0] =	vst v0;
	v0 =	vmul.f32 $1.131370830e+01, v3  }
0x92: {  	v3 =	vld [tilespmem:s8+$0x50];
	[tilespmem:s8+$0xFFFFFFE0] =	vst v1;
	v4 =	vmul.f32 $1.131370830e+01, v4  }
0x93: {  	v1 =	vld [tilespmem:s8+$0x60];
	[tilespmem:s8+$0x0] =	vst v0;
	v0 =	vmul.f32 $1.131370830e+01, v5  }
0x94: {  	v6 =	vmul.f32 $1.131370830e+01, v6;
	v5 =	vld [tilespmem:s8+$0x70];
	[tilespmem:s8+$0x10] =	vst v4  }
0x95: {  	v4 =	vmul.f32 $1.131370830e+01, v7;
	v7 =	vld [tilespmem:s8+$0x90];
	[tilespmem:s8+$0x20] =	vst v0;
	v0 =	vmul.f32 $1.131370830e+01, v2  }
0x96: {  	v8 =	vld [tilespmem:s8+$0xA0];
	[tilespmem:s8+$0x80] =	vst v6  }
0x97: {  	v2 =	vmul.f32 $1.131370830e+01, v3;
	[tilespmem:s8+$0x40] =	vst v0;
	v0 =	vld [tilespmem:s8+$0xB0]  }
0x98: {  	[tilespmem:s8+$0x30] =	vst v4;
	v3 =	vmul.f32 $1.131370830e+01, v1;
	v1 =	vld [tilespmem:s8+$0xC0]  }
0x99: {  	[tilespmem:s8+$0x50] =	vst v2;
	v4 =	vmul.f32 $1.131370830e+01, v5;
	v2 =	vld [tilespmem:s8+$0xD0]  }
0x9a: {  	[tilespmem:s8+$0x60] =	vst v3;
	v3 =	vld [tilespmem:s8+$0xE0];
	v5 =	vmul.f32 $1.131370830e+01, v7  }
0x9b: {  	s18 =	simm.s32 $0x0;
	s19 =	simm.s32 $0xA700;
	v6 =	vmul.f32 $1.131370830e+01, v8;
	[tilespmem:s8+$0x70] =	vst v4;
	v4 =	vld [tilespmem:s8+$0xFFFFFF00]  }
.LBB2_4:
0x9c: {  	v7 =	vld [tilespmem:s19+$0xF0];
	s18 =	sadd.s32 $0x4, s18;
	[tilespmem:s8+$0x90] =	vst v5;
	v0 =	vmul.f32 $1.131370830e+01, v0  }
0x9d: {  	v5 =	vld [tilespmem:s19+$0xFFFFFF10];
	p0 =	slt.u32 s18, $0x7C;
	[tilespmem:s8+$0xA0] =	vst v6;
	v1 =	vmul.f32 $1.131370830e+01, v1  }
0x9e: {  	v6 =	vld [tilespmem:s19+$0xFFFFFF20];
	[tilespmem:s8+$0xB0] =	vst v0;
	v0 =	vmul.f32 $1.131370830e+01, v2  }
0x9f: {  	v2 =	vld [tilespmem:s19+$0xFFFFFF30];
	[tilespmem:s8+$0xC0] =	vst v1;
	v1 =	vmul.f32 $1.131370830e+01, v3  }
0xa0: {  	v3 =	vld [tilespmem:s19+$0xFFFFFF40];
	v4 =	vmul.f32 $1.131370830e+01, v4;
	[tilespmem:s8+$0xD0] =	vst v0  }
0xa1: {  	v0 =	vld [tilespmem:s19+$0xFFFFFF50];
	v7 =	vmul.f32 $1.131370830e+01, v7;
	[tilespmem:s8+$0xE0] =	vst v1  }
0xa2: {  	v1 =	vmul.f32 $1.131370830e+01, v5;
	v5 =	vld [tilespmem:s19+$0xFFFFFF60];
	[tilespmem:s8+$0xFFFFFF00] =	vst v4;
	s8 =	smov.u32 s19  }
0xa3: {  	v4 =	vmul.f32 $1.131370830e+01, v6;
	v6 =	vld [tilespmem:s19+$0xFFFFFF70];
	[tilespmem:s19+$0xF0] =	vst v7  }
0xa4: {  	[tilespmem:s19+$0xFFFFFF10] =	vst v1;
	v1 =	vmul.f32 $1.131370830e+01, v2;
	v2 =	vld [tilespmem:s19+$0xFFFFFF80]  }
0xa5: {  	[tilespmem:s19+$0xFFFFFF20] =	vst v4;
	v3 =	vmul.f32 $1.131370830e+01, v3;
	v4 =	vld [tilespmem:s19+$0xFFFFFF90]  }
0xa6: {  	[tilespmem:s19+$0xFFFFFF30] =	vst v1;
	v0 =	vmul.f32 $1.131370830e+01, v0;
	v1 =	vld [tilespmem:s19+$0xFFFFFFA0]  }
0xa7: {  	[tilespmem:s19+$0xFFFFFF40] =	vst v3;
	v3 =	vmul.f32 $1.131370830e+01, v5;
	v5 =	vld [tilespmem:s19+$0xFFFFFFB0]  }
0xa8: {  	[tilespmem:s19+$0xFFFFFF50] =	vst v0;
	v0 =	vmul.f32 $1.131370830e+01, v6;
	v6 =	vld [tilespmem:s19+$0xFFFFFFC0]  }
0xa9: {  	[tilespmem:s19+$0xFFFFFF60] =	vst v3;
	v2 =	vmul.f32 $1.131370830e+01, v2;
	v3 =	vld [tilespmem:s19+$0xFFFFFFD0]  }
0xaa: {  	[tilespmem:s19+$0xFFFFFF70] =	vst v0;
	v0 =	vmul.f32 $1.131370830e+01, v4;
	v4 =	vld [tilespmem:s19+$0xFFFFFFE0]  }
0xab: {  	[tilespmem:s19+$0xFFFFFF80] =	vst v2;
	v1 =	vmul.f32 $1.131370830e+01, v1;
	v2 =	vld [tilespmem:s19+$0xFFFFFFF0]  }
0xac: {  	[tilespmem:s19+$0xFFFFFF90] =	vst v0;
	v0 =	vmul.f32 $1.131370830e+01, v5;
	v5 =	vld [tilespmem:s19+$0x0]  }
0xad: {  	[tilespmem:s19+$0xFFFFFFA0] =	vst v1;
	v1 =	vmul.f32 $1.131370830e+01, v6;
	v6 =	vld [tilespmem:s19+$0x10]  }
0xae: {  	[tilespmem:s19+$0xFFFFFFB0] =	vst v0;
	v0 =	vmul.f32 $1.131370830e+01, v3;
	v3 =	vld [tilespmem:s19+$0x20]  }
0xaf: {  	[tilespmem:s19+$0xFFFFFFC0] =	vst v1;
	v1 =	vmul.f32 $1.131370830e+01, v4;
	v4 =	vld [tilespmem:s19+$0x30]  }
0xb0: {  	[tilespmem:s19+$0xFFFFFFD0] =	vst v0;
	v0 =	vmul.f32 $1.131370830e+01, v2;
	v2 =	vld [tilespmem:s19+$0x40]  }
0xb1: {  	[tilespmem:s19+$0xFFFFFFE0] =	vst v1;
	v1 =	vmul.f32 $1.131370830e+01, v5;
	v5 =	vld [tilespmem:s19+$0x50]  }
0xb2: {  	[tilespmem:s19+$0xFFFFFFF0] =	vst v0;
	v0 =	vmul.f32 $1.131370830e+01, v6;
	v6 =	vld [tilespmem:s19+$0x60]  }
0xb3: {  	[tilespmem:s19+$0x0] =	vst v1;
	v1 =	vmul.f32 $1.131370830e+01, v3;
	v3 =	vld [tilespmem:s19+$0x70]  }
0xb4: {  	[tilespmem:s19+$0x10] =	vst v0;
	v0 =	vmul.f32 $1.131370830e+01, v4;
	v4 =	vld [tilespmem:s19+$0x80]  }
0xb5: {  	[tilespmem:s19+$0x20] =	vst v1;
	v1 =	vmul.f32 $1.131370830e+01, v2;
	v7 =	vld [tilespmem:s19+$0x90]  }
0xb6: {  	[tilespmem:s19+$0x30] =	vst v0;
	v2 =	vmul.f32 $1.131370830e+01, v5;
	v8 =	vld [tilespmem:s19+$0xA0]  }
.Ltmp1:
0xb7: {  	[tilespmem:s19+$0x40] =	vst v1;
	v5 =	vmul.f32 $1.131370830e+01, v6;
	v0 =	vld [tilespmem:s19+$0xB0];
	(pc) =	sbr.rel @p0 .LBB2_4-.Ltmp1, $4  }
0xb8: {  	[tilespmem:s19+$0x50] =	vst v2;
	v3 =	vmul.f32 $1.131370830e+01, v3;
	v1 =	vld [tilespmem:s19+$0xC0]  }
0xb9: {  	[tilespmem:s19+$0x60] =	vst v5;
	v6 =	vmul.f32 $1.131370830e+01, v4;
	v2 =	vld [tilespmem:s19+$0xD0]  }
0xba: {  	[tilespmem:s19+$0x70] =	vst v3;
	v5 =	vmul.f32 $1.131370830e+01, v7;
	v3 =	vld [tilespmem:s19+$0xE0]  }
0xbb: {  	s19 =	sadd.s32 $0x200, s19;
	v4 =	vld [tilespmem:s8+$0xFFFFFF00];
	[tilespmem:s8+$0x80] =	vst v6;
	v6 =	vmul.f32 $1.131370830e+01, v8  }
0xbc: {  	[tilespmem:s8+$0x90] =	vst v5;
	v0 =	vmul.f32 $1.131370830e+01, v0  }
0xbd: {  	[tilespmem:s8+$0xA0] =	vst v6;
	v1 =	vmul.f32 $1.131370830e+01, v1  }
0xbe: {  	[tilespmem:s8+$0xB0] =	vst v0;
	v0 =	vmul.f32 $1.131370830e+01, v2  }
0xbf: {  	[tilespmem:s8+$0xC0] =	vst v1;
	v1 =	vmul.f32 $1.131370830e+01, v3  }
0xc0: {  	v2 =	vmul.f32 $1.131370830e+01, v4;
	[tilespmem:s8+$0xD0] =	vst v0  }
0xc1: {  	[tilespmem:s8+$0xE0] =	vst v1  }
0xc2: {  	[tilespmem:s8+$0xFFFFFF00] =	vst v2  }
0xc3: {  	[tilespmem:s26], [sflag:$0x6] =	stream.indirect.gather.add.f32 [hbm:s3], $0x80, s30, s30, $0xb8;
	[tilespmem:$0x16400] =	vst v63  }
0xc4: {  	_ =	swait.ge [sflag:s7], $0x4000  }
0xc5: {  	[sflag:s7] =	ssyncset.done $0x0  }
0xc6: {  	s23 =	rddreg [dreg:$0xb];
	[sflag:s7] =	ssyncadd.s32 $0xFFFFC000  }
0xc7: {  	[tilespmem:s25], [sflag:$0x1] =	stream.linear.gather [hbm4b:s23+s5], $0x4000, $0x38;
	[tilespmem:$0x16400] =	vst v63  }
0xc8: {  	_ =	swait.ge [sflag:s9], $0x4000  }
0xc9: {  	[sflag:s9] =	ssyncset.done $0x0  }
0xca: {  	s24 =	rddreg [dreg:$0xc];
	[sflag:s9] =	ssyncadd.s32 $0xFFFFC000  }
0xcb: {  	[hbm4b:s24+s5] =	stream.linear.scatter [tilespmem:s26], [sflag:$0xA], $0x4000, $0x38;
	[tilespmem:$0x16400] =	vst v63  }
0xcc: {  	_ =	swait.ge [sflag:s10], $0x4000  }
0xcd: {  	[sflag:s10] =	ssyncset.done $0x0  }
0xce: {  	s8 =	simm.s32 $0xE500;
	[sflag:s10] =	ssyncadd.s32 $0xFFFFC000  }
0xcf: {  	v0 =	vld [tilespmem:s8+$0xF0]  }
0xd0: {  	v1 =	vld [tilespmem:s8+$0xFFFFFF10]  }
0xd1: {  	v2 =	vld [tilespmem:s8+$0xFFFFFF20]  }
0xd2: {  	v3 =	vld [tilespmem:s8+$0xFFFFFF30]  }
0xd3: {  	v6 =	vld [tilespmem:s8+$0xFFFFFF60]  }
0xd4: {  	v4 =	vld [tilespmem:s8+$0xFFFFFF40]  }
0xd5: {  	v5 =	vld [tilespmem:s8+$0xFFFFFF50];
	v0 =	vmul.f32 $1.131370830e+01, v0  }
0xd6: {  	v8 =	vld [tilespmem:s8+$0xFFFFFF80];
	v1 =	vmul.f32 $1.131370830e+01, v1  }
0xd7: {  	v7 =	vld [tilespmem:s8+$0xFFFFFF70];
	v2 =	vmul.f32 $1.131370830e+01, v2;
	[tilespmem:s8+$0xF0] =	vst v0  }
0xd8: {  	v6 =	vmul.f32 $1.131370830e+01, v6;
	v0 =	vld [tilespmem:s8+$0xFFFFFF90];
	[tilespmem:s8+$0xFFFFFF10] =	vst v1  }
0xd9: {  	v1 =	vmul.f32 $1.131370830e+01, v3;
	v3 =	vld [tilespmem:s8+$0xFFFFFFA0];
	[tilespmem:s8+$0xFFFFFF20] =	vst v2;
	v2 =	vmul.f32 $1.131370830e+01, v4  }
0xda: {  	[tilespmem:s8+$0xFFFFFF60] =	vst v6;
	v6 =	vld [tilespmem:s8+$0xFFFFFFF0]  }
0xdb: {  	v4 =	vld [tilespmem:s8+$0xFFFFFFB0];
	[tilespmem:s8+$0xFFFFFF40] =	vst v2;
	v2 =	vmul.f32 $1.131370830e+01, v8  }
0xdc: {  	[tilespmem:s8+$0xFFFFFF30] =	vst v1;
	v1 =	vmul.f32 $1.131370830e+01, v5;
	v5 =	vld [tilespmem:s8+$0xFFFFFFC0]  }
0xdd: {  	v8 =	vld [tilespmem:s8+$0xFFFFFFD0];
	[tilespmem:s8+$0xFFFFFF80] =	vst v2;
	v2 =	vmul.f32 $1.131370830e+01, v7  }
0xde: {  	[tilespmem:s8+$0xFFFFFF50] =	vst v1;
	v1 =	vld [tilespmem:s8+$0xFFFFFFE0];
	v0 =	vmul.f32 $1.131370830e+01, v0  }
0xdf: {  	v7 =	vld [tilespmem:s8+$0x30];
	v6 =	vmul.f32 $1.131370830e+01, v6;
	[tilespmem:s8+$0xFFFFFF70] =	vst v2  }
0xe0: {  	v2 =	vmul.f32 $1.131370830e+01, v3;
	v3 =	vld [tilespmem:s8+$0x0];
	[tilespmem:s8+$0xFFFFFF90] =	vst v0  }
0xe1: {  	v0 =	vmul.f32 $1.131370830e+01, v4;
	v4 =	vld [tilespmem:s8+$0x10];
	[tilespmem:s8+$0xFFFFFFF0] =	vst v6  }
0xe2: {  	[tilespmem:s8+$0xFFFFFFA0] =	vst v2;
	v2 =	vmul.f32 $1.131370830e+01, v5;
	v5 =	vld [tilespmem:s8+$0x20]  }
0xe3: {  	v6 =	vld [tilespmem:s8+$0x80];
	[tilespmem:s8+$0xFFFFFFB0] =	vst v0;
	v0 =	vmul.f32 $1.131370830e+01, v8  }
0xe4: {  	v1 =	vmul.f32 $1.131370830e+01, v1;
	[tilespmem:s8+$0xFFFFFFC0] =	vst v2;
	v2 =	vld [tilespmem:s8+$0x40]  }
0xe5: {  	[tilespmem:s8+$0xFFFFFFD0] =	vst v0;
	v0 =	vmul.f32 $1.131370830e+01, v3  }
0xe6: {  	v3 =	vld [tilespmem:s8+$0x50];
	[tilespmem:s8+$0xFFFFFFE0] =	vst v1;
	v4 =	vmul.f32 $1.131370830e+01, v4  }
0xe7: {  	v1 =	vld [tilespmem:s8+$0x60];
	[tilespmem:s8+$0x0] =	vst v0;
	v0 =	vmul.f32 $1.131370830e+01, v5  }
0xe8: {  	v6 =	vmul.f32 $1.131370830e+01, v6;
	v5 =	vld [tilespmem:s8+$0x70];
	[tilespmem:s8+$0x10] =	vst v4  }
0xe9: {  	v4 =	vmul.f32 $1.131370830e+01, v7;
	v7 =	vld [tilespmem:s8+$0x90];
	[tilespmem:s8+$0x20] =	vst v0;
	v0 =	vmul.f32 $1.131370830e+01, v2  }
0xea: {  	v8 =	vld [tilespmem:s8+$0xA0];
	[tilespmem:s8+$0x80] =	vst v6  }
0xeb: {  	v2 =	vmul.f32 $1.131370830e+01, v3;
	[tilespmem:s8+$0x40] =	vst v0;
	v0 =	vld [tilespmem:s8+$0xB0]  }
0xec: {  	[tilespmem:s8+$0x30] =	vst v4;
	v3 =	vmul.f32 $1.131370830e+01, v1;
	v1 =	vld [tilespmem:s8+$0xC0]  }
0xed: {  	[tilespmem:s8+$0x50] =	vst v2;
	v4 =	vmul.f32 $1.131370830e+01, v5;
	v2 =	vld [tilespmem:s8+$0xD0]  }
0xee: {  	[tilespmem:s8+$0x60] =	vst v3;
	v3 =	vld [tilespmem:s8+$0xE0];
	v5 =	vmul.f32 $1.131370830e+01, v7  }
0xef: {  	s18 =	simm.s32 $0x0;
	s19 =	simm.s32 $0xE700;
	v6 =	vmul.f32 $1.131370830e+01, v8;
	[tilespmem:s8+$0x70] =	vst v4;
	v4 =	vld [tilespmem:s8+$0xFFFFFF00]  }
.LBB2_6:
0xf0: {  	v7 =	vld [tilespmem:s19+$0xF0];
	s18 =	sadd.s32 $0x4, s18;
	[tilespmem:s8+$0x90] =	vst v5;
	v0 =	vmul.f32 $1.131370830e+01, v0  }
0xf1: {  	v5 =	vld [tilespmem:s19+$0xFFFFFF10];
	p0 =	slt.u32 s18, $0x7C;
	[tilespmem:s8+$0xA0] =	vst v6;
	v1 =	vmul.f32 $1.131370830e+01, v1  }
0xf2: {  	v6 =	vld [tilespmem:s19+$0xFFFFFF20];
	[tilespmem:s8+$0xB0] =	vst v0;
	v0 =	vmul.f32 $1.131370830e+01, v2  }
0xf3: {  	v2 =	vld [tilespmem:s19+$0xFFFFFF30];
	[tilespmem:s8+$0xC0] =	vst v1;
	v1 =	vmul.f32 $1.131370830e+01, v3  }
0xf4: {  	v3 =	vld [tilespmem:s19+$0xFFFFFF40];
	v4 =	vmul.f32 $1.131370830e+01, v4;
	[tilespmem:s8+$0xD0] =	vst v0  }
0xf5: {  	v0 =	vld [tilespmem:s19+$0xFFFFFF50];
	v7 =	vmul.f32 $1.131370830e+01, v7;
	[tilespmem:s8+$0xE0] =	vst v1  }
0xf6: {  	v1 =	vmul.f32 $1.131370830e+01, v5;
	v5 =	vld [tilespmem:s19+$0xFFFFFF60];
	[tilespmem:s8+$0xFFFFFF00] =	vst v4;
	s8 =	smov.u32 s19  }
0xf7: {  	v4 =	vmul.f32 $1.131370830e+01, v6;
	v6 =	vld [tilespmem:s19+$0xFFFFFF70];
	[tilespmem:s19+$0xF0] =	vst v7  }
0xf8: {  	[tilespmem:s19+$0xFFFFFF10] =	vst v1;
	v1 =	vmul.f32 $1.131370830e+01, v2;
	v2 =	vld [tilespmem:s19+$0xFFFFFF80]  }
0xf9: {  	[tilespmem:s19+$0xFFFFFF20] =	vst v4;
	v3 =	vmul.f32 $1.131370830e+01, v3;
	v4 =	vld [tilespmem:s19+$0xFFFFFF90]  }
0xfa: {  	[tilespmem:s19+$0xFFFFFF30] =	vst v1;
	v0 =	vmul.f32 $1.131370830e+01, v0;
	v1 =	vld [tilespmem:s19+$0xFFFFFFA0]  }
0xfb: {  	[tilespmem:s19+$0xFFFFFF40] =	vst v3;
	v3 =	vmul.f32 $1.131370830e+01, v5;
	v5 =	vld [tilespmem:s19+$0xFFFFFFB0]  }
0xfc: {  	[tilespmem:s19+$0xFFFFFF50] =	vst v0;
	v0 =	vmul.f32 $1.131370830e+01, v6;
	v6 =	vld [tilespmem:s19+$0xFFFFFFC0]  }
0xfd: {  	[tilespmem:s19+$0xFFFFFF60] =	vst v3;
	v2 =	vmul.f32 $1.131370830e+01, v2;
	v3 =	vld [tilespmem:s19+$0xFFFFFFD0]  }
0xfe: {  	[tilespmem:s19+$0xFFFFFF70] =	vst v0;
	v0 =	vmul.f32 $1.131370830e+01, v4;
	v4 =	vld [tilespmem:s19+$0xFFFFFFE0]  }
0xff: {  	[tilespmem:s19+$0xFFFFFF80] =	vst v2;
	v1 =	vmul.f32 $1.131370830e+01, v1;
	v2 =	vld [tilespmem:s19+$0xFFFFFFF0]  }
0x100: {  	[tilespmem:s19+$0xFFFFFF90] =	vst v0;
	v0 =	vmul.f32 $1.131370830e+01, v5;
	v5 =	vld [tilespmem:s19+$0x0]  }
0x101: {  	[tilespmem:s19+$0xFFFFFFA0] =	vst v1;
	v1 =	vmul.f32 $1.131370830e+01, v6;
	v6 =	vld [tilespmem:s19+$0x10]  }
0x102: {  	[tilespmem:s19+$0xFFFFFFB0] =	vst v0;
	v0 =	vmul.f32 $1.131370830e+01, v3;
	v3 =	vld [tilespmem:s19+$0x20]  }
0x103: {  	[tilespmem:s19+$0xFFFFFFC0] =	vst v1;
	v1 =	vmul.f32 $1.131370830e+01, v4;
	v4 =	vld [tilespmem:s19+$0x30]  }
0x104: {  	[tilespmem:s19+$0xFFFFFFD0] =	vst v0;
	v0 =	vmul.f32 $1.131370830e+01, v2;
	v2 =	vld [tilespmem:s19+$0x40]  }
0x105: {  	[tilespmem:s19+$0xFFFFFFE0] =	vst v1;
	v1 =	vmul.f32 $1.131370830e+01, v5;
	v5 =	vld [tilespmem:s19+$0x50]  }
0x106: {  	[tilespmem:s19+$0xFFFFFFF0] =	vst v0;
	v0 =	vmul.f32 $1.131370830e+01, v6;
	v6 =	vld [tilespmem:s19+$0x60]  }
0x107: {  	[tilespmem:s19+$0x0] =	vst v1;
	v1 =	vmul.f32 $1.131370830e+01, v3;
	v3 =	vld [tilespmem:s19+$0x70]  }
0x108: {  	[tilespmem:s19+$0x10] =	vst v0;
	v0 =	vmul.f32 $1.131370830e+01, v4;
	v4 =	vld [tilespmem:s19+$0x80]  }
0x109: {  	[tilespmem:s19+$0x20] =	vst v1;
	v1 =	vmul.f32 $1.131370830e+01, v2;
	v7 =	vld [tilespmem:s19+$0x90]  }
0x10a: {  	[tilespmem:s19+$0x30] =	vst v0;
	v2 =	vmul.f32 $1.131370830e+01, v5;
	v8 =	vld [tilespmem:s19+$0xA0]  }
.Ltmp2:
0x10b: {  	[tilespmem:s19+$0x40] =	vst v1;
	v5 =	vmul.f32 $1.131370830e+01, v6;
	v0 =	vld [tilespmem:s19+$0xB0];
	(pc) =	sbr.rel @p0 .LBB2_6-.Ltmp2, $4  }
0x10c: {  	[tilespmem:s19+$0x50] =	vst v2;
	v3 =	vmul.f32 $1.131370830e+01, v3;
	v1 =	vld [tilespmem:s19+$0xC0]  }
0x10d: {  	[tilespmem:s19+$0x60] =	vst v5;
	v6 =	vmul.f32 $1.131370830e+01, v4;
	v2 =	vld [tilespmem:s19+$0xD0]  }
0x10e: {  	[tilespmem:s19+$0x70] =	vst v3;
	v5 =	vmul.f32 $1.131370830e+01, v7;
	v3 =	vld [tilespmem:s19+$0xE0]  }
0x10f: {  	s19 =	sadd.s32 $0x200, s19;
	v4 =	vld [tilespmem:s8+$0xFFFFFF00];
	[tilespmem:s8+$0x80] =	vst v6;
	v6 =	vmul.f32 $1.131370830e+01, v8  }
0x110: {  	[tilespmem:s8+$0x90] =	vst v5;
	v0 =	vmul.f32 $1.131370830e+01, v0  }
0x111: {  	[tilespmem:s8+$0xA0] =	vst v6;
	v1 =	vmul.f32 $1.131370830e+01, v1  }
0x112: {  	[tilespmem:s8+$0xB0] =	vst v0;
	v0 =	vmul.f32 $1.131370830e+01, v2  }
0x113: {  	[tilespmem:s8+$0xC0] =	vst v1;
	v1 =	vmul.f32 $1.131370830e+01, v3  }
0x114: {  	v2 =	vmul.f32 $1.131370830e+01, v4;
	[tilespmem:s8+$0xD0] =	vst v0  }
0x115: {  	[tilespmem:s8+$0xE0] =	vst v1  }
0x116: {  	s22 =	simm.s32 $0x100;
	[tilespmem:s8+$0xFFFFFF00] =	vst v2  }
0x117: {  	[tilespmem:s28], [sflag:$0x7] =	stream.indirect.gather.add.f32 [hbm:s3], $0x80, s22, s30, $0xb8;
	[tilespmem:$0x16400] =	vst v63  }
0x118: {  	_ =	swait.ge [sflag:s11], $0x4000  }
0x119: {  	[sflag:s11] =	ssyncset.done $0x0  }
0x11a: {  	s23 =	rddreg [dreg:$0xd];
	[sflag:s11] =	ssyncadd.s32 $0xFFFFC000  }
0x11b: {  	[tilespmem:s26], [sflag:$0x2] =	stream.linear.gather [hbm4b:s23+s5], $0x4000, $0x38;
	[tilespmem:$0x16400] =	vst v63  }
0x11c: {  	_ =	swait.ge [sflag:s12], $0x4000  }
0x11d: {  	[sflag:s12] =	ssyncset.done $0x0  }
0x11e: {  	s24 =	rddreg [dreg:$0xe];
	[sflag:s12] =	ssyncadd.s32 $0xFFFFC000  }
0x11f: {  	[hbm4b:s24+s5] =	stream.linear.scatter [tilespmem:s28], [sflag:$0xB], $0x4000, $0x38;
	[tilespmem:$0x16400] =	vst v63  }
0x120: {  	_ =	swait.ge [sflag:s13], $0x4000  }
0x121: {  	[sflag:s13] =	ssyncset.done $0x0  }
0x122: {  	s8 =	simm.s32 $0x12500;
	[sflag:s13] =	ssyncadd.s32 $0xFFFFC000  }
0x123: {  	v0 =	vld [tilespmem:s8+$0xF0]  }
0x124: {  	v1 =	vld [tilespmem:s8+$0xFFFFFF10]  }
0x125: {  	v2 =	vld [tilespmem:s8+$0xFFFFFF20]  }
0x126: {  	v3 =	vld [tilespmem:s8+$0xFFFFFF30]  }
0x127: {  	v6 =	vld [tilespmem:s8+$0xFFFFFF60]  }
0x128: {  	v4 =	vld [tilespmem:s8+$0xFFFFFF40]  }
0x129: {  	v5 =	vld [tilespmem:s8+$0xFFFFFF50];
	v0 =	vmul.f32 $1.131370830e+01, v0  }
0x12a: {  	v8 =	vld [tilespmem:s8+$0xFFFFFF80];
	v1 =	vmul.f32 $1.131370830e+01, v1  }
0x12b: {  	v7 =	vld [tilespmem:s8+$0xFFFFFF70];
	v2 =	vmul.f32 $1.131370830e+01, v2;
	[tilespmem:s8+$0xF0] =	vst v0  }
0x12c: {  	v6 =	vmul.f32 $1.131370830e+01, v6;
	v0 =	vld [tilespmem:s8+$0xFFFFFF90];
	[tilespmem:s8+$0xFFFFFF10] =	vst v1  }
0x12d: {  	v1 =	vmul.f32 $1.131370830e+01, v3;
	v3 =	vld [tilespmem:s8+$0xFFFFFFA0];
	[tilespmem:s8+$0xFFFFFF20] =	vst v2;
	v2 =	vmul.f32 $1.131370830e+01, v4  }
0x12e: {  	[tilespmem:s8+$0xFFFFFF60] =	vst v6;
	v6 =	vld [tilespmem:s8+$0xFFFFFFF0]  }
0x12f: {  	v4 =	vld [tilespmem:s8+$0xFFFFFFB0];
	[tilespmem:s8+$0xFFFFFF40] =	vst v2;
	v2 =	vmul.f32 $1.131370830e+01, v8  }
0x130: {  	[tilespmem:s8+$0xFFFFFF30] =	vst v1;
	v1 =	vmul.f32 $1.131370830e+01, v5;
	v5 =	vld [tilespmem:s8+$0xFFFFFFC0]  }
0x131: {  	v8 =	vld [tilespmem:s8+$0xFFFFFFD0];
	[tilespmem:s8+$0xFFFFFF80] =	vst v2;
	v2 =	vmul.f32 $1.131370830e+01, v7  }
0x132: {  	[tilespmem:s8+$0xFFFFFF50] =	vst v1;
	v1 =	vld [tilespmem:s8+$0xFFFFFFE0];
	v0 =	vmul.f32 $1.131370830e+01, v0  }
0x133: {  	v7 =	vld [tilespmem:s8+$0x30];
	v6 =	vmul.f32 $1.131370830e+01, v6;
	[tilespmem:s8+$0xFFFFFF70] =	vst v2  }
0x134: {  	v2 =	vmul.f32 $1.131370830e+01, v3;
	v3 =	vld [tilespmem:s8+$0x0];
	[tilespmem:s8+$0xFFFFFF90] =	vst v0  }
0x135: {  	v0 =	vmul.f32 $1.131370830e+01, v4;
	v4 =	vld [tilespmem:s8+$0x10];
	[tilespmem:s8+$0xFFFFFFF0] =	vst v6  }
0x136: {  	[tilespmem:s8+$0xFFFFFFA0] =	vst v2;
	v2 =	vmul.f32 $1.131370830e+01, v5;
	v5 =	vld [tilespmem:s8+$0x20]  }
0x137: {  	v6 =	vld [tilespmem:s8+$0x80];
	[tilespmem:s8+$0xFFFFFFB0] =	vst v0;
	v0 =	vmul.f32 $1.131370830e+01, v8  }
0x138: {  	v1 =	vmul.f32 $1.131370830e+01, v1;
	[tilespmem:s8+$0xFFFFFFC0] =	vst v2;
	v2 =	vld [tilespmem:s8+$0x40]  }
0x139: {  	[tilespmem:s8+$0xFFFFFFD0] =	vst v0;
	v0 =	vmul.f32 $1.131370830e+01, v3  }
0x13a: {  	v3 =	vld [tilespmem:s8+$0x50];
	[tilespmem:s8+$0xFFFFFFE0] =	vst v1;
	v4 =	vmul.f32 $1.131370830e+01, v4  }
0x13b: {  	v1 =	vld [tilespmem:s8+$0x60];
	[tilespmem:s8+$0x0] =	vst v0;
	v0 =	vmul.f32 $1.131370830e+01, v5  }
0x13c: {  	v6 =	vmul.f32 $1.131370830e+01, v6;
	v5 =	vld [tilespmem:s8+$0x70];
	[tilespmem:s8+$0x10] =	vst v4  }
0x13d: {  	v4 =	vmul.f32 $1.131370830e+01, v7;
	v7 =	vld [tilespmem:s8+$0x90];
	[tilespmem:s8+$0x20] =	vst v0;
	v0 =	vmul.f32 $1.131370830e+01, v2  }
0x13e: {  	v8 =	vld [tilespmem:s8+$0xA0];
	[tilespmem:s8+$0x80] =	vst v6  }
0x13f: {  	v2 =	vmul.f32 $1.131370830e+01, v3;
	[tilespmem:s8+$0x40] =	vst v0;
	v0 =	vld [tilespmem:s8+$0xB0]  }
0x140: {  	[tilespmem:s8+$0x30] =	vst v4;
	v3 =	vmul.f32 $1.131370830e+01, v1;
	v1 =	vld [tilespmem:s8+$0xC0]  }
0x141: {  	[tilespmem:s8+$0x50] =	vst v2;
	v4 =	vmul.f32 $1.131370830e+01, v5;
	v2 =	vld [tilespmem:s8+$0xD0]  }
0x142: {  	[tilespmem:s8+$0x60] =	vst v3;
	v3 =	vld [tilespmem:s8+$0xE0];
	v5 =	vmul.f32 $1.131370830e+01, v7  }
0x143: {  	s18 =	simm.s32 $0x0;
	s19 =	simm.s32 $0x12700;
	v6 =	vmul.f32 $1.131370830e+01, v8;
	[tilespmem:s8+$0x70] =	vst v4;
	v4 =	vld [tilespmem:s8+$0xFFFFFF00]  }
.LBB2_8:
0x144: {  	v7 =	vld [tilespmem:s19+$0xF0];
	s18 =	sadd.s32 $0x4, s18;
	[tilespmem:s8+$0x90] =	vst v5;
	v0 =	vmul.f32 $1.131370830e+01, v0  }
0x145: {  	v5 =	vld [tilespmem:s19+$0xFFFFFF10];
	p0 =	slt.u32 s18, $0x7C;
	[tilespmem:s8+$0xA0] =	vst v6;
	v1 =	vmul.f32 $1.131370830e+01, v1  }
0x146: {  	v6 =	vld [tilespmem:s19+$0xFFFFFF20];
	[tilespmem:s8+$0xB0] =	vst v0;
	v0 =	vmul.f32 $1.131370830e+01, v2  }
0x147: {  	v2 =	vld [tilespmem:s19+$0xFFFFFF30];
	[tilespmem:s8+$0xC0] =	vst v1;
	v1 =	vmul.f32 $1.131370830e+01, v3  }
0x148: {  	v3 =	vld [tilespmem:s19+$0xFFFFFF40];
	v4 =	vmul.f32 $1.131370830e+01, v4;
	[tilespmem:s8+$0xD0] =	vst v0  }
0x149: {  	v0 =	vld [tilespmem:s19+$0xFFFFFF50];
	v7 =	vmul.f32 $1.131370830e+01, v7;
	[tilespmem:s8+$0xE0] =	vst v1  }
0x14a: {  	v1 =	vmul.f32 $1.131370830e+01, v5;
	v5 =	vld [tilespmem:s19+$0xFFFFFF60];
	[tilespmem:s8+$0xFFFFFF00] =	vst v4;
	s8 =	smov.u32 s19  }
0x14b: {  	v4 =	vmul.f32 $1.131370830e+01, v6;
	v6 =	vld [tilespmem:s19+$0xFFFFFF70];
	[tilespmem:s19+$0xF0] =	vst v7  }
0x14c: {  	[tilespmem:s19+$0xFFFFFF10] =	vst v1;
	v1 =	vmul.f32 $1.131370830e+01, v2;
	v2 =	vld [tilespmem:s19+$0xFFFFFF80]  }
0x14d: {  	[tilespmem:s19+$0xFFFFFF20] =	vst v4;
	v3 =	vmul.f32 $1.131370830e+01, v3;
	v4 =	vld [tilespmem:s19+$0xFFFFFF90]  }
0x14e: {  	[tilespmem:s19+$0xFFFFFF30] =	vst v1;
	v0 =	vmul.f32 $1.131370830e+01, v0;
	v1 =	vld [tilespmem:s19+$0xFFFFFFA0]  }
0x14f: {  	[tilespmem:s19+$0xFFFFFF40] =	vst v3;
	v3 =	vmul.f32 $1.131370830e+01, v5;
	v5 =	vld [tilespmem:s19+$0xFFFFFFB0]  }
0x150: {  	[tilespmem:s19+$0xFFFFFF50] =	vst v0;
	v0 =	vmul.f32 $1.131370830e+01, v6;
	v6 =	vld [tilespmem:s19+$0xFFFFFFC0]  }
0x151: {  	[tilespmem:s19+$0xFFFFFF60] =	vst v3;
	v2 =	vmul.f32 $1.131370830e+01, v2;
	v3 =	vld [tilespmem:s19+$0xFFFFFFD0]  }
0x152: {  	[tilespmem:s19+$0xFFFFFF70] =	vst v0;
	v0 =	vmul.f32 $1.131370830e+01, v4;
	v4 =	vld [tilespmem:s19+$0xFFFFFFE0]  }
0x153: {  	[tilespmem:s19+$0xFFFFFF80] =	vst v2;
	v1 =	vmul.f32 $1.131370830e+01, v1;
	v2 =	vld [tilespmem:s19+$0xFFFFFFF0]  }
0x154: {  	[tilespmem:s19+$0xFFFFFF90] =	vst v0;
	v0 =	vmul.f32 $1.131370830e+01, v5;
	v5 =	vld [tilespmem:s19+$0x0]  }
0x155: {  	[tilespmem:s19+$0xFFFFFFA0] =	vst v1;
	v1 =	vmul.f32 $1.131370830e+01, v6;
	v6 =	vld [tilespmem:s19+$0x10]  }
0x156: {  	[tilespmem:s19+$0xFFFFFFB0] =	vst v0;
	v0 =	vmul.f32 $1.131370830e+01, v3;
	v3 =	vld [tilespmem:s19+$0x20]  }
0x157: {  	[tilespmem:s19+$0xFFFFFFC0] =	vst v1;
	v1 =	vmul.f32 $1.131370830e+01, v4;
	v4 =	vld [tilespmem:s19+$0x30]  }
0x158: {  	[tilespmem:s19+$0xFFFFFFD0] =	vst v0;
	v0 =	vmul.f32 $1.131370830e+01, v2;
	v2 =	vld [tilespmem:s19+$0x40]  }
0x159: {  	[tilespmem:s19+$0xFFFFFFE0] =	vst v1;
	v1 =	vmul.f32 $1.131370830e+01, v5;
	v5 =	vld [tilespmem:s19+$0x50]  }
0x15a: {  	[tilespmem:s19+$0xFFFFFFF0] =	vst v0;
	v0 =	vmul.f32 $1.131370830e+01, v6;
	v6 =	vld [tilespmem:s19+$0x60]  }
0x15b: {  	[tilespmem:s19+$0x0] =	vst v1;
	v1 =	vmul.f32 $1.131370830e+01, v3;
	v3 =	vld [tilespmem:s19+$0x70]  }
0x15c: {  	[tilespmem:s19+$0x10] =	vst v0;
	v0 =	vmul.f32 $1.131370830e+01, v4;
	v4 =	vld [tilespmem:s19+$0x80]  }
0x15d: {  	[tilespmem:s19+$0x20] =	vst v1;
	v1 =	vmul.f32 $1.131370830e+01, v2;
	v7 =	vld [tilespmem:s19+$0x90]  }
0x15e: {  	[tilespmem:s19+$0x30] =	vst v0;
	v2 =	vmul.f32 $1.131370830e+01, v5;
	v8 =	vld [tilespmem:s19+$0xA0]  }
.Ltmp3:
0x15f: {  	[tilespmem:s19+$0x40] =	vst v1;
	v5 =	vmul.f32 $1.131370830e+01, v6;
	v0 =	vld [tilespmem:s19+$0xB0];
	(pc) =	sbr.rel @p0 .LBB2_8-.Ltmp3, $4  }
0x160: {  	[tilespmem:s19+$0x50] =	vst v2;
	v3 =	vmul.f32 $1.131370830e+01, v3;
	v1 =	vld [tilespmem:s19+$0xC0]  }
0x161: {  	[tilespmem:s19+$0x60] =	vst v5;
	v6 =	vmul.f32 $1.131370830e+01, v4;
	v2 =	vld [tilespmem:s19+$0xD0]  }
0x162: {  	[tilespmem:s19+$0x70] =	vst v3;
	v5 =	vmul.f32 $1.131370830e+01, v7;
	v3 =	vld [tilespmem:s19+$0xE0]  }
0x163: {  	s19 =	sadd.s32 $0x200, s19;
	v4 =	vld [tilespmem:s8+$0xFFFFFF00];
	[tilespmem:s8+$0x80] =	vst v6;
	v6 =	vmul.f32 $1.131370830e+01, v8  }
0x164: {  	[tilespmem:s8+$0x90] =	vst v5;
	v0 =	vmul.f32 $1.131370830e+01, v0  }
0x165: {  	[tilespmem:s8+$0xA0] =	vst v6;
	v1 =	vmul.f32 $1.131370830e+01, v1  }
0x166: {  	[tilespmem:s8+$0xB0] =	vst v0;
	v61 =	vmul.f32 $1.131370830e+01, v2  }
0x167: {  	[tilespmem:s8+$0xC0] =	vst v1;
	v62 =	vmul.f32 $1.131370830e+01, v3  }
0x168: {  	v63 =	vmul.f32 $1.131370830e+01, v4;
	[tilespmem:s8+$0xD0] =	vst v61  }
0x169: {  	[tilespmem:s8+$0xE0] =	vst v62  }
0x16a: {  	s22 =	simm.s32 $0x180;
	[tilespmem:s8+$0xFFFFFF00] =	vst v63  }
0x16b: {  	[tilespmem:s31], [sflag:$0x8] =	stream.indirect.gather.add.f32 [hbm:s3], $0x80, s22, s30, $0xb8;
	[tilespmem:$0x16400] =	vst v63  }
0x16c: {  	_ =	swait.ge [sflag:s15], $0x4000  }
0x16d: {  	[sflag:s15] =	ssyncset.done $0x0  }
0x16e: {  	s23 =	rddreg [dreg:$0xf];
	[sflag:s15] =	ssyncadd.s32 $0xFFFFC000  }
0x16f: {  	[tilespmem:s28], [sflag:$0x3] =	stream.linear.gather [hbm4b:s23+s5], $0x4000, $0x38;
	[tilespmem:$0x16400] =	vst v63  }
0x170: {  	_ =	swait.ge [sflag:s16], $0x4000  }
0x171: {  	[sflag:s16] =	ssyncset.done $0x0  }
0x172: {  	s19 =	simm.s32 $0x1;
	s24 =	rddreg [dreg:$0x10];
	[sflag:s16] =	ssyncadd.s32 $0xFFFFC000  }
0x173: {  	[hbm4b:s24+s5] =	stream.linear.scatter [tilespmem:s31], [sflag:$0xC], $0x4000, $0x38;
	[tilespmem:$0x16400] =	vst v63  }
.LBB2_10:
0x174: {  	_ =	swait.ge [sflag:s29], $0x4000  }
0x175: {  	[sflag:s29] =	ssyncset.done $0x0  }
0x176: {  	s8 =	simm.s32 $0x6500;
	[sflag:s29] =	ssyncadd.s32 $0xFFFFC000  }
0x177: {  	v0 =	vld [tilespmem:s8+$0xF0]  }
0x178: {  	v1 =	vld [tilespmem:s8+$0xFFFFFF10]  }
0x179: {  	v2 =	vld [tilespmem:s8+$0xFFFFFF20]  }
0x17a: {  	v3 =	vld [tilespmem:s8+$0xFFFFFF30]  }
0x17b: {  	v6 =	vld [tilespmem:s8+$0xFFFFFF60]  }
0x17c: {  	v4 =	vld [tilespmem:s8+$0xFFFFFF40]  }
0x17d: {  	v5 =	vld [tilespmem:s8+$0xFFFFFF50];
	v0 =	vmul.f32 $1.131370830e+01, v0  }
0x17e: {  	v8 =	vld [tilespmem:s8+$0xFFFFFF80];
	v1 =	vmul.f32 $1.131370830e+01, v1  }
0x17f: {  	v7 =	vld [tilespmem:s8+$0xFFFFFF70];
	v2 =	vmul.f32 $1.131370830e+01, v2;
	[tilespmem:s8+$0xF0] =	vst v0  }
0x180: {  	v6 =	vmul.f32 $1.131370830e+01, v6;
	v0 =	vld [tilespmem:s8+$0xFFFFFF90];
	[tilespmem:s8+$0xFFFFFF10] =	vst v1  }
0x181: {  	v1 =	vmul.f32 $1.131370830e+01, v3;
	v3 =	vld [tilespmem:s8+$0xFFFFFFA0];
	[tilespmem:s8+$0xFFFFFF20] =	vst v2;
	v2 =	vmul.f32 $1.131370830e+01, v4  }
0x182: {  	[tilespmem:s8+$0xFFFFFF60] =	vst v6;
	v6 =	vld [tilespmem:s8+$0xFFFFFFF0]  }
0x183: {  	v4 =	vld [tilespmem:s8+$0xFFFFFFB0];
	[tilespmem:s8+$0xFFFFFF40] =	vst v2;
	v2 =	vmul.f32 $1.131370830e+01, v8  }
0x184: {  	[tilespmem:s8+$0xFFFFFF30] =	vst v1;
	v1 =	vmul.f32 $1.131370830e+01, v5;
	v5 =	vld [tilespmem:s8+$0xFFFFFFC0]  }
0x185: {  	v8 =	vld [tilespmem:s8+$0xFFFFFFD0];
	[tilespmem:s8+$0xFFFFFF80] =	vst v2;
	v2 =	vmul.f32 $1.131370830e+01, v7  }
0x186: {  	[tilespmem:s8+$0xFFFFFF50] =	vst v1;
	v1 =	vld [tilespmem:s8+$0xFFFFFFE0];
	v0 =	vmul.f32 $1.131370830e+01, v0  }
0x187: {  	v7 =	vld [tilespmem:s8+$0x30];
	v6 =	vmul.f32 $1.131370830e+01, v6;
	[tilespmem:s8+$0xFFFFFF70] =	vst v2  }
0x188: {  	v2 =	vmul.f32 $1.131370830e+01, v3;
	v3 =	vld [tilespmem:s8+$0x0];
	[tilespmem:s8+$0xFFFFFF90] =	vst v0  }
0x189: {  	v0 =	vmul.f32 $1.131370830e+01, v4;
	v4 =	vld [tilespmem:s8+$0x10];
	[tilespmem:s8+$0xFFFFFFF0] =	vst v6  }
0x18a: {  	[tilespmem:s8+$0xFFFFFFA0] =	vst v2;
	v2 =	vmul.f32 $1.131370830e+01, v5;
	v5 =	vld [tilespmem:s8+$0x20]  }
0x18b: {  	v6 =	vld [tilespmem:s8+$0x80];
	[tilespmem:s8+$0xFFFFFFB0] =	vst v0;
	v0 =	vmul.f32 $1.131370830e+01, v8  }
0x18c: {  	v1 =	vmul.f32 $1.131370830e+01, v1;
	[tilespmem:s8+$0xFFFFFFC0] =	vst v2;
	v2 =	vld [tilespmem:s8+$0x40]  }
0x18d: {  	[tilespmem:s8+$0xFFFFFFD0] =	vst v0;
	v0 =	vmul.f32 $1.131370830e+01, v3  }
0x18e: {  	v3 =	vld [tilespmem:s8+$0x50];
	[tilespmem:s8+$0xFFFFFFE0] =	vst v1;
	v4 =	vmul.f32 $1.131370830e+01, v4  }
0x18f: {  	v1 =	vld [tilespmem:s8+$0x60];
	[tilespmem:s8+$0x0] =	vst v0;
	v0 =	vmul.f32 $1.131370830e+01, v5  }
0x190: {  	v6 =	vmul.f32 $1.131370830e+01, v6;
	v5 =	vld [tilespmem:s8+$0x70];
	[tilespmem:s8+$0x10] =	vst v4  }
0x191: {  	v4 =	vmul.f32 $1.131370830e+01, v7;
	v7 =	vld [tilespmem:s8+$0x90];
	[tilespmem:s8+$0x20] =	vst v0;
	v0 =	vmul.f32 $1.131370830e+01, v2  }
0x192: {  	v8 =	vld [tilespmem:s8+$0xA0];
	[tilespmem:s8+$0x80] =	vst v6  }
0x193: {  	v2 =	vmul.f32 $1.131370830e+01, v3;
	[tilespmem:s8+$0x40] =	vst v0;
	v0 =	vld [tilespmem:s8+$0xB0]  }
0x194: {  	[tilespmem:s8+$0x30] =	vst v4;
	v3 =	vmul.f32 $1.131370830e+01, v1;
	v1 =	vld [tilespmem:s8+$0xC0]  }
0x195: {  	[tilespmem:s8+$0x50] =	vst v2;
	v4 =	vmul.f32 $1.131370830e+01, v5;
	v2 =	vld [tilespmem:s8+$0xD0]  }
0x196: {  	[tilespmem:s8+$0x60] =	vst v3;
	v3 =	vld [tilespmem:s8+$0xE0];
	v5 =	vmul.f32 $1.131370830e+01, v7  }
0x197: {  	s18 =	simm.s32 $0x0;
	s20 =	simm.s32 $0x6700;
	v6 =	vmul.f32 $1.131370830e+01, v8;
	[tilespmem:s8+$0x70] =	vst v4;
	v4 =	vld [tilespmem:s8+$0xFFFFFF00]  }
.LBB2_11:
0x198: {  	v7 =	vld [tilespmem:s20+$0xF0];
	s18 =	sadd.s32 $0x4, s18;
	[tilespmem:s8+$0x90] =	vst v5;
	v0 =	vmul.f32 $1.131370830e+01, v0  }
0x199: {  	v5 =	vld [tilespmem:s20+$0xFFFFFF10];
	p0 =	slt.u32 s18, $0x7C;
	[tilespmem:s8+$0xA0] =	vst v6;
	v1 =	vmul.f32 $1.131370830e+01, v1  }
0x19a: {  	v6 =	vld [tilespmem:s20+$0xFFFFFF20];
	[tilespmem:s8+$0xB0] =	vst v0;
	v0 =	vmul.f32 $1.131370830e+01, v2  }
0x19b: {  	v2 =	vld [tilespmem:s20+$0xFFFFFF30];
	[tilespmem:s8+$0xC0] =	vst v1;
	v1 =	vmul.f32 $1.131370830e+01, v3  }
0x19c: {  	v3 =	vld [tilespmem:s20+$0xFFFFFF40];
	v4 =	vmul.f32 $1.131370830e+01, v4;
	[tilespmem:s8+$0xD0] =	vst v0  }
0x19d: {  	v0 =	vld [tilespmem:s20+$0xFFFFFF50];
	v7 =	vmul.f32 $1.131370830e+01, v7;
	[tilespmem:s8+$0xE0] =	vst v1  }
0x19e: {  	v1 =	vmul.f32 $1.131370830e+01, v5;
	v5 =	vld [tilespmem:s20+$0xFFFFFF60];
	[tilespmem:s8+$0xFFFFFF00] =	vst v4;
	s8 =	smov.u32 s20  }
0x19f: {  	v4 =	vmul.f32 $1.131370830e+01, v6;
	v6 =	vld [tilespmem:s20+$0xFFFFFF70];
	[tilespmem:s20+$0xF0] =	vst v7  }
0x1a0: {  	[tilespmem:s20+$0xFFFFFF10] =	vst v1;
	v1 =	vmul.f32 $1.131370830e+01, v2;
	v2 =	vld [tilespmem:s20+$0xFFFFFF80]  }
0x1a1: {  	[tilespmem:s20+$0xFFFFFF20] =	vst v4;
	v3 =	vmul.f32 $1.131370830e+01, v3;
	v4 =	vld [tilespmem:s20+$0xFFFFFF90]  }
0x1a2: {  	[tilespmem:s20+$0xFFFFFF30] =	vst v1;
	v0 =	vmul.f32 $1.131370830e+01, v0;
	v1 =	vld [tilespmem:s20+$0xFFFFFFA0]  }
0x1a3: {  	[tilespmem:s20+$0xFFFFFF40] =	vst v3;
	v3 =	vmul.f32 $1.131370830e+01, v5;
	v5 =	vld [tilespmem:s20+$0xFFFFFFB0]  }
0x1a4: {  	[tilespmem:s20+$0xFFFFFF50] =	vst v0;
	v0 =	vmul.f32 $1.131370830e+01, v6;
	v6 =	vld [tilespmem:s20+$0xFFFFFFC0]  }
0x1a5: {  	[tilespmem:s20+$0xFFFFFF60] =	vst v3;
	v2 =	vmul.f32 $1.131370830e+01, v2;
	v3 =	vld [tilespmem:s20+$0xFFFFFFD0]  }
0x1a6: {  	[tilespmem:s20+$0xFFFFFF70] =	vst v0;
	v0 =	vmul.f32 $1.131370830e+01, v4;
	v4 =	vld [tilespmem:s20+$0xFFFFFFE0]  }
0x1a7: {  	[tilespmem:s20+$0xFFFFFF80] =	vst v2;
	v1 =	vmul.f32 $1.131370830e+01, v1;
	v2 =	vld [tilespmem:s20+$0xFFFFFFF0]  }
0x1a8: {  	[tilespmem:s20+$0xFFFFFF90] =	vst v0;
	v0 =	vmul.f32 $1.131370830e+01, v5;
	v5 =	vld [tilespmem:s20+$0x0]  }
0x1a9: {  	[tilespmem:s20+$0xFFFFFFA0] =	vst v1;
	v1 =	vmul.f32 $1.131370830e+01, v6;
	v6 =	vld [tilespmem:s20+$0x10]  }
0x1aa: {  	[tilespmem:s20+$0xFFFFFFB0] =	vst v0;
	v0 =	vmul.f32 $1.131370830e+01, v3;
	v3 =	vld [tilespmem:s20+$0x20]  }
0x1ab: {  	[tilespmem:s20+$0xFFFFFFC0] =	vst v1;
	v1 =	vmul.f32 $1.131370830e+01, v4;
	v4 =	vld [tilespmem:s20+$0x30]  }
0x1ac: {  	[tilespmem:s20+$0xFFFFFFD0] =	vst v0;
	v0 =	vmul.f32 $1.131370830e+01, v2;
	v2 =	vld [tilespmem:s20+$0x40]  }
0x1ad: {  	[tilespmem:s20+$0xFFFFFFE0] =	vst v1;
	v1 =	vmul.f32 $1.131370830e+01, v5;
	v5 =	vld [tilespmem:s20+$0x50]  }
0x1ae: {  	[tilespmem:s20+$0xFFFFFFF0] =	vst v0;
	v0 =	vmul.f32 $1.131370830e+01, v6;
	v6 =	vld [tilespmem:s20+$0x60]  }
0x1af: {  	[tilespmem:s20+$0x0] =	vst v1;
	v1 =	vmul.f32 $1.131370830e+01, v3;
	v3 =	vld [tilespmem:s20+$0x70]  }
0x1b0: {  	[tilespmem:s20+$0x10] =	vst v0;
	v0 =	vmul.f32 $1.131370830e+01, v4;
	v4 =	vld [tilespmem:s20+$0x80]  }
0x1b1: {  	[tilespmem:s20+$0x20] =	vst v1;
	v1 =	vmul.f32 $1.131370830e+01, v2;
	v7 =	vld [tilespmem:s20+$0x90]  }
0x1b2: {  	[tilespmem:s20+$0x30] =	vst v0;
	v2 =	vmul.f32 $1.131370830e+01, v5;
	v8 =	vld [tilespmem:s20+$0xA0]  }
.Ltmp4:
0x1b3: {  	[tilespmem:s20+$0x40] =	vst v1;
	v5 =	vmul.f32 $1.131370830e+01, v6;
	v0 =	vld [tilespmem:s20+$0xB0];
	(pc) =	sbr.rel @p0 .LBB2_11-.Ltmp4, $4  }
0x1b4: {  	[tilespmem:s20+$0x50] =	vst v2;
	v3 =	vmul.f32 $1.131370830e+01, v3;
	v1 =	vld [tilespmem:s20+$0xC0]  }
0x1b5: {  	[tilespmem:s20+$0x60] =	vst v5;
	v6 =	vmul.f32 $1.131370830e+01, v4;
	v2 =	vld [tilespmem:s20+$0xD0]  }
0x1b6: {  	[tilespmem:s20+$0x70] =	vst v3;
	v5 =	vmul.f32 $1.131370830e+01, v7;
	v3 =	vld [tilespmem:s20+$0xE0]  }
0x1b7: {  	s20 =	sadd.s32 $0x200, s20;
	v4 =	vld [tilespmem:s8+$0xFFFFFF00];
	[tilespmem:s8+$0x80] =	vst v6;
	v6 =	vmul.f32 $1.131370830e+01, v8  }
0x1b8: {  	[tilespmem:s8+$0x90] =	vst v5;
	v0 =	vmul.f32 $1.131370830e+01, v0  }
0x1b9: {  	[tilespmem:s8+$0xA0] =	vst v6;
	v1 =	vmul.f32 $1.131370830e+01, v1  }
0x1ba: {  	[tilespmem:s8+$0xB0] =	vst v0;
	v0 =	vmul.f32 $1.131370830e+01, v2  }
0x1bb: {  	[tilespmem:s8+$0xC0] =	vst v1;
	v1 =	vmul.f32 $1.131370830e+01, v3  }
0x1bc: {  	v2 =	vmul.f32 $1.131370830e+01, v4;
	[tilespmem:s8+$0xD0] =	vst v0  }
0x1bd: {  	s24 =	sshll.u32 s19, $0x9;
	s23 =	sshllo.u32 s19, $0x2;
	[tilespmem:s8+$0xE0] =	vst v1  }
0x1be: {  	s21 =	sand.u32 $0x3FFFFE00, s24;
	s22 =	sshll.u32 s23, $0xE;
	[tilespmem:s8+$0xFFFFFF00] =	vst v2  }
0x1bf: {  	[tilespmem:s25], [sflag:$0x5] =	stream.indirect.gather.add.f32 [hbm:s3], $0x80, s21, s30, $0xb8;
	[tilespmem:$0x16400] =	vst v63  }
0x1c0: {  	s8 =	sadd.s32 s14, s22;
	_ =	swait.ge [sflag:s17], $0x4000  }
0x1c1: {  	s8 =	sshrl.u32 s8, $0x3;
	[sflag:s17] =	ssyncset.done $0x0  }
0x1c2: {  	s8 =	sadd.s32 s1, s8;
	[sflag:s17] =	ssyncadd.s32 $0xFFFFC000  }
0x1c3: {  	[tilespmem:s31], [sflag:$0x4] =	stream.linear.gather [hbm4b:s8+s5], $0x4000, $0x38;
	[tilespmem:$0x16400] =	vst v63  }
0x1c4: {  	s8 =	sshll.u32 s19, $0x10  }
0x1c5: {  	_ =	swait.ge [sflag:s2], $0x4000;
	s18 =	sadd.s32 s14, s8  }
0x1c6: {  	[sflag:s2] =	ssyncset.done $0x0;
	s18 =	sshrl.u32 s18, $0x3  }
0x1c7: {  	[sflag:s2] =	ssyncadd.s32 $0xFFFFC000;
	s18 =	sadd.s32 s4, s18  }
0x1c8: {  	[hbm4b:s18+s5] =	stream.linear.scatter [tilespmem:s25], [sflag:$0x9], $0x4000, $0x38;
	[tilespmem:$0x16400] =	vst v63  }
0x1c9: {  	_ =	swait.ge [sflag:s0], $0x4000  }
0x1ca: {  	[sflag:s0] =	ssyncset.done $0x0  }
0x1cb: {  	s18 =	simm.s32 $0xA500;
	[sflag:s0] =	ssyncadd.s32 $0xFFFFC000  }
0x1cc: {  	v0 =	vld [tilespmem:s18+$0xF0]  }
0x1cd: {  	v1 =	vld [tilespmem:s18+$0xFFFFFF10]  }
0x1ce: {  	v2 =	vld [tilespmem:s18+$0xFFFFFF20]  }
0x1cf: {  	v3 =	vld [tilespmem:s18+$0xFFFFFF30]  }
0x1d0: {  	v6 =	vld [tilespmem:s18+$0xFFFFFF60]  }
0x1d1: {  	v4 =	vld [tilespmem:s18+$0xFFFFFF40]  }
0x1d2: {  	v5 =	vld [tilespmem:s18+$0xFFFFFF50];
	v0 =	vmul.f32 $1.131370830e+01, v0  }
0x1d3: {  	v8 =	vld [tilespmem:s18+$0xFFFFFF80];
	v1 =	vmul.f32 $1.131370830e+01, v1  }
0x1d4: {  	v7 =	vld [tilespmem:s18+$0xFFFFFF70];
	v2 =	vmul.f32 $1.131370830e+01, v2;
	[tilespmem:s18+$0xF0] =	vst v0  }
0x1d5: {  	v6 =	vmul.f32 $1.131370830e+01, v6;
	v0 =	vld [tilespmem:s18+$0xFFFFFF90];
	[tilespmem:s18+$0xFFFFFF10] =	vst v1  }
0x1d6: {  	v1 =	vmul.f32 $1.131370830e+01, v3;
	v3 =	vld [tilespmem:s18+$0xFFFFFFA0];
	[tilespmem:s18+$0xFFFFFF20] =	vst v2;
	v2 =	vmul.f32 $1.131370830e+01, v4  }
0x1d7: {  	[tilespmem:s18+$0xFFFFFF60] =	vst v6;
	v6 =	vld [tilespmem:s18+$0xFFFFFFF0]  }
0x1d8: {  	v4 =	vld [tilespmem:s18+$0xFFFFFFB0];
	[tilespmem:s18+$0xFFFFFF40] =	vst v2;
	v2 =	vmul.f32 $1.131370830e+01, v8  }
0x1d9: {  	[tilespmem:s18+$0xFFFFFF30] =	vst v1;
	v1 =	vmul.f32 $1.131370830e+01, v5;
	v5 =	vld [tilespmem:s18+$0xFFFFFFC0]  }
0x1da: {  	v8 =	vld [tilespmem:s18+$0xFFFFFFD0];
	[tilespmem:s18+$0xFFFFFF80] =	vst v2;
	v2 =	vmul.f32 $1.131370830e+01, v7  }
0x1db: {  	[tilespmem:s18+$0xFFFFFF50] =	vst v1;
	v1 =	vld [tilespmem:s18+$0xFFFFFFE0];
	v0 =	vmul.f32 $1.131370830e+01, v0  }
0x1dc: {  	v7 =	vld [tilespmem:s18+$0x30];
	v6 =	vmul.f32 $1.131370830e+01, v6;
	[tilespmem:s18+$0xFFFFFF70] =	vst v2  }
0x1dd: {  	v2 =	vmul.f32 $1.131370830e+01, v3;
	v3 =	vld [tilespmem:s18+$0x0];
	[tilespmem:s18+$0xFFFFFF90] =	vst v0  }
0x1de: {  	v0 =	vmul.f32 $1.131370830e+01, v4;
	v4 =	vld [tilespmem:s18+$0x10];
	[tilespmem:s18+$0xFFFFFFF0] =	vst v6  }
0x1df: {  	[tilespmem:s18+$0xFFFFFFA0] =	vst v2;
	v2 =	vmul.f32 $1.131370830e+01, v5;
	v5 =	vld [tilespmem:s18+$0x20]  }
0x1e0: {  	v6 =	vld [tilespmem:s18+$0x80];
	[tilespmem:s18+$0xFFFFFFB0] =	vst v0;
	v0 =	vmul.f32 $1.131370830e+01, v8  }
0x1e1: {  	v1 =	vmul.f32 $1.131370830e+01, v1;
	[tilespmem:s18+$0xFFFFFFC0] =	vst v2;
	v2 =	vld [tilespmem:s18+$0x40]  }
0x1e2: {  	[tilespmem:s18+$0xFFFFFFD0] =	vst v0;
	v0 =	vmul.f32 $1.131370830e+01, v3  }
0x1e3: {  	v3 =	vld [tilespmem:s18+$0x50];
	[tilespmem:s18+$0xFFFFFFE0] =	vst v1;
	v4 =	vmul.f32 $1.131370830e+01, v4  }
0x1e4: {  	v1 =	vld [tilespmem:s18+$0x60];
	[tilespmem:s18+$0x0] =	vst v0;
	v0 =	vmul.f32 $1.131370830e+01, v5  }
0x1e5: {  	v6 =	vmul.f32 $1.131370830e+01, v6;
	v5 =	vld [tilespmem:s18+$0x70];
	[tilespmem:s18+$0x10] =	vst v4  }
0x1e6: {  	v4 =	vmul.f32 $1.131370830e+01, v7;
	v7 =	vld [tilespmem:s18+$0x90];
	[tilespmem:s18+$0x20] =	vst v0;
	v0 =	vmul.f32 $1.131370830e+01, v2  }
0x1e7: {  	v8 =	vld [tilespmem:s18+$0xA0];
	[tilespmem:s18+$0x80] =	vst v6  }
0x1e8: {  	v2 =	vmul.f32 $1.131370830e+01, v3;
	[tilespmem:s18+$0x40] =	vst v0;
	v0 =	vld [tilespmem:s18+$0xB0]  }
0x1e9: {  	[tilespmem:s18+$0x30] =	vst v4;
	v3 =	vmul.f32 $1.131370830e+01, v1;
	v1 =	vld [tilespmem:s18+$0xC0]  }
0x1ea: {  	[tilespmem:s18+$0x50] =	vst v2;
	v4 =	vmul.f32 $1.131370830e+01, v5;
	v2 =	vld [tilespmem:s18+$0xD0]  }
0x1eb: {  	[tilespmem:s18+$0x60] =	vst v3;
	v3 =	vld [tilespmem:s18+$0xE0];
	v5 =	vmul.f32 $1.131370830e+01, v7  }
0x1ec: {  	s20 =	simm.s32 $0x0;
	s21 =	simm.s32 $0xA700;
	v6 =	vmul.f32 $1.131370830e+01, v8;
	[tilespmem:s18+$0x70] =	vst v4;
	v4 =	vld [tilespmem:s18+$0xFFFFFF00]  }
.LBB2_13:
0x1ed: {  	v7 =	vld [tilespmem:s21+$0xF0];
	s20 =	sadd.s32 $0x4, s20;
	[tilespmem:s18+$0x90] =	vst v5;
	v0 =	vmul.f32 $1.131370830e+01, v0  }
0x1ee: {  	v5 =	vld [tilespmem:s21+$0xFFFFFF10];
	p0 =	slt.u32 s20, $0x7C;
	[tilespmem:s18+$0xA0] =	vst v6;
	v1 =	vmul.f32 $1.131370830e+01, v1  }
0x1ef: {  	v6 =	vld [tilespmem:s21+$0xFFFFFF20];
	[tilespmem:s18+$0xB0] =	vst v0;
	v0 =	vmul.f32 $1.131370830e+01, v2  }
0x1f0: {  	v2 =	vld [tilespmem:s21+$0xFFFFFF30];
	[tilespmem:s18+$0xC0] =	vst v1;
	v1 =	vmul.f32 $1.131370830e+01, v3  }
0x1f1: {  	v3 =	vld [tilespmem:s21+$0xFFFFFF40];
	v4 =	vmul.f32 $1.131370830e+01, v4;
	[tilespmem:s18+$0xD0] =	vst v0  }
0x1f2: {  	v0 =	vld [tilespmem:s21+$0xFFFFFF50];
	v7 =	vmul.f32 $1.131370830e+01, v7;
	[tilespmem:s18+$0xE0] =	vst v1  }
0x1f3: {  	v1 =	vmul.f32 $1.131370830e+01, v5;
	v5 =	vld [tilespmem:s21+$0xFFFFFF60];
	[tilespmem:s18+$0xFFFFFF00] =	vst v4;
	s18 =	smov.u32 s21  }
0x1f4: {  	v4 =	vmul.f32 $1.131370830e+01, v6;
	v6 =	vld [tilespmem:s21+$0xFFFFFF70];
	[tilespmem:s21+$0xF0] =	vst v7  }
0x1f5: {  	[tilespmem:s21+$0xFFFFFF10] =	vst v1;
	v1 =	vmul.f32 $1.131370830e+01, v2;
	v2 =	vld [tilespmem:s21+$0xFFFFFF80]  }
0x1f6: {  	[tilespmem:s21+$0xFFFFFF20] =	vst v4;
	v3 =	vmul.f32 $1.131370830e+01, v3;
	v4 =	vld [tilespmem:s21+$0xFFFFFF90]  }
0x1f7: {  	[tilespmem:s21+$0xFFFFFF30] =	vst v1;
	v0 =	vmul.f32 $1.131370830e+01, v0;
	v1 =	vld [tilespmem:s21+$0xFFFFFFA0]  }
0x1f8: {  	[tilespmem:s21+$0xFFFFFF40] =	vst v3;
	v3 =	vmul.f32 $1.131370830e+01, v5;
	v5 =	vld [tilespmem:s21+$0xFFFFFFB0]  }
0x1f9: {  	[tilespmem:s21+$0xFFFFFF50] =	vst v0;
	v0 =	vmul.f32 $1.131370830e+01, v6;
	v6 =	vld [tilespmem:s21+$0xFFFFFFC0]  }
0x1fa: {  	[tilespmem:s21+$0xFFFFFF60] =	vst v3;
	v2 =	vmul.f32 $1.131370830e+01, v2;
	v3 =	vld [tilespmem:s21+$0xFFFFFFD0]  }
0x1fb: {  	[tilespmem:s21+$0xFFFFFF70] =	vst v0;
	v0 =	vmul.f32 $1.131370830e+01, v4;
	v4 =	vld [tilespmem:s21+$0xFFFFFFE0]  }
0x1fc: {  	[tilespmem:s21+$0xFFFFFF80] =	vst v2;
	v1 =	vmul.f32 $1.131370830e+01, v1;
	v2 =	vld [tilespmem:s21+$0xFFFFFFF0]  }
0x1fd: {  	[tilespmem:s21+$0xFFFFFF90] =	vst v0;
	v0 =	vmul.f32 $1.131370830e+01, v5;
	v5 =	vld [tilespmem:s21+$0x0]  }
0x1fe: {  	[tilespmem:s21+$0xFFFFFFA0] =	vst v1;
	v1 =	vmul.f32 $1.131370830e+01, v6;
	v6 =	vld [tilespmem:s21+$0x10]  }
0x1ff: {  	[tilespmem:s21+$0xFFFFFFB0] =	vst v0;
	v0 =	vmul.f32 $1.131370830e+01, v3;
	v3 =	vld [tilespmem:s21+$0x20]  }
0x200: {  	[tilespmem:s21+$0xFFFFFFC0] =	vst v1;
	v1 =	vmul.f32 $1.131370830e+01, v4;
	v4 =	vld [tilespmem:s21+$0x30]  }
0x201: {  	[tilespmem:s21+$0xFFFFFFD0] =	vst v0;
	v0 =	vmul.f32 $1.131370830e+01, v2;
	v2 =	vld [tilespmem:s21+$0x40]  }
0x202: {  	[tilespmem:s21+$0xFFFFFFE0] =	vst v1;
	v1 =	vmul.f32 $1.131370830e+01, v5;
	v5 =	vld [tilespmem:s21+$0x50]  }
0x203: {  	[tilespmem:s21+$0xFFFFFFF0] =	vst v0;
	v0 =	vmul.f32 $1.131370830e+01, v6;
	v6 =	vld [tilespmem:s21+$0x60]  }
0x204: {  	[tilespmem:s21+$0x0] =	vst v1;
	v1 =	vmul.f32 $1.131370830e+01, v3;
	v3 =	vld [tilespmem:s21+$0x70]  }
0x205: {  	[tilespmem:s21+$0x10] =	vst v0;
	v0 =	vmul.f32 $1.131370830e+01, v4;
	v4 =	vld [tilespmem:s21+$0x80]  }
0x206: {  	[tilespmem:s21+$0x20] =	vst v1;
	v1 =	vmul.f32 $1.131370830e+01, v2;
	v7 =	vld [tilespmem:s21+$0x90]  }
0x207: {  	[tilespmem:s21+$0x30] =	vst v0;
	v2 =	vmul.f32 $1.131370830e+01, v5;
	v8 =	vld [tilespmem:s21+$0xA0]  }
.Ltmp5:
0x208: {  	[tilespmem:s21+$0x40] =	vst v1;
	v5 =	vmul.f32 $1.131370830e+01, v6;
	v0 =	vld [tilespmem:s21+$0xB0];
	(pc) =	sbr.rel @p0 .LBB2_13-.Ltmp5, $4  }
0x209: {  	[tilespmem:s21+$0x50] =	vst v2;
	v3 =	vmul.f32 $1.131370830e+01, v3;
	v1 =	vld [tilespmem:s21+$0xC0]  }
0x20a: {  	[tilespmem:s21+$0x60] =	vst v5;
	v6 =	vmul.f32 $1.131370830e+01, v4;
	v2 =	vld [tilespmem:s21+$0xD0]  }
0x20b: {  	[tilespmem:s21+$0x70] =	vst v3;
	v5 =	vmul.f32 $1.131370830e+01, v7;
	v3 =	vld [tilespmem:s21+$0xE0]  }
0x20c: {  	s21 =	sadd.s32 $0x200, s21;
	v4 =	vld [tilespmem:s18+$0xFFFFFF00];
	[tilespmem:s18+$0x80] =	vst v6;
	v6 =	vmul.f32 $1.131370830e+01, v8  }
0x20d: {  	[tilespmem:s18+$0x90] =	vst v5;
	v0 =	vmul.f32 $1.131370830e+01, v0  }
0x20e: {  	[tilespmem:s18+$0xA0] =	vst v6;
	v1 =	vmul.f32 $1.131370830e+01, v1  }
0x20f: {  	[tilespmem:s18+$0xB0] =	vst v0;
	v0 =	vmul.f32 $1.131370830e+01, v2  }
0x210: {  	[tilespmem:s18+$0xC0] =	vst v1;
	v1 =	vmul.f32 $1.131370830e+01, v3  }
0x211: {  	v2 =	vmul.f32 $1.131370830e+01, v4;
	[tilespmem:s18+$0xD0] =	vst v0  }
0x212: {  	[tilespmem:s18+$0xE0] =	vst v1  }
0x213: {  	[tilespmem:s18+$0xFFFFFF00] =	vst v2;
	s18 =	sor.u32 $0x80, s24  }
0x214: {  	[tilespmem:s26], [sflag:$0x6] =	stream.indirect.gather.add.f32 [hbm:s3], $0x80, s18, s30, $0xb8;
	[tilespmem:$0x16400] =	vst v63  }
0x215: {  	_ =	swait.ge [sflag:s7], $0x4000  }
0x216: {  	p0 =	seq.s32 s19, $0x31;
	s20 =	rddreg [dreg:$0x11]  }
0x217: {  	s20 =	sadd.s32 @!p0 s20, s8  }
0x218: {  	s21 =	simm.s32 @!p0 $0x0;
	[sflag:s7] =	ssyncset.done $0x0;
	s20 =	sshrl.u32 @!p0 s20, $0x3  }
0x219: {  	s22 =	simm.s32 @!p0 $0x6400;
	[sflag:s7] =	ssyncadd.s32 $0xFFFFC000;
	s20 =	sadd.s32 @!p0 s1, s20  }
0x21a: {  	[tilespmem:s22], [sflag:$0x1] =	stream.linear.gather @!p0 [hbm4b:s20+s21], $0x4000, $0x38;
	[tilespmem:$0x16400] =	vst v63  }
0x21b: {  	s18 =	sadd.s32 s6, s18;
	_ =	swait.ge [sflag:s9], $0x4000  }
0x21c: {  	s18 =	sshll.u32 s18, $0x4;
	[sflag:s9] =	ssyncset.done $0x0  }
0x21d: {  	s18 =	sadd.s32 s4, s18;
	[sflag:s9] =	ssyncadd.s32 $0xFFFFC000  }
0x21e: {  	[hbm4b:s18+s5] =	stream.linear.scatter [tilespmem:s26], [sflag:$0xA], $0x4000, $0x38;
	[tilespmem:$0x16400] =	vst v63  }
0x21f: {  	_ =	swait.ge [sflag:s10], $0x4000  }
0x220: {  	[sflag:s10] =	ssyncset.done $0x0  }
0x221: {  	s18 =	simm.s32 $0xE500;
	[sflag:s10] =	ssyncadd.s32 $0xFFFFC000  }
0x222: {  	v0 =	vld [tilespmem:s18+$0xF0]  }
0x223: {  	v1 =	vld [tilespmem:s18+$0xFFFFFF10]  }
0x224: {  	v2 =	vld [tilespmem:s18+$0xFFFFFF20]  }
0x225: {  	v3 =	vld [tilespmem:s18+$0xFFFFFF30]  }
0x226: {  	v6 =	vld [tilespmem:s18+$0xFFFFFF60]  }
0x227: {  	v4 =	vld [tilespmem:s18+$0xFFFFFF40]  }
0x228: {  	v5 =	vld [tilespmem:s18+$0xFFFFFF50];
	v0 =	vmul.f32 $1.131370830e+01, v0  }
0x229: {  	v8 =	vld [tilespmem:s18+$0xFFFFFF80];
	v1 =	vmul.f32 $1.131370830e+01, v1  }
0x22a: {  	v7 =	vld [tilespmem:s18+$0xFFFFFF70];
	v2 =	vmul.f32 $1.131370830e+01, v2;
	[tilespmem:s18+$0xF0] =	vst v0  }
0x22b: {  	v6 =	vmul.f32 $1.131370830e+01, v6;
	v0 =	vld [tilespmem:s18+$0xFFFFFF90];
	[tilespmem:s18+$0xFFFFFF10] =	vst v1  }
0x22c: {  	v1 =	vmul.f32 $1.131370830e+01, v3;
	v3 =	vld [tilespmem:s18+$0xFFFFFFA0];
	[tilespmem:s18+$0xFFFFFF20] =	vst v2;
	v2 =	vmul.f32 $1.131370830e+01, v4  }
0x22d: {  	[tilespmem:s18+$0xFFFFFF60] =	vst v6;
	v6 =	vld [tilespmem:s18+$0xFFFFFFF0]  }
0x22e: {  	v4 =	vld [tilespmem:s18+$0xFFFFFFB0];
	[tilespmem:s18+$0xFFFFFF40] =	vst v2;
	v2 =	vmul.f32 $1.131370830e+01, v8  }
0x22f: {  	[tilespmem:s18+$0xFFFFFF30] =	vst v1;
	v1 =	vmul.f32 $1.131370830e+01, v5;
	v5 =	vld [tilespmem:s18+$0xFFFFFFC0]  }
0x230: {  	v8 =	vld [tilespmem:s18+$0xFFFFFFD0];
	[tilespmem:s18+$0xFFFFFF80] =	vst v2;
	v2 =	vmul.f32 $1.131370830e+01, v7  }
0x231: {  	[tilespmem:s18+$0xFFFFFF50] =	vst v1;
	v1 =	vld [tilespmem:s18+$0xFFFFFFE0];
	v0 =	vmul.f32 $1.131370830e+01, v0  }
0x232: {  	v7 =	vld [tilespmem:s18+$0x30];
	v6 =	vmul.f32 $1.131370830e+01, v6;
	[tilespmem:s18+$0xFFFFFF70] =	vst v2  }
0x233: {  	v2 =	vmul.f32 $1.131370830e+01, v3;
	v3 =	vld [tilespmem:s18+$0x0];
	[tilespmem:s18+$0xFFFFFF90] =	vst v0  }
0x234: {  	v0 =	vmul.f32 $1.131370830e+01, v4;
	v4 =	vld [tilespmem:s18+$0x10];
	[tilespmem:s18+$0xFFFFFFF0] =	vst v6  }
0x235: {  	[tilespmem:s18+$0xFFFFFFA0] =	vst v2;
	v2 =	vmul.f32 $1.131370830e+01, v5;
	v5 =	vld [tilespmem:s18+$0x20]  }
0x236: {  	v6 =	vld [tilespmem:s18+$0x80];
	[tilespmem:s18+$0xFFFFFFB0] =	vst v0;
	v0 =	vmul.f32 $1.131370830e+01, v8  }
0x237: {  	v1 =	vmul.f32 $1.131370830e+01, v1;
	[tilespmem:s18+$0xFFFFFFC0] =	vst v2;
	v2 =	vld [tilespmem:s18+$0x40]  }
0x238: {  	[tilespmem:s18+$0xFFFFFFD0] =	vst v0;
	v0 =	vmul.f32 $1.131370830e+01, v3  }
0x239: {  	v3 =	vld [tilespmem:s18+$0x50];
	[tilespmem:s18+$0xFFFFFFE0] =	vst v1;
	v4 =	vmul.f32 $1.131370830e+01, v4  }
0x23a: {  	v1 =	vld [tilespmem:s18+$0x60];
	[tilespmem:s18+$0x0] =	vst v0;
	v0 =	vmul.f32 $1.131370830e+01, v5  }
0x23b: {  	v6 =	vmul.f32 $1.131370830e+01, v6;
	v5 =	vld [tilespmem:s18+$0x70];
	[tilespmem:s18+$0x10] =	vst v4  }
0x23c: {  	v4 =	vmul.f32 $1.131370830e+01, v7;
	v7 =	vld [tilespmem:s18+$0x90];
	[tilespmem:s18+$0x20] =	vst v0;
	v0 =	vmul.f32 $1.131370830e+01, v2  }
0x23d: {  	v8 =	vld [tilespmem:s18+$0xA0];
	[tilespmem:s18+$0x80] =	vst v6  }
0x23e: {  	v2 =	vmul.f32 $1.131370830e+01, v3;
	[tilespmem:s18+$0x40] =	vst v0;
	v0 =	vld [tilespmem:s18+$0xB0]  }
0x23f: {  	[tilespmem:s18+$0x30] =	vst v4;
	v3 =	vmul.f32 $1.131370830e+01, v1;
	v1 =	vld [tilespmem:s18+$0xC0]  }
0x240: {  	[tilespmem:s18+$0x50] =	vst v2;
	v4 =	vmul.f32 $1.131370830e+01, v5;
	v2 =	vld [tilespmem:s18+$0xD0]  }
0x241: {  	[tilespmem:s18+$0x60] =	vst v3;
	v3 =	vld [tilespmem:s18+$0xE0];
	v5 =	vmul.f32 $1.131370830e+01, v7  }
0x242: {  	s20 =	simm.s32 $0x0;
	s21 =	simm.s32 $0xE700;
	v6 =	vmul.f32 $1.131370830e+01, v8;
	[tilespmem:s18+$0x70] =	vst v4;
	v4 =	vld [tilespmem:s18+$0xFFFFFF00]  }
.LBB2_15:
0x243: {  	v7 =	vld [tilespmem:s21+$0xF0];
	s20 =	sadd.s32 $0x4, s20;
	[tilespmem:s18+$0x90] =	vst v5;
	v0 =	vmul.f32 $1.131370830e+01, v0  }
0x244: {  	v5 =	vld [tilespmem:s21+$0xFFFFFF10];
	p1 =	slt.u32 s20, $0x7C;
	[tilespmem:s18+$0xA0] =	vst v6;
	v1 =	vmul.f32 $1.131370830e+01, v1  }
0x245: {  	v6 =	vld [tilespmem:s21+$0xFFFFFF20];
	[tilespmem:s18+$0xB0] =	vst v0;
	v0 =	vmul.f32 $1.131370830e+01, v2  }
0x246: {  	v2 =	vld [tilespmem:s21+$0xFFFFFF30];
	[tilespmem:s18+$0xC0] =	vst v1;
	v1 =	vmul.f32 $1.131370830e+01, v3  }
0x247: {  	v3 =	vld [tilespmem:s21+$0xFFFFFF40];
	v4 =	vmul.f32 $1.131370830e+01, v4;
	[tilespmem:s18+$0xD0] =	vst v0  }
0x248: {  	v0 =	vld [tilespmem:s21+$0xFFFFFF50];
	v7 =	vmul.f32 $1.131370830e+01, v7;
	[tilespmem:s18+$0xE0] =	vst v1  }
0x249: {  	v1 =	vmul.f32 $1.131370830e+01, v5;
	v5 =	vld [tilespmem:s21+$0xFFFFFF60];
	[tilespmem:s18+$0xFFFFFF00] =	vst v4;
	s18 =	smov.u32 s21  }
0x24a: {  	v4 =	vmul.f32 $1.131370830e+01, v6;
	v6 =	vld [tilespmem:s21+$0xFFFFFF70];
	[tilespmem:s21+$0xF0] =	vst v7  }
0x24b: {  	[tilespmem:s21+$0xFFFFFF10] =	vst v1;
	v1 =	vmul.f32 $1.131370830e+01, v2;
	v2 =	vld [tilespmem:s21+$0xFFFFFF80]  }
0x24c: {  	[tilespmem:s21+$0xFFFFFF20] =	vst v4;
	v3 =	vmul.f32 $1.131370830e+01, v3;
	v4 =	vld [tilespmem:s21+$0xFFFFFF90]  }
0x24d: {  	[tilespmem:s21+$0xFFFFFF30] =	vst v1;
	v0 =	vmul.f32 $1.131370830e+01, v0;
	v1 =	vld [tilespmem:s21+$0xFFFFFFA0]  }
0x24e: {  	[tilespmem:s21+$0xFFFFFF40] =	vst v3;
	v3 =	vmul.f32 $1.131370830e+01, v5;
	v5 =	vld [tilespmem:s21+$0xFFFFFFB0]  }
0x24f: {  	[tilespmem:s21+$0xFFFFFF50] =	vst v0;
	v0 =	vmul.f32 $1.131370830e+01, v6;
	v6 =	vld [tilespmem:s21+$0xFFFFFFC0]  }
0x250: {  	[tilespmem:s21+$0xFFFFFF60] =	vst v3;
	v2 =	vmul.f32 $1.131370830e+01, v2;
	v3 =	vld [tilespmem:s21+$0xFFFFFFD0]  }
0x251: {  	[tilespmem:s21+$0xFFFFFF70] =	vst v0;
	v0 =	vmul.f32 $1.131370830e+01, v4;
	v4 =	vld [tilespmem:s21+$0xFFFFFFE0]  }
0x252: {  	[tilespmem:s21+$0xFFFFFF80] =	vst v2;
	v1 =	vmul.f32 $1.131370830e+01, v1;
	v2 =	vld [tilespmem:s21+$0xFFFFFFF0]  }
0x253: {  	[tilespmem:s21+$0xFFFFFF90] =	vst v0;
	v0 =	vmul.f32 $1.131370830e+01, v5;
	v5 =	vld [tilespmem:s21+$0x0]  }
0x254: {  	[tilespmem:s21+$0xFFFFFFA0] =	vst v1;
	v1 =	vmul.f32 $1.131370830e+01, v6;
	v6 =	vld [tilespmem:s21+$0x10]  }
0x255: {  	[tilespmem:s21+$0xFFFFFFB0] =	vst v0;
	v0 =	vmul.f32 $1.131370830e+01, v3;
	v3 =	vld [tilespmem:s21+$0x20]  }
0x256: {  	[tilespmem:s21+$0xFFFFFFC0] =	vst v1;
	v1 =	vmul.f32 $1.131370830e+01, v4;
	v4 =	vld [tilespmem:s21+$0x30]  }
0x257: {  	[tilespmem:s21+$0xFFFFFFD0] =	vst v0;
	v0 =	vmul.f32 $1.131370830e+01, v2;
	v2 =	vld [tilespmem:s21+$0x40]  }
0x258: {  	[tilespmem:s21+$0xFFFFFFE0] =	vst v1;
	v1 =	vmul.f32 $1.131370830e+01, v5;
	v5 =	vld [tilespmem:s21+$0x50]  }
0x259: {  	[tilespmem:s21+$0xFFFFFFF0] =	vst v0;
	v0 =	vmul.f32 $1.131370830e+01, v6;
	v6 =	vld [tilespmem:s21+$0x60]  }
0x25a: {  	[tilespmem:s21+$0x0] =	vst v1;
	v1 =	vmul.f32 $1.131370830e+01, v3;
	v3 =	vld [tilespmem:s21+$0x70]  }
0x25b: {  	[tilespmem:s21+$0x10] =	vst v0;
	v0 =	vmul.f32 $1.131370830e+01, v4;
	v4 =	vld [tilespmem:s21+$0x80]  }
0x25c: {  	[tilespmem:s21+$0x20] =	vst v1;
	v1 =	vmul.f32 $1.131370830e+01, v2;
	v7 =	vld [tilespmem:s21+$0x90]  }
0x25d: {  	[tilespmem:s21+$0x30] =	vst v0;
	v2 =	vmul.f32 $1.131370830e+01, v5;
	v8 =	vld [tilespmem:s21+$0xA0]  }
.Ltmp6:
0x25e: {  	[tilespmem:s21+$0x40] =	vst v1;
	v5 =	vmul.f32 $1.131370830e+01, v6;
	v0 =	vld [tilespmem:s21+$0xB0];
	(pc) =	sbr.rel @p1 .LBB2_15-.Ltmp6, $4  }
0x25f: {  	[tilespmem:s21+$0x50] =	vst v2;
	v3 =	vmul.f32 $1.131370830e+01, v3;
	v1 =	vld [tilespmem:s21+$0xC0]  }
0x260: {  	[tilespmem:s21+$0x60] =	vst v5;
	v6 =	vmul.f32 $1.131370830e+01, v4;
	v2 =	vld [tilespmem:s21+$0xD0]  }
0x261: {  	[tilespmem:s21+$0x70] =	vst v3;
	v5 =	vmul.f32 $1.131370830e+01, v7;
	v3 =	vld [tilespmem:s21+$0xE0]  }
0x262: {  	s21 =	sadd.s32 $0x200, s21;
	v4 =	vld [tilespmem:s18+$0xFFFFFF00];
	[tilespmem:s18+$0x80] =	vst v6;
	v6 =	vmul.f32 $1.131370830e+01, v8  }
0x263: {  	[tilespmem:s18+$0x90] =	vst v5;
	v0 =	vmul.f32 $1.131370830e+01, v0  }
0x264: {  	[tilespmem:s18+$0xA0] =	vst v6;
	v1 =	vmul.f32 $1.131370830e+01, v1  }
0x265: {  	[tilespmem:s18+$0xB0] =	vst v0;
	v0 =	vmul.f32 $1.131370830e+01, v2  }
0x266: {  	[tilespmem:s18+$0xC0] =	vst v1;
	v1 =	vmul.f32 $1.131370830e+01, v3  }
0x267: {  	v2 =	vmul.f32 $1.131370830e+01, v4;
	[tilespmem:s18+$0xD0] =	vst v0  }
0x268: {  	[tilespmem:s18+$0xE0] =	vst v1  }
0x269: {  	s24 =	sor.u32 $0x100, s24;
	[tilespmem:s18+$0xFFFFFF00] =	vst v2  }
0x26a: {  	[tilespmem:s28], [sflag:$0x7] =	stream.indirect.gather.add.f32 [hbm:s3], $0x80, s24, s30, $0xb8;
	[tilespmem:$0x16400] =	vst v63  }
0x26b: {  	_ =	swait.ge [sflag:s11], $0x4000  }
0x26c: {  	s20 =	rddreg [dreg:$0x12]  }
0x26d: {  	s20 =	sadd.s32 @!p0 s20, s8  }
0x26e: {  	s21 =	simm.s32 @!p0 $0x0;
	[sflag:s11] =	ssyncset.done $0x0;
	s20 =	sshrl.u32 @!p0 s20, $0x3  }
0x26f: {  	s22 =	simm.s32 @!p0 $0xA400;
	[sflag:s11] =	ssyncadd.s32 $0xFFFFC000;
	s20 =	sadd.s32 @!p0 s1, s20  }
0x270: {  	[tilespmem:s22], [sflag:$0x2] =	stream.linear.gather @!p0 [hbm4b:s20+s21], $0x4000, $0x38;
	[tilespmem:$0x16400] =	vst v63  }
0x271: {  	s18 =	sadd.s32 s6, s24;
	_ =	swait.ge [sflag:s12], $0x4000  }
0x272: {  	s18 =	sshll.u32 s18, $0x4;
	[sflag:s12] =	ssyncset.done $0x0  }
0x273: {  	s18 =	sadd.s32 s4, s18;
	[sflag:s12] =	ssyncadd.s32 $0xFFFFC000  }
0x274: {  	[hbm4b:s18+s5] =	stream.linear.scatter [tilespmem:s28], [sflag:$0xB], $0x4000, $0x38;
	[tilespmem:$0x16400] =	vst v63  }
0x275: {  	_ =	swait.ge [sflag:s13], $0x4000  }
0x276: {  	[sflag:s13] =	ssyncset.done $0x0  }
0x277: {  	s18 =	simm.s32 $0x12500;
	[sflag:s13] =	ssyncadd.s32 $0xFFFFC000  }
0x278: {  	v0 =	vld [tilespmem:s18+$0xF0]  }
0x279: {  	v1 =	vld [tilespmem:s18+$0xFFFFFF10]  }
0x27a: {  	v2 =	vld [tilespmem:s18+$0xFFFFFF20]  }
0x27b: {  	v3 =	vld [tilespmem:s18+$0xFFFFFF30]  }
0x27c: {  	v6 =	vld [tilespmem:s18+$0xFFFFFF60]  }
0x27d: {  	v4 =	vld [tilespmem:s18+$0xFFFFFF40]  }
0x27e: {  	v5 =	vld [tilespmem:s18+$0xFFFFFF50];
	v0 =	vmul.f32 $1.131370830e+01, v0  }
0x27f: {  	v8 =	vld [tilespmem:s18+$0xFFFFFF80];
	v1 =	vmul.f32 $1.131370830e+01, v1  }
0x280: {  	v7 =	vld [tilespmem:s18+$0xFFFFFF70];
	v2 =	vmul.f32 $1.131370830e+01, v2;
	[tilespmem:s18+$0xF0] =	vst v0  }
0x281: {  	v6 =	vmul.f32 $1.131370830e+01, v6;
	v0 =	vld [tilespmem:s18+$0xFFFFFF90];
	[tilespmem:s18+$0xFFFFFF10] =	vst v1  }
0x282: {  	v1 =	vmul.f32 $1.131370830e+01, v3;
	v3 =	vld [tilespmem:s18+$0xFFFFFFA0];
	[tilespmem:s18+$0xFFFFFF20] =	vst v2;
	v2 =	vmul.f32 $1.131370830e+01, v4  }
0x283: {  	[tilespmem:s18+$0xFFFFFF60] =	vst v6;
	v6 =	vld [tilespmem:s18+$0xFFFFFFF0]  }
0x284: {  	v4 =	vld [tilespmem:s18+$0xFFFFFFB0];
	[tilespmem:s18+$0xFFFFFF40] =	vst v2;
	v2 =	vmul.f32 $1.131370830e+01, v8  }
0x285: {  	[tilespmem:s18+$0xFFFFFF30] =	vst v1;
	v1 =	vmul.f32 $1.131370830e+01, v5;
	v5 =	vld [tilespmem:s18+$0xFFFFFFC0]  }
0x286: {  	v8 =	vld [tilespmem:s18+$0xFFFFFFD0];
	[tilespmem:s18+$0xFFFFFF80] =	vst v2;
	v2 =	vmul.f32 $1.131370830e+01, v7  }
0x287: {  	[tilespmem:s18+$0xFFFFFF50] =	vst v1;
	v1 =	vld [tilespmem:s18+$0xFFFFFFE0];
	v0 =	vmul.f32 $1.131370830e+01, v0  }
0x288: {  	v7 =	vld [tilespmem:s18+$0x30];
	v6 =	vmul.f32 $1.131370830e+01, v6;
	[tilespmem:s18+$0xFFFFFF70] =	vst v2  }
0x289: {  	v2 =	vmul.f32 $1.131370830e+01, v3;
	v3 =	vld [tilespmem:s18+$0x0];
	[tilespmem:s18+$0xFFFFFF90] =	vst v0  }
0x28a: {  	v0 =	vmul.f32 $1.131370830e+01, v4;
	v4 =	vld [tilespmem:s18+$0x10];
	[tilespmem:s18+$0xFFFFFFF0] =	vst v6  }
0x28b: {  	[tilespmem:s18+$0xFFFFFFA0] =	vst v2;
	v2 =	vmul.f32 $1.131370830e+01, v5;
	v5 =	vld [tilespmem:s18+$0x20]  }
0x28c: {  	v6 =	vld [tilespmem:s18+$0x80];
	[tilespmem:s18+$0xFFFFFFB0] =	vst v0;
	v0 =	vmul.f32 $1.131370830e+01, v8  }
0x28d: {  	v1 =	vmul.f32 $1.131370830e+01, v1;
	[tilespmem:s18+$0xFFFFFFC0] =	vst v2;
	v2 =	vld [tilespmem:s18+$0x40]  }
0x28e: {  	[tilespmem:s18+$0xFFFFFFD0] =	vst v0;
	v0 =	vmul.f32 $1.131370830e+01, v3  }
0x28f: {  	v3 =	vld [tilespmem:s18+$0x50];
	[tilespmem:s18+$0xFFFFFFE0] =	vst v1;
	v4 =	vmul.f32 $1.131370830e+01, v4  }
0x290: {  	v1 =	vld [tilespmem:s18+$0x60];
	[tilespmem:s18+$0x0] =	vst v0;
	v0 =	vmul.f32 $1.131370830e+01, v5  }
0x291: {  	v6 =	vmul.f32 $1.131370830e+01, v6;
	v5 =	vld [tilespmem:s18+$0x70];
	[tilespmem:s18+$0x10] =	vst v4  }
0x292: {  	v4 =	vmul.f32 $1.131370830e+01, v7;
	v7 =	vld [tilespmem:s18+$0x90];
	[tilespmem:s18+$0x20] =	vst v0;
	v0 =	vmul.f32 $1.131370830e+01, v2  }
0x293: {  	v8 =	vld [tilespmem:s18+$0xA0];
	[tilespmem:s18+$0x80] =	vst v6  }
0x294: {  	v2 =	vmul.f32 $1.131370830e+01, v3;
	[tilespmem:s18+$0x40] =	vst v0;
	v0 =	vld [tilespmem:s18+$0xB0]  }
0x295: {  	[tilespmem:s18+$0x30] =	vst v4;
	v3 =	vmul.f32 $1.131370830e+01, v1;
	v1 =	vld [tilespmem:s18+$0xC0]  }
0x296: {  	[tilespmem:s18+$0x50] =	vst v2;
	v4 =	vmul.f32 $1.131370830e+01, v5;
	v2 =	vld [tilespmem:s18+$0xD0]  }
0x297: {  	[tilespmem:s18+$0x60] =	vst v3;
	v3 =	vld [tilespmem:s18+$0xE0];
	v5 =	vmul.f32 $1.131370830e+01, v7  }
0x298: {  	s20 =	simm.s32 $0x0;
	s21 =	simm.s32 $0x12700;
	v6 =	vmul.f32 $1.131370830e+01, v8;
	[tilespmem:s18+$0x70] =	vst v4;
	v4 =	vld [tilespmem:s18+$0xFFFFFF00]  }
.LBB2_17:
0x299: {  	v7 =	vld [tilespmem:s21+$0xF0];
	s20 =	sadd.s32 $0x4, s20;
	[tilespmem:s18+$0x90] =	vst v5;
	v0 =	vmul.f32 $1.131370830e+01, v0  }
0x29a: {  	v5 =	vld [tilespmem:s21+$0xFFFFFF10];
	p1 =	slt.u32 s20, $0x7C;
	[tilespmem:s18+$0xA0] =	vst v6;
	v1 =	vmul.f32 $1.131370830e+01, v1  }
0x29b: {  	v6 =	vld [tilespmem:s21+$0xFFFFFF20];
	[tilespmem:s18+$0xB0] =	vst v0;
	v0 =	vmul.f32 $1.131370830e+01, v2  }
0x29c: {  	v2 =	vld [tilespmem:s21+$0xFFFFFF30];
	[tilespmem:s18+$0xC0] =	vst v1;
	v1 =	vmul.f32 $1.131370830e+01, v3  }
0x29d: {  	v3 =	vld [tilespmem:s21+$0xFFFFFF40];
	v4 =	vmul.f32 $1.131370830e+01, v4;
	[tilespmem:s18+$0xD0] =	vst v0  }
0x29e: {  	v0 =	vld [tilespmem:s21+$0xFFFFFF50];
	v7 =	vmul.f32 $1.131370830e+01, v7;
	[tilespmem:s18+$0xE0] =	vst v1  }
0x29f: {  	v1 =	vmul.f32 $1.131370830e+01, v5;
	v5 =	vld [tilespmem:s21+$0xFFFFFF60];
	[tilespmem:s18+$0xFFFFFF00] =	vst v4;
	s18 =	smov.u32 s21  }
0x2a0: {  	v4 =	vmul.f32 $1.131370830e+01, v6;
	v6 =	vld [tilespmem:s21+$0xFFFFFF70];
	[tilespmem:s21+$0xF0] =	vst v7  }
0x2a1: {  	[tilespmem:s21+$0xFFFFFF10] =	vst v1;
	v1 =	vmul.f32 $1.131370830e+01, v2;
	v2 =	vld [tilespmem:s21+$0xFFFFFF80]  }
0x2a2: {  	[tilespmem:s21+$0xFFFFFF20] =	vst v4;
	v3 =	vmul.f32 $1.131370830e+01, v3;
	v4 =	vld [tilespmem:s21+$0xFFFFFF90]  }
0x2a3: {  	[tilespmem:s21+$0xFFFFFF30] =	vst v1;
	v0 =	vmul.f32 $1.131370830e+01, v0;
	v1 =	vld [tilespmem:s21+$0xFFFFFFA0]  }
0x2a4: {  	[tilespmem:s21+$0xFFFFFF40] =	vst v3;
	v3 =	vmul.f32 $1.131370830e+01, v5;
	v5 =	vld [tilespmem:s21+$0xFFFFFFB0]  }
0x2a5: {  	[tilespmem:s21+$0xFFFFFF50] =	vst v0;
	v0 =	vmul.f32 $1.131370830e+01, v6;
	v6 =	vld [tilespmem:s21+$0xFFFFFFC0]  }
0x2a6: {  	[tilespmem:s21+$0xFFFFFF60] =	vst v3;
	v2 =	vmul.f32 $1.131370830e+01, v2;
	v3 =	vld [tilespmem:s21+$0xFFFFFFD0]  }
0x2a7: {  	[tilespmem:s21+$0xFFFFFF70] =	vst v0;
	v0 =	vmul.f32 $1.131370830e+01, v4;
	v4 =	vld [tilespmem:s21+$0xFFFFFFE0]  }
0x2a8: {  	[tilespmem:s21+$0xFFFFFF80] =	vst v2;
	v1 =	vmul.f32 $1.131370830e+01, v1;
	v2 =	vld [tilespmem:s21+$0xFFFFFFF0]  }
0x2a9: {  	[tilespmem:s21+$0xFFFFFF90] =	vst v0;
	v0 =	vmul.f32 $1.131370830e+01, v5;
	v5 =	vld [tilespmem:s21+$0x0]  }
0x2aa: {  	[tilespmem:s21+$0xFFFFFFA0] =	vst v1;
	v1 =	vmul.f32 $1.131370830e+01, v6;
	v6 =	vld [tilespmem:s21+$0x10]  }
0x2ab: {  	[tilespmem:s21+$0xFFFFFFB0] =	vst v0;
	v0 =	vmul.f32 $1.131370830e+01, v3;
	v3 =	vld [tilespmem:s21+$0x20]  }
0x2ac: {  	[tilespmem:s21+$0xFFFFFFC0] =	vst v1;
	v1 =	vmul.f32 $1.131370830e+01, v4;
	v4 =	vld [tilespmem:s21+$0x30]  }
0x2ad: {  	[tilespmem:s21+$0xFFFFFFD0] =	vst v0;
	v0 =	vmul.f32 $1.131370830e+01, v2;
	v2 =	vld [tilespmem:s21+$0x40]  }
0x2ae: {  	[tilespmem:s21+$0xFFFFFFE0] =	vst v1;
	v1 =	vmul.f32 $1.131370830e+01, v5;
	v5 =	vld [tilespmem:s21+$0x50]  }
0x2af: {  	[tilespmem:s21+$0xFFFFFFF0] =	vst v0;
	v0 =	vmul.f32 $1.131370830e+01, v6;
	v6 =	vld [tilespmem:s21+$0x60]  }
0x2b0: {  	[tilespmem:s21+$0x0] =	vst v1;
	v1 =	vmul.f32 $1.131370830e+01, v3;
	v3 =	vld [tilespmem:s21+$0x70]  }
0x2b1: {  	[tilespmem:s21+$0x10] =	vst v0;
	v0 =	vmul.f32 $1.131370830e+01, v4;
	v4 =	vld [tilespmem:s21+$0x80]  }
0x2b2: {  	[tilespmem:s21+$0x20] =	vst v1;
	v1 =	vmul.f32 $1.131370830e+01, v2;
	v7 =	vld [tilespmem:s21+$0x90]  }
0x2b3: {  	[tilespmem:s21+$0x30] =	vst v0;
	v2 =	vmul.f32 $1.131370830e+01, v5;
	v8 =	vld [tilespmem:s21+$0xA0]  }
.Ltmp7:
0x2b4: {  	[tilespmem:s21+$0x40] =	vst v1;
	v5 =	vmul.f32 $1.131370830e+01, v6;
	v0 =	vld [tilespmem:s21+$0xB0];
	(pc) =	sbr.rel @p1 .LBB2_17-.Ltmp7, $4  }
0x2b5: {  	[tilespmem:s21+$0x50] =	vst v2;
	v3 =	vmul.f32 $1.131370830e+01, v3;
	v1 =	vld [tilespmem:s21+$0xC0]  }
0x2b6: {  	[tilespmem:s21+$0x60] =	vst v5;
	v6 =	vmul.f32 $1.131370830e+01, v4;
	v2 =	vld [tilespmem:s21+$0xD0]  }
0x2b7: {  	[tilespmem:s21+$0x70] =	vst v3;
	v5 =	vmul.f32 $1.131370830e+01, v7;
	v3 =	vld [tilespmem:s21+$0xE0]  }
0x2b8: {  	s21 =	sadd.s32 $0x200, s21;
	v4 =	vld [tilespmem:s18+$0xFFFFFF00];
	[tilespmem:s18+$0x80] =	vst v6;
	v6 =	vmul.f32 $1.131370830e+01, v8  }
0x2b9: {  	[tilespmem:s18+$0x90] =	vst v5;
	v0 =	vmul.f32 $1.131370830e+01, v0  }
0x2ba: {  	[tilespmem:s18+$0xA0] =	vst v6;
	v1 =	vmul.f32 $1.131370830e+01, v1  }
0x2bb: {  	[tilespmem:s18+$0xB0] =	vst v0;
	v61 =	vmul.f32 $1.131370830e+01, v2  }
0x2bc: {  	[tilespmem:s18+$0xC0] =	vst v1;
	v62 =	vmul.f32 $1.131370830e+01, v3  }
0x2bd: {  	v63 =	vmul.f32 $1.131370830e+01, v4;
	[tilespmem:s18+$0xD0] =	vst v61  }
0x2be: {  	[tilespmem:s18+$0xE0] =	vst v62  }
0x2bf: {  	s23 =	sshll.u32 s23, $0x7;
	[tilespmem:s18+$0xFFFFFF00] =	vst v63  }
0x2c0: {  	[tilespmem:s31], [sflag:$0x8] =	stream.indirect.gather.add.f32 [hbm:s3], $0x80, s23, s30, $0xb8;
	[tilespmem:$0x16400] =	vst v63  }
0x2c1: {  	_ =	swait.ge [sflag:s15], $0x4000  }
0x2c2: {  	s20 =	rddreg [dreg:$0x13]  }
0x2c3: {  	s21 =	simm.s32 @!p0 $0xE400;
	s8 =	sadd.s32 @!p0 s20, s8  }
0x2c4: {  	s19 =	sadd.s32 $0x1, s19;
	[sflag:s15] =	ssyncset.done $0x0;
	s8 =	sshrl.u32 @!p0 s8, $0x3  }
0x2c5: {  	[sflag:s15] =	ssyncadd.s32 $0xFFFFC000;
	s20 =	simm.s32 @!p0 $0x0;
	s8 =	sadd.s32 @!p0 s1, s8  }
0x2c6: {  	[tilespmem:s21], [sflag:$0x3] =	stream.linear.gather @!p0 [hbm4b:s8+s20], $0x4000, $0x38;
	[tilespmem:$0x16400] =	vst v63  }
0x2c7: {  	p0 =	sne.s32 s19, $0x32  }
.Ltmp8:
0x2c8: {  	_ = 	snop;
	(pc) =	sbr.rel @p0 .LBB2_10-.Ltmp8, $4  }
0x2c9: {  	s24 =	sadd.s32 s6, s23;
	_ =	swait.ge [sflag:s16], $0x4000  }
0x2ca: {  	s8 =	sshll.u32 s24, $0x4;
	[sflag:s16] =	ssyncset.done $0x0  }
0x2cb: {  	s8 =	sadd.s32 s4, s8;
	[sflag:s16] =	ssyncadd.s32 $0xFFFFC000  }
0x2cc: {  	[hbm4b:s8+s5] =	stream.linear.scatter [tilespmem:s31], [sflag:$0xC], $0x4000, $0x38;
	[tilespmem:$0x16400] =	vst v63  }
0x2cd: {  	_ =	swait.ge [sflag:s17], $0x4000  }
0x2ce: {  	s18 =	rddreg [dreg:$0x15]  }
0x2cf: {  	s8 =	rddreg [dreg:$0x14];
	s18 =	sadd.s32 $0x1, s18  }
0x2d0: {  	p0 =	sne.s32 s18, s8  }
.Ltmp9:
0x2d1: {  	_ = 	snop;
	(pc) =	sbr.rel @p0 .LBB2_1-.Ltmp9, $3  }
0x2d2: {  	_ =	sdelay $0x1  }
0x2d3: {  	[sflag:s17] =	ssyncset.done $0x0  }
0x2d4: {  	[sflag:s17] =	ssyncadd.s32 $0xFFFFC000  }
0x2d5: {  	_ =	sfence.sel $0x180000  }
0x2d6: {  	[bflag:$0x0] =	sbarrier.arrive $0xFFFF  }
0x2d7: {  	_ =	strace $0x90000047  }
0x2d8: {  	s0 =	stileid.u32;
	[bflag:$0x2] =	sbarrier.arrive $0xFFFF  }
0x2d9: {  	p0 =	sne.s32 s0, $0x0;
	s0 =	rddreg [dreg:$0x4]  }
0x2da: {  	s0 =	sadd.s32 @!p0 $0x100000, s0  }
0x2db: {  	[sflag:s0] =	ssyncadd.tile.s32 @!p0 $0x1;
	_ =	shalt  }
.Lfunc_end2:
_tile_overlayer_lowered:
.L_overlay_start_2:
0x2dc: {  	(tag) =	ssettag $0x2  }
0x2dd: {  	s0 =	rddreg [dreg:$0x0];
	s2 =	stileid.u32  }
0x2de: {  	s1 =	rddreg [dreg:$0x1];
	p0 =	sne.s32 s2, $0x0  }
0x2df: {  	s3 =	rddreg [dreg:$0x2];
	[bflag:$0x3] =	sbarrier.arrive $0xFFFF;
	s2 =	simm.s32 @!p0 $0x1C0D  }
0x2e0: {  	[timem:s3], [sflag:s2] =	dma.local @!p0 [hbm:s0], s1  }
0x2e1: {  	s0 =	simm.s32 @!p0 $0xD  }
0x2e2: {  	_ =	swait.ge @!p0 [sflag:s0], s1  }
0x2e3: {  	s1 =	ssub.s32 @!p0 $0x0, s1;
	[sflag:s0] =	ssyncset.done @!p0 $0x0  }
0x2e4: {  	[sflag:s0] =	ssyncadd.s32 @!p0 s1  }
0x2e5: {  	[bflag:$0x3] =	sbarrier.arrive $0xFFFF  }
0x2e6: {  	_ =	shalt  }

</sc_bundles>
